<compile_context>
chip_gen: v7x
topology: tpu7x:2x2x1
jax: 0.10.2.dev20260603
libtpu: 0.0.44.dev20260713+nightly
codegen_flags: <defaults>
</compile_context>

<pallas_src>
import functools

import jax
import jax.numpy as jnp
from jax import lax
from jax.experimental import pallas as pl
from jax.experimental.pallas import tpu as pltpu
from jax.experimental.pallas import tpu_sc as plsc

N_TOKENS = 4096
IN_DIM = 256
QUERY_DIM = 256
HALF_DIM = 128
CB = 1024
K = 32
VDIM = 64
BLK = 1024

NEG = float("-inf")


def _topk32_2(sa, sb, ncols):
    bsz = sa.shape[0]
    cols = lax.broadcasted_iota(jnp.int32, (bsz, ncols), 1)
    tcol = lax.broadcasted_iota(jnp.int32, (bsz, K), 1)

    def step(t, carry):
        sa, sb, va, ia, vb, ib = carry
        ma = jnp.max(sa, axis=1)
        mb = jnp.max(sb, axis=1)
        pa = jnp.min(jnp.where(sa == ma[:, None], cols, ncols), axis=1)
        pb = jnp.min(jnp.where(sb == mb[:, None], cols, ncols), axis=1)
        va = jnp.where(tcol == t, ma[:, None], va)
        vb = jnp.where(tcol == t, mb[:, None], vb)
        ia = jnp.where(tcol == t, pa[:, None], ia)
        ib = jnp.where(tcol == t, pb[:, None], ib)
        sa = jnp.where(cols == pa[:, None], NEG, sa)
        sb = jnp.where(cols == pb[:, None], NEG, sb)
        return sa, sb, va, ia, vb, ib

    def body(u, carry):
        for r in range(4):
            carry = step(u * 4 + r, carry)
        return carry

    zf = jnp.full((bsz, K), NEG, jnp.float32)
    zi = jnp.zeros((bsz, K), jnp.int32)
    _, _, va, ia, vb, ib = lax.fori_loop(
        0, K // 4, body, (sa, sb, zf, zi, zf, zi))
    return va, ia, vb, ib


def _tc_body(q_ref, wq_ref, bq_ref, ca_ref, cb_ref, scale_ref,
             idx_out, scores_out, w_out):
    f32 = jnp.float32
    q = jnp.dot(q_ref[:], wq_ref[:], preferred_element_type=f32) + bq_ref[:]
    qa = q[:, :HALF_DIM]
    qb = q[:, HALF_DIM:]
    dn = (((1,), (1,)), ((), ()))
    sa = lax.dot_general(qa, ca_ref[:], dn, preferred_element_type=f32)
    sb = lax.dot_general(qb, cb_ref[:], dn, preferred_element_type=f32)

    top_sa, idx_a, top_sb, idx_b = _topk32_2(sa, sb, CB)

    bsz = top_sa.shape[0]
    seg_w = [32, 16, 12, 8, 8, 8, 4, 4, 4, 4, 2, 2, 2, 2, 2, 2]
    segs = []
    for i, w in enumerate(seg_w):
        segs.append(top_sb[:, :w] + top_sa[:, i:i + 1])
    segs.append(top_sa[:, 16:K] + top_sb[:, 0:1])
    cand = jnp.concatenate(segs, axis=1)
    ncand = cand.shape[1]
    starts = []
    acc = 0
    for w in seg_w:
        starts.append(acc)
        acc += w
    tail_start = acc

    ccol = lax.broadcasted_iota(jnp.int32, (bsz, ncand), 1)
    tcol = lax.broadcasted_iota(jnp.int32, (bsz, K), 1)

    def pstep(t, carry):
        cand, vals, ps = carry
        m = jnp.max(cand, axis=1)
        p = jnp.min(jnp.where(cand == m[:, None], ccol, ncand), axis=1)
        vals = jnp.where(tcol == t, m[:, None], vals)
        ps = jnp.where(tcol == t, p[:, None], ps)
        cand = jnp.where(ccol == p[:, None], NEG, cand)
        return cand, vals, ps

    def pbody(u, carry):
        for r in range(4):
            carry = pstep(u * 4 + r, carry)
        return carry

    init = (cand, jnp.full((bsz, K), NEG, jnp.float32),
            jnp.zeros((bsz, K), jnp.int32))
    _, vals, ps = lax.fori_loop(0, K // 4, pbody, init)

    seg_i = jnp.zeros(ps.shape, jnp.int32)
    seg_start = jnp.zeros(ps.shape, jnp.int32)
    for k in range(1, len(starts)):
        ge = (ps >= starts[k]).astype(jnp.int32)
        seg_i = seg_i + ge
        seg_start = seg_start + ge * (starts[k] - starts[k - 1])
    in_tail = ps >= tail_start
    pa = jnp.where(in_tail, ps - (tail_start - 16), seg_i)
    pb = jnp.where(in_tail, 0, ps - seg_start)
    ia = jnp.zeros(ps.shape, jnp.int32)
    ib = jnp.zeros(ps.shape, jnp.int32)
    for i in range(K):
        ia = ia + jnp.where(pa == i, idx_a[:, i:i + 1], 0)
        ib = ib + jnp.where(pb == i, idx_b[:, i:i + 1], 0)
    idxs = ia * CB + ib

    e = jnp.exp(vals - vals[:, 0:1])
    w = e / jnp.sum(e, axis=1, keepdims=True) * scale_ref[0, 0]

    idx_out[:] = idxs
    scores_out[:] = vals
    w_out[:] = w


def _tc_stage(queries, Wq, bq2, ca, cb, scale2):
    grid = (N_TOKENS // BLK,)
    return pl.pallas_call(
        _tc_body,
        grid=grid,
        in_specs=[
            pl.BlockSpec((BLK, IN_DIM), lambda i: (i, 0)),
            pl.BlockSpec((IN_DIM, QUERY_DIM), lambda i: (0, 0)),
            pl.BlockSpec((1, QUERY_DIM), lambda i: (0, 0)),
            pl.BlockSpec((CB, HALF_DIM), lambda i: (0, 0)),
            pl.BlockSpec((CB, HALF_DIM), lambda i: (0, 0)),
            pl.BlockSpec(memory_space=pltpu.SMEM),
        ],
        out_specs=[
            pl.BlockSpec((BLK, K), lambda i: (i, 0)),
            pl.BlockSpec((BLK, K), lambda i: (i, 0)),
            pl.BlockSpec((BLK, K), lambda i: (i, 0)),
        ],
        out_shape=[
            jax.ShapeDtypeStruct((N_TOKENS, K), jnp.int32),
            jax.ShapeDtypeStruct((N_TOKENS, K), jnp.float32),
            jax.ShapeDtypeStruct((N_TOKENS, K), jnp.float32),
        ],
    )(queries, Wq, bq2, ca, cb, scale2)



NC = 2
NS = 16
NW = NC * NS
TOK_PER_W = N_TOKENS // NW
CHUNK_ROWS = 128
TOK_PER_CHUNK = CHUNK_ROWS // K
N_CHUNKS = TOK_PER_W // TOK_PER_CHUNK


def _sc_stage(values, idx_flat, wexp):
    mesh = plsc.VectorSubcoreMesh(core_axis_name="c", subcore_axis_name="s")

    @functools.partial(
        pl.kernel,
        mesh=mesh,
        out_type=jax.ShapeDtypeStruct((N_TOKENS, VDIM), jnp.float32),
        scratch_types=[
            pltpu.VMEM((CHUNK_ROWS,), jnp.int32),
            pltpu.VMEM((CHUNK_ROWS,), jnp.int32),
            pltpu.VMEM((CHUNK_ROWS, VDIM), jnp.float32),
            pltpu.VMEM((CHUNK_ROWS, VDIM), jnp.float32),
            pltpu.VMEM((2 * CHUNK_ROWS, 16), jnp.float32),
            pltpu.VMEM((2 * TOK_PER_CHUNK, VDIM), jnp.float32),
            pltpu.SemaphoreType.DMA,
        ],
        compiler_params=pltpu.CompilerParams(use_tc_tiling_on_sc=False),
    )
    def sc_k(vals_hbm, idx_hbm, w_hbm, out_hbm, idx_v0, idx_v1,
             rows_v0, rows_v1, w_v, out_v, sem):
        wid = lax.axis_index("s") * NC + lax.axis_index("c")

        def chunk_body(cix, _):
            off = wid * (TOK_PER_W * K) + cix * (2 * CHUNK_ROWS)
            pltpu.sync_copy(idx_hbm.at[pl.ds(off, CHUNK_ROWS)], idx_v0)
            cp0 = pltpu.async_copy(vals_hbm.at[idx_v0], rows_v0, sem)
            pltpu.sync_copy(
                idx_hbm.at[pl.ds(off + CHUNK_ROWS, CHUNK_ROWS)], idx_v1)
            cp1 = pltpu.async_copy(vals_hbm.at[idx_v1], rows_v1, sem)
            pltpu.sync_copy(w_hbm.at[pl.ds(off, 2 * CHUNK_ROWS)], w_v)
            cp0.wait()
            cp1.wait()
            for half, rows_v in ((0, rows_v0), (1, rows_v1)):
                for t in range(TOK_PER_CHUNK):
                    def n_body(n, acc):
                        rr = t * K + n
                        wv = w_v[half * CHUNK_ROWS + rr, :]
                        return (acc[0] + rows_v[rr, pl.ds(0, 16)] * wv,
                                acc[1] + rows_v[rr, pl.ds(16, 16)] * wv,
                                acc[2] + rows_v[rr, pl.ds(32, 16)] * wv,
                                acc[3] + rows_v[rr, pl.ds(48, 16)] * wv)
                    z = jnp.zeros((16,), jnp.float32)
                    a0, a1, a2, a3 = lax.fori_loop(0, K, n_body, (z, z, z, z))
                    tt = half * TOK_PER_CHUNK + t
                    out_v[tt, pl.ds(0, 16)] = a0
                    out_v[tt, pl.ds(16, 16)] = a1
                    out_v[tt, pl.ds(32, 16)] = a2
                    out_v[tt, pl.ds(48, 16)] = a3
            tok0 = wid * TOK_PER_W + cix * (2 * TOK_PER_CHUNK)
            pltpu.sync_copy(out_v, out_hbm.at[pl.ds(tok0, 2 * TOK_PER_CHUNK)])
            return 0

        lax.fori_loop(0, N_CHUNKS // 2, chunk_body, 0)

    return sc_k(values, idx_flat, wexp)


def kernel(queries, topk, codebook_a, codebook_b, values, value_scale, Wq, bq):
    del topk
    bq2 = jnp.reshape(bq, (1, QUERY_DIM))
    scale2 = jnp.reshape(jnp.asarray(value_scale, jnp.float32), (1, 1))
    idx, scores, w = _tc_stage(queries, Wq, bq2, codebook_a, codebook_b, scale2)

    wexp = jnp.broadcast_to(w[:, :, None], (N_TOKENS, K, 16)).reshape(N_TOKENS * K, 16)
    idx_flat = idx.reshape(N_TOKENS * K)
    weighted = _sc_stage(values, idx_flat, wexp)
    return weighted, idx, scores

# --- scband reference (transcript-rebuilt; emitter-appended) ---
"""Pipeline reference for scband-product-key-memory-30597347017054 (READ-ONLY COPY).

The authoritative reference and input builder live on the scoring server;
editing this copy changes nothing except your own understanding.
"""

import jax, jax.numpy as jnp
import numpy as np

CODEBOOK_SIZE = 1024
NUM_SLOTS = CODEBOOK_SIZE * CODEBOOK_SIZE
VALUE_DIM = 64
QUERY_DIM = 256
HALF_DIM = QUERY_DIM // 2
COARSE_TOPK = 64
N_TOKENS = 4096
IN_DIM = 256
TOPK_STATIC = 32


def setup_inputs(seed: int = 0) -> dict:
    key = jax.random.key(seed)
    ks = jax.random.split(key, 8)
    queries = jax.random.normal(ks[0], (N_TOKENS, IN_DIM), dtype=jnp.float32)
    codebook_a = jax.random.normal(ks[1], (CODEBOOK_SIZE, HALF_DIM), dtype=jnp.float32) * 0.02
    codebook_b = jax.random.normal(ks[2], (CODEBOOK_SIZE, HALF_DIM), dtype=jnp.float32) * 0.02
    values = jax.random.normal(ks[3], (NUM_SLOTS, VALUE_DIM), dtype=jnp.float32) * 0.02
    value_scale = jnp.array(0.01, dtype=jnp.float32)
    limit = np.sqrt(6.0 / (IN_DIM + QUERY_DIM))
    Wq = jax.random.uniform(ks[4], (IN_DIM, QUERY_DIM), dtype=jnp.float32, minval=-limit, maxval=limit)
    bq = jnp.zeros((QUERY_DIM,), dtype=jnp.float32)
    return {"queries": queries, "topk": 32, "codebook_a": codebook_a, "codebook_b": codebook_b, "values": values, "value_scale": value_scale, "Wq": Wq, "bq": bq}


def reference(queries, topk, codebook_a, codebook_b, values, value_scale, Wq, bq):
    q = jnp.dot(queries, Wq) + bq
    qa, qb = jnp.split(q, 2, axis=-1)
    ca = jax.lax.stop_gradient(codebook_a)
    cb = jax.lax.stop_gradient(codebook_b)
    score_a = jnp.dot(qa, ca.T)
    score_b = jnp.dot(qb, cb.T)
    k_coarse = min(COARSE_TOPK, score_a.shape[-1])
    top_sa, idx_a = jax.lax.top_k(score_a, k_coarse)
    top_sb, idx_b = jax.lax.top_k(score_b, k_coarse)

    topk_zero = jnp.asarray(topk, dtype=jnp.float32) * 0.0

    def combine(scores_a, scores_b, ia, ib):
        pair_scores = scores_a[:, None] + scores_b[None, :]
        pair_scores = pair_scores.reshape(-1)
        pair_idx = jnp.repeat(ia, scores_b.shape[0]) * CODEBOOK_SIZE + jnp.tile(ib, scores_a.shape[0])
        take = min(TOPK_STATIC, pair_scores.shape[0])
        best_scores, best_idx = jax.lax.top_k(pair_scores + topk_zero, take)
        gathered_idx = pair_idx[best_idx]
        return best_scores, gathered_idx

    scores, indices = jax.vmap(combine)(top_sa, top_sb, idx_a, idx_b)
    vals = jnp.take(values, indices, axis=0, mode='wrap')
    scale = jnp.asarray(value_scale)
    weighted = jnp.einsum('bn,bnd->bd', jax.nn.softmax(scores, axis=-1), vals * scale)
    return weighted, indices, scores

if __name__ == "__main__":
    import jax
    _d = setup_inputs()
    print(jax.jit(kernel)(*tuple(_d.values())))

</pallas_src>

<mosaic_0001>
#map = affine_map<(d0, d1) -> (0, 0)>
#map1 = affine_map<(d0, d1) -> (0)>
module attributes {stable_mosaic.version = 14 : i64} {
  func.func @sc_k(%arg0: i32, %arg1: i32, %arg2: memref<1048576x64xf32, #tpu.memory_space<hbm>>, %arg3: memref<131072xi32, #tpu.memory_space<hbm>>, %arg4: memref<131072x16xf32, #tpu.memory_space<hbm>>, %arg5: memref<4096x64xf32, #tpu.memory_space<hbm>>, %arg6: memref<128xi32, #tpu.memory_space<vmem>>, %arg7: memref<128xi32, #tpu.memory_space<vmem>>, %arg8: memref<128x64xf32, #tpu.memory_space<vmem>>, %arg9: memref<128x64xf32, #tpu.memory_space<vmem>>, %arg10: memref<256x16xf32, #tpu.memory_space<vmem>>, %arg11: memref<8x64xf32, #tpu.memory_space<vmem>>, %arg12: memref<!tpu.dma_semaphore, #tpu.memory_space<semaphore_mem>>) attributes {dimension_semantics = [#tpu.dimension_semantics<core_parallel>, #tpu.dimension_semantics<subcore_parallel>], iteration_bounds = array<i64: 2, 16>, scalar_prefetch = 0 : i64, scratch_operands = 7 : i64, tpu.core_type = #tpu.core_type<sc_vector_subcore>, window_params = [{transform_indices = #map}, {transform_indices = #map1}, {transform_indices = #map}, {transform_indices = #map}]} {
    %mul3A = arith.constant 2 : i32
    %mul3A_0 = arith.muli %arg1, %mul3A : i32
    %add3A = arith.addi %mul3A_0, %arg0 : i32
    %scan3A = arith.constant 0 : i32
    %scan3A_1 = arith.constant 0 : i32
    %scan3A_2 = arith.constant 16 : i32
    %scan3A_3 = arith.addi %scan3A_1, %scan3A_2 : i32
    %scan3A_4 = arith.constant 1 : i32
    %scan3A_5 = scf.for %scan3A_7 = %scan3A_1 to %scan3A_3 step %scan3A_4 iter_args(%scan3A_8 = %scan3A) -> (i32)  : i32 {
      %mul3A_9 = arith.constant 4096 : i32
      %mul3A_10 = arith.muli %add3A, %mul3A_9 : i32
      %mul3A_11 = arith.constant 256 : i32
      %mul3A_12 = arith.muli %scan3A_7, %mul3A_11 : i32
      %add3A_13 = arith.addi %mul3A_10, %mul3A_12 : i32
      "tpu.region"() ({
        %run_scoped3A = tpu.sem_alloc : memref<!tpu.dma_semaphore, #tpu.memory_space<semaphore_mem>>
        %dma_start3A_286 = tpu.memref_slice %arg3[%add3A_13] : memref<131072xi32, #tpu.memory_space<hbm>> -> memref<128xi32, #tpu.memory_space<hbm>>
        %dma_start3A_287 = tpu.memref_slice %arg3[%add3A_13] : memref<131072xi32, #tpu.memory_space<hbm>> -> memref<128xi32, #tpu.memory_space<hbm>>
        tpu.enqueue_dma source(%dma_start3A_287 : memref<128xi32, #tpu.memory_space<hbm>>) target(%arg6 : memref<128xi32, #tpu.memory_space<vmem>>) target_semaphore(%run_scoped3A : memref<!tpu.dma_semaphore, #tpu.memory_space<semaphore_mem>>)
        %dma_wait3A_288 = tpu.memref_slice %arg3[%add3A_13] : memref<131072xi32, #tpu.memory_space<hbm>> -> memref<128xi32, #tpu.memory_space<hbm>>
        %dma_wait3A_289 = tpu.memref_slice %arg3[%add3A_13] : memref<131072xi32, #tpu.memory_space<hbm>> -> memref<128xi32, #tpu.memory_space<hbm>>
        tpu.wait_dma2 semaphore(%run_scoped3A : memref<!tpu.dma_semaphore, #tpu.memory_space<semaphore_mem>>) src(%dma_wait3A_289 : memref<128xi32, #tpu.memory_space<hbm>>) dst(%arg6 : memref<128xi32, #tpu.memory_space<vmem>>)
        tpu.yield
      }) : () -> ()
      %dma_start3A = arith.constant 0 : i32
      %dma_start3A_14 = arith.constant 0 : i32
      %dma_start3A_15 = tpu.memref_slice %arg2[%dma_start3A, %dma_start3A_14] : memref<1048576x64xf32, #tpu.memory_space<hbm>> -> memref<1048576x64xf32, #tpu.memory_space<hbm>>
      tpu.enqueue_indirect_dma source(%dma_start3A_15 : memref<1048576x64xf32, #tpu.memory_space<hbm>>) target(%arg8 : memref<128x64xf32, #tpu.memory_space<vmem>>) offsets(%arg6 : memref<128xi32, #tpu.memory_space<vmem>>) semaphore(%arg12 : memref<!tpu.dma_semaphore, #tpu.memory_space<semaphore_mem>>)
      %add3A_16 = arith.constant 128 : i32
      %add3A_17 = arith.addi %add3A_13, %add3A_16 : i32
      "tpu.region"() ({
        %run_scoped3A = tpu.sem_alloc : memref<!tpu.dma_semaphore, #tpu.memory_space<semaphore_mem>>
        %dma_start3A_286 = tpu.memref_slice %arg3[%add3A_17] : memref<131072xi32, #tpu.memory_space<hbm>> -> memref<128xi32, #tpu.memory_space<hbm>>
        %dma_start3A_287 = tpu.memref_slice %arg3[%add3A_17] : memref<131072xi32, #tpu.memory_space<hbm>> -> memref<128xi32, #tpu.memory_space<hbm>>
        tpu.enqueue_dma source(%dma_start3A_287 : memref<128xi32, #tpu.memory_space<hbm>>) target(%arg7 : memref<128xi32, #tpu.memory_space<vmem>>) target_semaphore(%run_scoped3A : memref<!tpu.dma_semaphore, #tpu.memory_space<semaphore_mem>>)
        %dma_wait3A_288 = tpu.memref_slice %arg3[%add3A_17] : memref<131072xi32, #tpu.memory_space<hbm>> -> memref<128xi32, #tpu.memory_space<hbm>>
        %dma_wait3A_289 = tpu.memref_slice %arg3[%add3A_17] : memref<131072xi32, #tpu.memory_space<hbm>> -> memref<128xi32, #tpu.memory_space<hbm>>
        tpu.wait_dma2 semaphore(%run_scoped3A : memref<!tpu.dma_semaphore, #tpu.memory_space<semaphore_mem>>) src(%dma_wait3A_289 : memref<128xi32, #tpu.memory_space<hbm>>) dst(%arg7 : memref<128xi32, #tpu.memory_space<vmem>>)
        tpu.yield
      }) : () -> ()
      %dma_start3A_18 = arith.constant 0 : i32
      %dma_start3A_19 = arith.constant 0 : i32
      %dma_start3A_20 = tpu.memref_slice %arg2[%dma_start3A_18, %dma_start3A_19] : memref<1048576x64xf32, #tpu.memory_space<hbm>> -> memref<1048576x64xf32, #tpu.memory_space<hbm>>
      tpu.enqueue_indirect_dma source(%dma_start3A_20 : memref<1048576x64xf32, #tpu.memory_space<hbm>>) target(%arg9 : memref<128x64xf32, #tpu.memory_space<vmem>>) offsets(%arg7 : memref<128xi32, #tpu.memory_space<vmem>>) semaphore(%arg12 : memref<!tpu.dma_semaphore, #tpu.memory_space<semaphore_mem>>)
      "tpu.region"() ({
        %run_scoped3A = tpu.sem_alloc : memref<!tpu.dma_semaphore, #tpu.memory_space<semaphore_mem>>
        %dma_start3A_286 = arith.constant 0 : i32
        %dma_start3A_287 = tpu.memref_slice %arg4[%add3A_13, %dma_start3A_286] : memref<131072x16xf32, #tpu.memory_space<hbm>> -> memref<256x16xf32, #tpu.memory_space<hbm>>
        %dma_start3A_288 = arith.constant 0 : i32
        %dma_start3A_289 = tpu.memref_slice %arg4[%add3A_13, %dma_start3A_288] : memref<131072x16xf32, #tpu.memory_space<hbm>> -> memref<256x16xf32, #tpu.memory_space<hbm>>
        tpu.enqueue_dma source(%dma_start3A_289 : memref<256x16xf32, #tpu.memory_space<hbm>>) target(%arg10 : memref<256x16xf32, #tpu.memory_space<vmem>>) target_semaphore(%run_scoped3A : memref<!tpu.dma_semaphore, #tpu.memory_space<semaphore_mem>>)
        %dma_wait3A_290 = arith.constant 0 : i32
        %dma_wait3A_291 = tpu.memref_slice %arg4[%add3A_13, %dma_wait3A_290] : memref<131072x16xf32, #tpu.memory_space<hbm>> -> memref<256x16xf32, #tpu.memory_space<hbm>>
        %dma_wait3A_292 = arith.constant 0 : i32
        %dma_wait3A_293 = tpu.memref_slice %arg4[%add3A_13, %dma_wait3A_292] : memref<131072x16xf32, #tpu.memory_space<hbm>> -> memref<256x16xf32, #tpu.memory_space<hbm>>
        tpu.wait_dma2 semaphore(%run_scoped3A : memref<!tpu.dma_semaphore, #tpu.memory_space<semaphore_mem>>) src(%dma_wait3A_293 : memref<256x16xf32, #tpu.memory_space<hbm>>) dst(%arg10 : memref<256x16xf32, #tpu.memory_space<vmem>>)
        tpu.yield
      }) : () -> ()
      %dma_wait3A = arith.constant 0 : i32
      %dma_wait3A_21 = arith.constant 0 : i32
      %dma_wait3A_22 = tpu.memref_slice %arg2[%dma_wait3A, %dma_wait3A_21] : memref<1048576x64xf32, #tpu.memory_space<hbm>> -> memref<1048576x64xf32, #tpu.memory_space<hbm>>
      tpu.wait_indirect_dma semaphore(%arg12 : memref<!tpu.dma_semaphore, #tpu.memory_space<semaphore_mem>>) src(%dma_wait3A_22 : memref<1048576x64xf32, #tpu.memory_space<hbm>>) dst(%arg8 : memref<128x64xf32, #tpu.memory_space<vmem>>)
      %dma_wait3A_23 = arith.constant 0 : i32
      %dma_wait3A_24 = arith.constant 0 : i32
      %dma_wait3A_25 = tpu.memref_slice %arg2[%dma_wait3A_23, %dma_wait3A_24] : memref<1048576x64xf32, #tpu.memory_space<hbm>> -> memref<1048576x64xf32, #tpu.memory_space<hbm>>
      tpu.wait_indirect_dma semaphore(%arg12 : memref<!tpu.dma_semaphore, #tpu.memory_space<semaphore_mem>>) src(%dma_wait3A_25 : memref<1048576x64xf32, #tpu.memory_space<hbm>>) dst(%arg9 : memref<128x64xf32, #tpu.memory_space<vmem>>)
      %broadcast_in_dim3A = arith.constant 0.000000e+00 : f32
      %broadcast_in_dim3A_26 = vector.broadcast %broadcast_in_dim3A : f32 to vector<16xf32>
      %scan3A_27 = arith.constant 0 : i32
      %scan3A_28 = arith.constant 32 : i32
      %scan3A_29 = arith.addi %scan3A_27, %scan3A_28 : i32
      %scan3A_30 = arith.constant 1 : i32
      %scan3A_31:4 = scf.for %scan3A_286 = %scan3A_27 to %scan3A_29 step %scan3A_30 iter_args(%scan3A_287 = %broadcast_in_dim3A_26, %scan3A_288 = %broadcast_in_dim3A_26, %scan3A_289 = %broadcast_in_dim3A_26, %scan3A_290 = %broadcast_in_dim3A_26) -> (vector<16xf32>, vector<16xf32>, vector<16xf32>, vector<16xf32>)  : i32 {
        %add3A_291 = arith.constant 0 : i32
        %add3A_292 = arith.addi %add3A_291, %scan3A_286 : i32
        %add3A_293 = arith.constant 0 : i32
        %add3A_294 = arith.addi %add3A_293, %add3A_292 : i32
        %get3A = arith.index_cast %add3A_294 : i32 to index
        %get3A_295 = arith.constant 0 : index
        %get3A_296 = tpu.vector_load %arg10[%get3A, %get3A_295] {strides = array<i32>} : memref<256x16xf32, #tpu.memory_space<vmem>>, vector<1x16xf32>,
        %get3A_297 = vector.shape_cast %get3A_296 : vector<1x16xf32> to vector<16xf32>
        %get3A_298 = arith.index_cast %add3A_292 : i32 to index
        %get3A_299 = arith.constant 0 : index
        %get3A_300 = tpu.vector_load %arg8[%get3A_298, %get3A_299] {strides = array<i32>} : memref<128x64xf32, #tpu.memory_space<vmem>>, vector<1x16xf32>,
        %get3A_301 = vector.shape_cast %get3A_300 : vector<1x16xf32> to vector<16xf32>
        %mul3A_302 = arith.mulf %get3A_301, %get3A_297 : vector<16xf32>
        %add3A_303 = arith.addf %scan3A_287, %mul3A_302 : vector<16xf32>
        %get3A_304 = arith.index_cast %add3A_292 : i32 to index
        %get3A_305 = arith.constant 16 : index
        %get3A_306 = tpu.vector_load %arg8[%get3A_304, %get3A_305] {strides = array<i32>} : memref<128x64xf32, #tpu.memory_space<vmem>>, vector<1x16xf32>,
        %get3A_307 = vector.shape_cast %get3A_306 : vector<1x16xf32> to vector<16xf32>
        %mul3A_308 = arith.mulf %get3A_307, %get3A_297 : vector<16xf32>
        %add3A_309 = arith.addf %scan3A_288, %mul3A_308 : vector<16xf32>
        %get3A_310 = arith.index_cast %add3A_292 : i32 to index
        %get3A_311 = arith.constant 32 : index
        %get3A_312 = tpu.vector_load %arg8[%get3A_310, %get3A_311] {strides = array<i32>} : memref<128x64xf32, #tpu.memory_space<vmem>>, vector<1x16xf32>,
        %get3A_313 = vector.shape_cast %get3A_312 : vector<1x16xf32> to vector<16xf32>
        %mul3A_314 = arith.mulf %get3A_313, %get3A_297 : vector<16xf32>
        %add3A_315 = arith.addf %scan3A_289, %mul3A_314 : vector<16xf32>
        %get3A_316 = arith.index_cast %add3A_292 : i32 to index
        %get3A_317 = arith.constant 48 : index
        %get3A_318 = tpu.vector_load %arg8[%get3A_316, %get3A_317] {strides = array<i32>} : memref<128x64xf32, #tpu.memory_space<vmem>>, vector<1x16xf32>,
        %get3A_319 = vector.shape_cast %get3A_318 : vector<1x16xf32> to vector<16xf32>
        %mul3A_320 = arith.mulf %get3A_319, %get3A_297 : vector<16xf32>
        %add3A_321 = arith.addf %scan3A_290, %mul3A_320 : vector<16xf32>
        scf.yield %add3A_303, %add3A_309, %add3A_315, %add3A_321 : vector<16xf32>, vector<16xf32>, vector<16xf32>, vector<16xf32>
      }
      %scan3A_32 = arith.constant 32 : i32
      %swap3A = arith.constant 0 : i32
      %swap3A_33 = arith.index_cast %swap3A : i32 to index
      %swap3A_34 = arith.constant 0 : index
      %swap3A_35 = tpu.vector_load %arg11[%swap3A_33, %swap3A_34] {strides = array<i32>} : memref<8x64xf32, #tpu.memory_space<vmem>>, vector<1x16xf32>,
      %swap3A_36 = vector.shape_cast %swap3A_35 : vector<1x16xf32> to vector<16xf32>
      %swap3A_37 = vector.shape_cast %scan3A_31#0 : vector<16xf32> to vector<1x16xf32>
      tpu.vector_store %arg11[%swap3A_33, %swap3A_34], %swap3A_37 {strides = array<i32>} : memref<8x64xf32, #tpu.memory_space<vmem>>, vector<1x16xf32>,
      %swap3A_38 = arith.constant 0 : i32
      %swap3A_39 = arith.index_cast %swap3A_38 : i32 to index
      %swap3A_40 = arith.constant 16 : index
      %swap3A_41 = tpu.vector_load %arg11[%swap3A_39, %swap3A_40] {strides = array<i32>} : memref<8x64xf32, #tpu.memory_space<vmem>>, vector<1x16xf32>,
      %swap3A_42 = vector.shape_cast %swap3A_41 : vector<1x16xf32> to vector<16xf32>
      %swap3A_43 = vector.shape_cast %scan3A_31#1 : vector<16xf32> to vector<1x16xf32>
      tpu.vector_store %arg11[%swap3A_39, %swap3A_40], %swap3A_43 {strides = array<i32>} : memref<8x64xf32, #tpu.memory_space<vmem>>, vector<1x16xf32>,
      %swap3A_44 = arith.constant 0 : i32
      %swap3A_45 = arith.index_cast %swap3A_44 : i32 to index
      %swap3A_46 = arith.constant 32 : index
      %swap3A_47 = tpu.vector_load %arg11[%swap3A_45, %swap3A_46] {strides = array<i32>} : memref<8x64xf32, #tpu.memory_space<vmem>>, vector<1x16xf32>,
      %swap3A_48 = vector.shape_cast %swap3A_47 : vector<1x16xf32> to vector<16xf32>
      %swap3A_49 = vector.shape_cast %scan3A_31#2 : vector<16xf32> to vector<1x16xf32>
      tpu.vector_store %arg11[%swap3A_45, %swap3A_46], %swap3A_49 {strides = array<i32>} : memref<8x64xf32, #tpu.memory_space<vmem>>, vector<1x16xf32>,
      %swap3A_50 = arith.constant 0 : i32
      %swap3A_51 = arith.index_cast %swap3A_50 : i32 to index
      %swap3A_52 = arith.constant 48 : index
      %swap3A_53 = tpu.vector_load %arg11[%swap3A_51, %swap3A_52] {strides = array<i32>} : memref<8x64xf32, #tpu.memory_space<vmem>>, vector<1x16xf32>,
      %swap3A_54 = vector.shape_cast %swap3A_53 : vector<1x16xf32> to vector<16xf32>
      %swap3A_55 = vector.shape_cast %scan3A_31#3 : vector<16xf32> to vector<1x16xf32>
      tpu.vector_store %arg11[%swap3A_51, %swap3A_52], %swap3A_55 {strides = array<i32>} : memref<8x64xf32, #tpu.memory_space<vmem>>, vector<1x16xf32>,
      %broadcast_in_dim3A_56 = arith.constant 0.000000e+00 : f32
      %broadcast_in_dim3A_57 = vector.broadcast %broadcast_in_dim3A_56 : f32 to vector<16xf32>
      %scan3A_58 = arith.constant 0 : i32
      %scan3A_59 = arith.constant 32 : i32
      %scan3A_60 = arith.addi %scan3A_58, %scan3A_59 : i32
      %scan3A_61 = arith.constant 1 : i32
      %scan3A_62:4 = scf.for %scan3A_286 = %scan3A_58 to %scan3A_60 step %scan3A_61 iter_args(%scan3A_287 = %broadcast_in_dim3A_57, %scan3A_288 = %broadcast_in_dim3A_57, %scan3A_289 = %broadcast_in_dim3A_57, %scan3A_290 = %broadcast_in_dim3A_57) -> (vector<16xf32>, vector<16xf32>, vector<16xf32>, vector<16xf32>)  : i32 {
        %add3A_291 = arith.constant 32 : i32
        %add3A_292 = arith.addi %add3A_291, %scan3A_286 : i32
        %add3A_293 = arith.constant 0 : i32
        %add3A_294 = arith.addi %add3A_293, %add3A_292 : i32
        %get3A = arith.index_cast %add3A_294 : i32 to index
        %get3A_295 = arith.constant 0 : index
        %get3A_296 = tpu.vector_load %arg10[%get3A, %get3A_295] {strides = array<i32>} : memref<256x16xf32, #tpu.memory_space<vmem>>, vector<1x16xf32>,
        %get3A_297 = vector.shape_cast %get3A_296 : vector<1x16xf32> to vector<16xf32>
        %get3A_298 = arith.index_cast %add3A_292 : i32 to index
        %get3A_299 = arith.constant 0 : index
        %get3A_300 = tpu.vector_load %arg8[%get3A_298, %get3A_299] {strides = array<i32>} : memref<128x64xf32, #tpu.memory_space<vmem>>, vector<1x16xf32>,
        %get3A_301 = vector.shape_cast %get3A_300 : vector<1x16xf32> to vector<16xf32>
        %mul3A_302 = arith.mulf %get3A_301, %get3A_297 : vector<16xf32>
        %add3A_303 = arith.addf %scan3A_287, %mul3A_302 : vector<16xf32>
        %get3A_304 = arith.index_cast %add3A_292 : i32 to index
        %get3A_305 = arith.constant 16 : index
        %get3A_306 = tpu.vector_load %arg8[%get3A_304, %get3A_305] {strides = array<i32>} : memref<128x64xf32, #tpu.memory_space<vmem>>, vector<1x16xf32>,
        %get3A_307 = vector.shape_cast %get3A_306 : vector<1x16xf32> to vector<16xf32>
        %mul3A_308 = arith.mulf %get3A_307, %get3A_297 : vector<16xf32>
        %add3A_309 = arith.addf %scan3A_288, %mul3A_308 : vector<16xf32>
        %get3A_310 = arith.index_cast %add3A_292 : i32 to index
        %get3A_311 = arith.constant 32 : index
        %get3A_312 = tpu.vector_load %arg8[%get3A_310, %get3A_311] {strides = array<i32>} : memref<128x64xf32, #tpu.memory_space<vmem>>, vector<1x16xf32>,
        %get3A_313 = vector.shape_cast %get3A_312 : vector<1x16xf32> to vector<16xf32>
        %mul3A_314 = arith.mulf %get3A_313, %get3A_297 : vector<16xf32>
        %add3A_315 = arith.addf %scan3A_289, %mul3A_314 : vector<16xf32>
        %get3A_316 = arith.index_cast %add3A_292 : i32 to index
        %get3A_317 = arith.constant 48 : index
        %get3A_318 = tpu.vector_load %arg8[%get3A_316, %get3A_317] {strides = array<i32>} : memref<128x64xf32, #tpu.memory_space<vmem>>, vector<1x16xf32>,
        %get3A_319 = vector.shape_cast %get3A_318 : vector<1x16xf32> to vector<16xf32>
        %mul3A_320 = arith.mulf %get3A_319, %get3A_297 : vector<16xf32>
        %add3A_321 = arith.addf %scan3A_290, %mul3A_320 : vector<16xf32>
        scf.yield %add3A_303, %add3A_309, %add3A_315, %add3A_321 : vector<16xf32>, vector<16xf32>, vector<16xf32>, vector<16xf32>
      }
      %scan3A_63 = arith.constant 32 : i32
      %swap3A_64 = arith.constant 1 : i32
      %swap3A_65 = arith.index_cast %swap3A_64 : i32 to index
      %swap3A_66 = arith.constant 0 : index
      %swap3A_67 = tpu.vector_load %arg11[%swap3A_65, %swap3A_66] {strides = array<i32>} : memref<8x64xf32, #tpu.memory_space<vmem>>, vector<1x16xf32>,
      %swap3A_68 = vector.shape_cast %swap3A_67 : vector<1x16xf32> to vector<16xf32>
      %swap3A_69 = vector.shape_cast %scan3A_62#0 : vector<16xf32> to vector<1x16xf32>
      tpu.vector_store %arg11[%swap3A_65, %swap3A_66], %swap3A_69 {strides = array<i32>} : memref<8x64xf32, #tpu.memory_space<vmem>>, vector<1x16xf32>,
      %swap3A_70 = arith.constant 1 : i32
      %swap3A_71 = arith.index_cast %swap3A_70 : i32 to index
      %swap3A_72 = arith.constant 16 : index
      %swap3A_73 = tpu.vector_load %arg11[%swap3A_71, %swap3A_72] {strides = array<i32>} : memref<8x64xf32, #tpu.memory_space<vmem>>, vector<1x16xf32>,
      %swap3A_74 = vector.shape_cast %swap3A_73 : vector<1x16xf32> to vector<16xf32>
      %swap3A_75 = vector.shape_cast %scan3A_62#1 : vector<16xf32> to vector<1x16xf32>
      tpu.vector_store %arg11[%swap3A_71, %swap3A_72], %swap3A_75 {strides = array<i32>} : memref<8x64xf32, #tpu.memory_space<vmem>>, vector<1x16xf32>,
      %swap3A_76 = arith.constant 1 : i32
      %swap3A_77 = arith.index_cast %swap3A_76 : i32 to index
      %swap3A_78 = arith.constant 32 : index
      %swap3A_79 = tpu.vector_load %arg11[%swap3A_77, %swap3A_78] {strides = array<i32>} : memref<8x64xf32, #tpu.memory_space<vmem>>, vector<1x16xf32>,
      %swap3A_80 = vector.shape_cast %swap3A_79 : vector<1x16xf32> to vector<16xf32>
      %swap3A_81 = vector.shape_cast %scan3A_62#2 : vector<16xf32> to vector<1x16xf32>
      tpu.vector_store %arg11[%swap3A_77, %swap3A_78], %swap3A_81 {strides = array<i32>} : memref<8x64xf32, #tpu.memory_space<vmem>>, vector<1x16xf32>,
      %swap3A_82 = arith.constant 1 : i32
      %swap3A_83 = arith.index_cast %swap3A_82 : i32 to index
      %swap3A_84 = arith.constant 48 : index
      %swap3A_85 = tpu.vector_load %arg11[%swap3A_83, %swap3A_84] {strides = array<i32>} : memref<8x64xf32, #tpu.memory_space<vmem>>, vector<1x16xf32>,
      %swap3A_86 = vector.shape_cast %swap3A_85 : vector<1x16xf32> to vector<16xf32>
      %swap3A_87 = vector.shape_cast %scan3A_62#3 : vector<16xf32> to vector<1x16xf32>
      tpu.vector_store %arg11[%swap3A_83, %swap3A_84], %swap3A_87 {strides = array<i32>} : memref<8x64xf32, #tpu.memory_space<vmem>>, vector<1x16xf32>,
      %broadcast_in_dim3A_88 = arith.constant 0.000000e+00 : f32
      %broadcast_in_dim3A_89 = vector.broadcast %broadcast_in_dim3A_88 : f32 to vector<16xf32>
      %scan3A_90 = arith.constant 0 : i32
      %scan3A_91 = arith.constant 32 : i32
      %scan3A_92 = arith.addi %scan3A_90, %scan3A_91 : i32
      %scan3A_93 = arith.constant 1 : i32
      %scan3A_94:4 = scf.for %scan3A_286 = %scan3A_90 to %scan3A_92 step %scan3A_93 iter_args(%scan3A_287 = %broadcast_in_dim3A_89, %scan3A_288 = %broadcast_in_dim3A_89, %scan3A_289 = %broadcast_in_dim3A_89, %scan3A_290 = %broadcast_in_dim3A_89) -> (vector<16xf32>, vector<16xf32>, vector<16xf32>, vector<16xf32>)  : i32 {
        %add3A_291 = arith.constant 64 : i32
        %add3A_292 = arith.addi %add3A_291, %scan3A_286 : i32
        %add3A_293 = arith.constant 0 : i32
        %add3A_294 = arith.addi %add3A_293, %add3A_292 : i32
        %get3A = arith.index_cast %add3A_294 : i32 to index
        %get3A_295 = arith.constant 0 : index
        %get3A_296 = tpu.vector_load %arg10[%get3A, %get3A_295] {strides = array<i32>} : memref<256x16xf32, #tpu.memory_space<vmem>>, vector<1x16xf32>,
        %get3A_297 = vector.shape_cast %get3A_296 : vector<1x16xf32> to vector<16xf32>
        %get3A_298 = arith.index_cast %add3A_292 : i32 to index
        %get3A_299 = arith.constant 0 : index
        %get3A_300 = tpu.vector_load %arg8[%get3A_298, %get3A_299] {strides = array<i32>} : memref<128x64xf32, #tpu.memory_space<vmem>>, vector<1x16xf32>,
        %get3A_301 = vector.shape_cast %get3A_300 : vector<1x16xf32> to vector<16xf32>
        %mul3A_302 = arith.mulf %get3A_301, %get3A_297 : vector<16xf32>
        %add3A_303 = arith.addf %scan3A_287, %mul3A_302 : vector<16xf32>
        %get3A_304 = arith.index_cast %add3A_292 : i32 to index
        %get3A_305 = arith.constant 16 : index
        %get3A_306 = tpu.vector_load %arg8[%get3A_304, %get3A_305] {strides = array<i32>} : memref<128x64xf32, #tpu.memory_space<vmem>>, vector<1x16xf32>,
        %get3A_307 = vector.shape_cast %get3A_306 : vector<1x16xf32> to vector<16xf32>
        %mul3A_308 = arith.mulf %get3A_307, %get3A_297 : vector<16xf32>
        %add3A_309 = arith.addf %scan3A_288, %mul3A_308 : vector<16xf32>
        %get3A_310 = arith.index_cast %add3A_292 : i32 to index
        %get3A_311 = arith.constant 32 : index
        %get3A_312 = tpu.vector_load %arg8[%get3A_310, %get3A_311] {strides = array<i32>} : memref<128x64xf32, #tpu.memory_space<vmem>>, vector<1x16xf32>,
        %get3A_313 = vector.shape_cast %get3A_312 : vector<1x16xf32> to vector<16xf32>
        %mul3A_314 = arith.mulf %get3A_313, %get3A_297 : vector<16xf32>
        %add3A_315 = arith.addf %scan3A_289, %mul3A_314 : vector<16xf32>
        %get3A_316 = arith.index_cast %add3A_292 : i32 to index
        %get3A_317 = arith.constant 48 : index
        %get3A_318 = tpu.vector_load %arg8[%get3A_316, %get3A_317] {strides = array<i32>} : memref<128x64xf32, #tpu.memory_space<vmem>>, vector<1x16xf32>,
        %get3A_319 = vector.shape_cast %get3A_318 : vector<1x16xf32> to vector<16xf32>
        %mul3A_320 = arith.mulf %get3A_319, %get3A_297 : vector<16xf32>
        %add3A_321 = arith.addf %scan3A_290, %mul3A_320 : vector<16xf32>
        scf.yield %add3A_303, %add3A_309, %add3A_315, %add3A_321 : vector<16xf32>, vector<16xf32>, vector<16xf32>, vector<16xf32>
      }
      %scan3A_95 = arith.constant 32 : i32
      %swap3A_96 = arith.constant 2 : i32
      %swap3A_97 = arith.index_cast %swap3A_96 : i32 to index
      %swap3A_98 = arith.constant 0 : index
      %swap3A_99 = tpu.vector_load %arg11[%swap3A_97, %swap3A_98] {strides = array<i32>} : memref<8x64xf32, #tpu.memory_space<vmem>>, vector<1x16xf32>,
      %swap3A_100 = vector.shape_cast %swap3A_99 : vector<1x16xf32> to vector<16xf32>
      %swap3A_101 = vector.shape_cast %scan3A_94#0 : vector<16xf32> to vector<1x16xf32>
      tpu.vector_store %arg11[%swap3A_97, %swap3A_98], %swap3A_101 {strides = array<i32>} : memref<8x64xf32, #tpu.memory_space<vmem>>, vector<1x16xf32>,
      %swap3A_102 = arith.constant 2 : i32
      %swap3A_103 = arith.index_cast %swap3A_102 : i32 to index
      %swap3A_104 = arith.constant 16 : index
      %swap3A_105 = tpu.vector_load %arg11[%swap3A_103, %swap3A_104] {strides = array<i32>} : memref<8x64xf32, #tpu.memory_space<vmem>>, vector<1x16xf32>,
      %swap3A_106 = vector.shape_cast %swap3A_105 : vector<1x16xf32> to vector<16xf32>
      %swap3A_107 = vector.shape_cast %scan3A_94#1 : vector<16xf32> to vector<1x16xf32>
      tpu.vector_store %arg11[%swap3A_103, %swap3A_104], %swap3A_107 {strides = array<i32>} : memref<8x64xf32, #tpu.memory_space<vmem>>, vector<1x16xf32>,
      %swap3A_108 = arith.constant 2 : i32
      %swap3A_109 = arith.index_cast %swap3A_108 : i32 to index
      %swap3A_110 = arith.constant 32 : index
      %swap3A_111 = tpu.vector_load %arg11[%swap3A_109, %swap3A_110] {strides = array<i32>} : memref<8x64xf32, #tpu.memory_space<vmem>>, vector<1x16xf32>,
      %swap3A_112 = vector.shape_cast %swap3A_111 : vector<1x16xf32> to vector<16xf32>
      %swap3A_113 = vector.shape_cast %scan3A_94#2 : vector<16xf32> to vector<1x16xf32>
      tpu.vector_store %arg11[%swap3A_109, %swap3A_110], %swap3A_113 {strides = array<i32>} : memref<8x64xf32, #tpu.memory_space<vmem>>, vector<1x16xf32>,
      %swap3A_114 = arith.constant 2 : i32
      %swap3A_115 = arith.index_cast %swap3A_114 : i32 to index
      %swap3A_116 = arith.constant 48 : index
      %swap3A_117 = tpu.vector_load %arg11[%swap3A_115, %swap3A_116] {strides = array<i32>} : memref<8x64xf32, #tpu.memory_space<vmem>>, vector<1x16xf32>,
      %swap3A_118 = vector.shape_cast %swap3A_117 : vector<1x16xf32> to vector<16xf32>
      %swap3A_119 = vector.shape_cast %scan3A_94#3 : vector<16xf32> to vector<1x16xf32>
      tpu.vector_store %arg11[%swap3A_115, %swap3A_116], %swap3A_119 {strides = array<i32>} : memref<8x64xf32, #tpu.memory_space<vmem>>, vector<1x16xf32>,
      %broadcast_in_dim3A_120 = arith.constant 0.000000e+00 : f32
      %broadcast_in_dim3A_121 = vector.broadcast %broadcast_in_dim3A_120 : f32 to vector<16xf32>
      %scan3A_122 = arith.constant 0 : i32
      %scan3A_123 = arith.constant 32 : i32
      %scan3A_124 = arith.addi %scan3A_122, %scan3A_123 : i32
      %scan3A_125 = arith.constant 1 : i32
      %scan3A_126:4 = scf.for %scan3A_286 = %scan3A_122 to %scan3A_124 step %scan3A_125 iter_args(%scan3A_287 = %broadcast_in_dim3A_121, %scan3A_288 = %broadcast_in_dim3A_121, %scan3A_289 = %broadcast_in_dim3A_121, %scan3A_290 = %broadcast_in_dim3A_121) -> (vector<16xf32>, vector<16xf32>, vector<16xf32>, vector<16xf32>)  : i32 {
        %add3A_291 = arith.constant 96 : i32
        %add3A_292 = arith.addi %add3A_291, %scan3A_286 : i32
        %add3A_293 = arith.constant 0 : i32
        %add3A_294 = arith.addi %add3A_293, %add3A_292 : i32
        %get3A = arith.index_cast %add3A_294 : i32 to index
        %get3A_295 = arith.constant 0 : index
        %get3A_296 = tpu.vector_load %arg10[%get3A, %get3A_295] {strides = array<i32>} : memref<256x16xf32, #tpu.memory_space<vmem>>, vector<1x16xf32>,
        %get3A_297 = vector.shape_cast %get3A_296 : vector<1x16xf32> to vector<16xf32>
        %get3A_298 = arith.index_cast %add3A_292 : i32 to index
        %get3A_299 = arith.constant 0 : index
        %get3A_300 = tpu.vector_load %arg8[%get3A_298, %get3A_299] {strides = array<i32>} : memref<128x64xf32, #tpu.memory_space<vmem>>, vector<1x16xf32>,
        %get3A_301 = vector.shape_cast %get3A_300 : vector<1x16xf32> to vector<16xf32>
        %mul3A_302 = arith.mulf %get3A_301, %get3A_297 : vector<16xf32>
        %add3A_303 = arith.addf %scan3A_287, %mul3A_302 : vector<16xf32>
        %get3A_304 = arith.index_cast %add3A_292 : i32 to index
        %get3A_305 = arith.constant 16 : index
        %get3A_306 = tpu.vector_load %arg8[%get3A_304, %get3A_305] {strides = array<i32>} : memref<128x64xf32, #tpu.memory_space<vmem>>, vector<1x16xf32>,
        %get3A_307 = vector.shape_cast %get3A_306 : vector<1x16xf32> to vector<16xf32>
        %mul3A_308 = arith.mulf %get3A_307, %get3A_297 : vector<16xf32>
        %add3A_309 = arith.addf %scan3A_288, %mul3A_308 : vector<16xf32>
        %get3A_310 = arith.index_cast %add3A_292 : i32 to index
        %get3A_311 = arith.constant 32 : index
        %get3A_312 = tpu.vector_load %arg8[%get3A_310, %get3A_311] {strides = array<i32>} : memref<128x64xf32, #tpu.memory_space<vmem>>, vector<1x16xf32>,
        %get3A_313 = vector.shape_cast %get3A_312 : vector<1x16xf32> to vector<16xf32>
        %mul3A_314 = arith.mulf %get3A_313, %get3A_297 : vector<16xf32>
        %add3A_315 = arith.addf %scan3A_289, %mul3A_314 : vector<16xf32>
        %get3A_316 = arith.index_cast %add3A_292 : i32 to index
        %get3A_317 = arith.constant 48 : index
        %get3A_318 = tpu.vector_load %arg8[%get3A_316, %get3A_317] {strides = array<i32>} : memref<128x64xf32, #tpu.memory_space<vmem>>, vector<1x16xf32>,
        %get3A_319 = vector.shape_cast %get3A_318 : vector<1x16xf32> to vector<16xf32>
        %mul3A_320 = arith.mulf %get3A_319, %get3A_297 : vector<16xf32>
        %add3A_321 = arith.addf %scan3A_290, %mul3A_320 : vector<16xf32>
        scf.yield %add3A_303, %add3A_309, %add3A_315, %add3A_321 : vector<16xf32>, vector<16xf32>, vector<16xf32>, vector<16xf32>
      }
      %scan3A_127 = arith.constant 32 : i32
      %swap3A_128 = arith.constant 3 : i32
      %swap3A_129 = arith.index_cast %swap3A_128 : i32 to index
      %swap3A_130 = arith.constant 0 : index
      %swap3A_131 = tpu.vector_load %arg11[%swap3A_129, %swap3A_130] {strides = array<i32>} : memref<8x64xf32, #tpu.memory_space<vmem>>, vector<1x16xf32>,
      %swap3A_132 = vector.shape_cast %swap3A_131 : vector<1x16xf32> to vector<16xf32>
      %swap3A_133 = vector.shape_cast %scan3A_126#0 : vector<16xf32> to vector<1x16xf32>
      tpu.vector_store %arg11[%swap3A_129, %swap3A_130], %swap3A_133 {strides = array<i32>} : memref<8x64xf32, #tpu.memory_space<vmem>>, vector<1x16xf32>,
      %swap3A_134 = arith.constant 3 : i32
      %swap3A_135 = arith.index_cast %swap3A_134 : i32 to index
      %swap3A_136 = arith.constant 16 : index
      %swap3A_137 = tpu.vector_load %arg11[%swap3A_135, %swap3A_136] {strides = array<i32>} : memref<8x64xf32, #tpu.memory_space<vmem>>, vector<1x16xf32>,
      %swap3A_138 = vector.shape_cast %swap3A_137 : vector<1x16xf32> to vector<16xf32>
      %swap3A_139 = vector.shape_cast %scan3A_126#1 : vector<16xf32> to vector<1x16xf32>
      tpu.vector_store %arg11[%swap3A_135, %swap3A_136], %swap3A_139 {strides = array<i32>} : memref<8x64xf32, #tpu.memory_space<vmem>>, vector<1x16xf32>,
      %swap3A_140 = arith.constant 3 : i32
      %swap3A_141 = arith.index_cast %swap3A_140 : i32 to index
      %swap3A_142 = arith.constant 32 : index
      %swap3A_143 = tpu.vector_load %arg11[%swap3A_141, %swap3A_142] {strides = array<i32>} : memref<8x64xf32, #tpu.memory_space<vmem>>, vector<1x16xf32>,
      %swap3A_144 = vector.shape_cast %swap3A_143 : vector<1x16xf32> to vector<16xf32>
      %swap3A_145 = vector.shape_cast %scan3A_126#2 : vector<16xf32> to vector<1x16xf32>
      tpu.vector_store %arg11[%swap3A_141, %swap3A_142], %swap3A_145 {strides = array<i32>} : memref<8x64xf32, #tpu.memory_space<vmem>>, vector<1x16xf32>,
      %swap3A_146 = arith.constant 3 : i32
      %swap3A_147 = arith.index_cast %swap3A_146 : i32 to index
      %swap3A_148 = arith.constant 48 : index
      %swap3A_149 = tpu.vector_load %arg11[%swap3A_147, %swap3A_148] {strides = array<i32>} : memref<8x64xf32, #tpu.memory_space<vmem>>, vector<1x16xf32>,
      %swap3A_150 = vector.shape_cast %swap3A_149 : vector<1x16xf32> to vector<16xf32>
      %swap3A_151 = vector.shape_cast %scan3A_126#3 : vector<16xf32> to vector<1x16xf32>
      tpu.vector_store %arg11[%swap3A_147, %swap3A_148], %swap3A_151 {strides = array<i32>} : memref<8x64xf32, #tpu.memory_space<vmem>>, vector<1x16xf32>,
      %broadcast_in_dim3A_152 = arith.constant 0.000000e+00 : f32
      %broadcast_in_dim3A_153 = vector.broadcast %broadcast_in_dim3A_152 : f32 to vector<16xf32>
      %scan3A_154 = arith.constant 0 : i32
      %scan3A_155 = arith.constant 32 : i32
      %scan3A_156 = arith.addi %scan3A_154, %scan3A_155 : i32
      %scan3A_157 = arith.constant 1 : i32
      %scan3A_158:4 = scf.for %scan3A_286 = %scan3A_154 to %scan3A_156 step %scan3A_157 iter_args(%scan3A_287 = %broadcast_in_dim3A_153, %scan3A_288 = %broadcast_in_dim3A_153, %scan3A_289 = %broadcast_in_dim3A_153, %scan3A_290 = %broadcast_in_dim3A_153) -> (vector<16xf32>, vector<16xf32>, vector<16xf32>, vector<16xf32>)  : i32 {
        %add3A_291 = arith.constant 0 : i32
        %add3A_292 = arith.addi %add3A_291, %scan3A_286 : i32
        %add3A_293 = arith.constant 128 : i32
        %add3A_294 = arith.addi %add3A_293, %add3A_292 : i32
        %get3A = arith.index_cast %add3A_294 : i32 to index
        %get3A_295 = arith.constant 0 : index
        %get3A_296 = tpu.vector_load %arg10[%get3A, %get3A_295] {strides = array<i32>} : memref<256x16xf32, #tpu.memory_space<vmem>>, vector<1x16xf32>,
        %get3A_297 = vector.shape_cast %get3A_296 : vector<1x16xf32> to vector<16xf32>
        %get3A_298 = arith.index_cast %add3A_292 : i32 to index
        %get3A_299 = arith.constant 0 : index
        %get3A_300 = tpu.vector_load %arg9[%get3A_298, %get3A_299] {strides = array<i32>} : memref<128x64xf32, #tpu.memory_space<vmem>>, vector<1x16xf32>,
        %get3A_301 = vector.shape_cast %get3A_300 : vector<1x16xf32> to vector<16xf32>
        %mul3A_302 = arith.mulf %get3A_301, %get3A_297 : vector<16xf32>
        %add3A_303 = arith.addf %scan3A_287, %mul3A_302 : vector<16xf32>
        %get3A_304 = arith.index_cast %add3A_292 : i32 to index
        %get3A_305 = arith.constant 16 : index
        %get3A_306 = tpu.vector_load %arg9[%get3A_304, %get3A_305] {strides = array<i32>} : memref<128x64xf32, #tpu.memory_space<vmem>>, vector<1x16xf32>,
        %get3A_307 = vector.shape_cast %get3A_306 : vector<1x16xf32> to vector<16xf32>
        %mul3A_308 = arith.mulf %get3A_307, %get3A_297 : vector<16xf32>
        %add3A_309 = arith.addf %scan3A_288, %mul3A_308 : vector<16xf32>
        %get3A_310 = arith.index_cast %add3A_292 : i32 to index
        %get3A_311 = arith.constant 32 : index
        %get3A_312 = tpu.vector_load %arg9[%get3A_310, %get3A_311] {strides = array<i32>} : memref<128x64xf32, #tpu.memory_space<vmem>>, vector<1x16xf32>,
        %get3A_313 = vector.shape_cast %get3A_312 : vector<1x16xf32> to vector<16xf32>
        %mul3A_314 = arith.mulf %get3A_313, %get3A_297 : vector<16xf32>
        %add3A_315 = arith.addf %scan3A_289, %mul3A_314 : vector<16xf32>
        %get3A_316 = arith.index_cast %add3A_292 : i32 to index
        %get3A_317 = arith.constant 48 : index
        %get3A_318 = tpu.vector_load %arg9[%get3A_316, %get3A_317] {strides = array<i32>} : memref<128x64xf32, #tpu.memory_space<vmem>>, vector<1x16xf32>,
        %get3A_319 = vector.shape_cast %get3A_318 : vector<1x16xf32> to vector<16xf32>
        %mul3A_320 = arith.mulf %get3A_319, %get3A_297 : vector<16xf32>
        %add3A_321 = arith.addf %scan3A_290, %mul3A_320 : vector<16xf32>
        scf.yield %add3A_303, %add3A_309, %add3A_315, %add3A_321 : vector<16xf32>, vector<16xf32>, vector<16xf32>, vector<16xf32>
      }
      %scan3A_159 = arith.constant 32 : i32
      %swap3A_160 = arith.constant 4 : i32
      %swap3A_161 = arith.index_cast %swap3A_160 : i32 to index
      %swap3A_162 = arith.constant 0 : index
      %swap3A_163 = tpu.vector_load %arg11[%swap3A_161, %swap3A_162] {strides = array<i32>} : memref<8x64xf32, #tpu.memory_space<vmem>>, vector<1x16xf32>,
      %swap3A_164 = vector.shape_cast %swap3A_163 : vector<1x16xf32> to vector<16xf32>
      %swap3A_165 = vector.shape_cast %scan3A_158#0 : vector<16xf32> to vector<1x16xf32>
      tpu.vector_store %arg11[%swap3A_161, %swap3A_162], %swap3A_165 {strides = array<i32>} : memref<8x64xf32, #tpu.memory_space<vmem>>, vector<1x16xf32>,
      %swap3A_166 = arith.constant 4 : i32
      %swap3A_167 = arith.index_cast %swap3A_166 : i32 to index
      %swap3A_168 = arith.constant 16 : index
      %swap3A_169 = tpu.vector_load %arg11[%swap3A_167, %swap3A_168] {strides = array<i32>} : memref<8x64xf32, #tpu.memory_space<vmem>>, vector<1x16xf32>,
      %swap3A_170 = vector.shape_cast %swap3A_169 : vector<1x16xf32> to vector<16xf32>
      %swap3A_171 = vector.shape_cast %scan3A_158#1 : vector<16xf32> to vector<1x16xf32>
      tpu.vector_store %arg11[%swap3A_167, %swap3A_168], %swap3A_171 {strides = array<i32>} : memref<8x64xf32, #tpu.memory_space<vmem>>, vector<1x16xf32>,
      %swap3A_172 = arith.constant 4 : i32
      %swap3A_173 = arith.index_cast %swap3A_172 : i32 to index
      %swap3A_174 = arith.constant 32 : index
      %swap3A_175 = tpu.vector_load %arg11[%swap3A_173, %swap3A_174] {strides = array<i32>} : memref<8x64xf32, #tpu.memory_space<vmem>>, vector<1x16xf32>,
      %swap3A_176 = vector.shape_cast %swap3A_175 : vector<1x16xf32> to vector<16xf32>
      %swap3A_177 = vector.shape_cast %scan3A_158#2 : vector<16xf32> to vector<1x16xf32>
      tpu.vector_store %arg11[%swap3A_173, %swap3A_174], %swap3A_177 {strides = array<i32>} : memref<8x64xf32, #tpu.memory_space<vmem>>, vector<1x16xf32>,
      %swap3A_178 = arith.constant 4 : i32
      %swap3A_179 = arith.index_cast %swap3A_178 : i32 to index
      %swap3A_180 = arith.constant 48 : index
      %swap3A_181 = tpu.vector_load %arg11[%swap3A_179, %swap3A_180] {strides = array<i32>} : memref<8x64xf32, #tpu.memory_space<vmem>>, vector<1x16xf32>,
      %swap3A_182 = vector.shape_cast %swap3A_181 : vector<1x16xf32> to vector<16xf32>
      %swap3A_183 = vector.shape_cast %scan3A_158#3 : vector<16xf32> to vector<1x16xf32>
      tpu.vector_store %arg11[%swap3A_179, %swap3A_180], %swap3A_183 {strides = array<i32>} : memref<8x64xf32, #tpu.memory_space<vmem>>, vector<1x16xf32>,
      %broadcast_in_dim3A_184 = arith.constant 0.000000e+00 : f32
      %broadcast_in_dim3A_185 = vector.broadcast %broadcast_in_dim3A_184 : f32 to vector<16xf32>
      %scan3A_186 = arith.constant 0 : i32
      %scan3A_187 = arith.constant 32 : i32
      %scan3A_188 = arith.addi %scan3A_186, %scan3A_187 : i32
      %scan3A_189 = arith.constant 1 : i32
      %scan3A_190:4 = scf.for %scan3A_286 = %scan3A_186 to %scan3A_188 step %scan3A_189 iter_args(%scan3A_287 = %broadcast_in_dim3A_185, %scan3A_288 = %broadcast_in_dim3A_185, %scan3A_289 = %broadcast_in_dim3A_185, %scan3A_290 = %broadcast_in_dim3A_185) -> (vector<16xf32>, vector<16xf32>, vector<16xf32>, vector<16xf32>)  : i32 {
        %add3A_291 = arith.constant 32 : i32
        %add3A_292 = arith.addi %add3A_291, %scan3A_286 : i32
        %add3A_293 = arith.constant 128 : i32
        %add3A_294 = arith.addi %add3A_293, %add3A_292 : i32
        %get3A = arith.index_cast %add3A_294 : i32 to index
        %get3A_295 = arith.constant 0 : index
        %get3A_296 = tpu.vector_load %arg10[%get3A, %get3A_295] {strides = array<i32>} : memref<256x16xf32, #tpu.memory_space<vmem>>, vector<1x16xf32>,
        %get3A_297 = vector.shape_cast %get3A_296 : vector<1x16xf32> to vector<16xf32>
        %get3A_298 = arith.index_cast %add3A_292 : i32 to index
        %get3A_299 = arith.constant 0 : index
        %get3A_300 = tpu.vector_load %arg9[%get3A_298, %get3A_299] {strides = array<i32>} : memref<128x64xf32, #tpu.memory_space<vmem>>, vector<1x16xf32>,
        %get3A_301 = vector.shape_cast %get3A_300 : vector<1x16xf32> to vector<16xf32>
        %mul3A_302 = arith.mulf %get3A_301, %get3A_297 : vector<16xf32>
        %add3A_303 = arith.addf %scan3A_287, %mul3A_302 : vector<16xf32>
        %get3A_304 = arith.index_cast %add3A_292 : i32 to index
        %get3A_305 = arith.constant 16 : index
        %get3A_306 = tpu.vector_load %arg9[%get3A_304, %get3A_305] {strides = array<i32>} : memref<128x64xf32, #tpu.memory_space<vmem>>, vector<1x16xf32>,
        %get3A_307 = vector.shape_cast %get3A_306 : vector<1x16xf32> to vector<16xf32>
        %mul3A_308 = arith.mulf %get3A_307, %get3A_297 : vector<16xf32>
        %add3A_309 = arith.addf %scan3A_288, %mul3A_308 : vector<16xf32>
        %get3A_310 = arith.index_cast %add3A_292 : i32 to index
        %get3A_311 = arith.constant 32 : index
        %get3A_312 = tpu.vector_load %arg9[%get3A_310, %get3A_311] {strides = array<i32>} : memref<128x64xf32, #tpu.memory_space<vmem>>, vector<1x16xf32>,
        %get3A_313 = vector.shape_cast %get3A_312 : vector<1x16xf32> to vector<16xf32>
        %mul3A_314 = arith.mulf %get3A_313, %get3A_297 : vector<16xf32>
        %add3A_315 = arith.addf %scan3A_289, %mul3A_314 : vector<16xf32>
        %get3A_316 = arith.index_cast %add3A_292 : i32 to index
        %get3A_317 = arith.constant 48 : index
        %get3A_318 = tpu.vector_load %arg9[%get3A_316, %get3A_317] {strides = array<i32>} : memref<128x64xf32, #tpu.memory_space<vmem>>, vector<1x16xf32>,
        %get3A_319 = vector.shape_cast %get3A_318 : vector<1x16xf32> to vector<16xf32>
        %mul3A_320 = arith.mulf %get3A_319, %get3A_297 : vector<16xf32>
        %add3A_321 = arith.addf %scan3A_290, %mul3A_320 : vector<16xf32>
        scf.yield %add3A_303, %add3A_309, %add3A_315, %add3A_321 : vector<16xf32>, vector<16xf32>, vector<16xf32>, vector<16xf32>
      }
      %scan3A_191 = arith.constant 32 : i32
      %swap3A_192 = arith.constant 5 : i32
      %swap3A_193 = arith.index_cast %swap3A_192 : i32 to index
      %swap3A_194 = arith.constant 0 : index
      %swap3A_195 = tpu.vector_load %arg11[%swap3A_193, %swap3A_194] {strides = array<i32>} : memref<8x64xf32, #tpu.memory_space<vmem>>, vector<1x16xf32>,
      %swap3A_196 = vector.shape_cast %swap3A_195 : vector<1x16xf32> to vector<16xf32>
      %swap3A_197 = vector.shape_cast %scan3A_190#0 : vector<16xf32> to vector<1x16xf32>
      tpu.vector_store %arg11[%swap3A_193, %swap3A_194], %swap3A_197 {strides = array<i32>} : memref<8x64xf32, #tpu.memory_space<vmem>>, vector<1x16xf32>,
      %swap3A_198 = arith.constant 5 : i32
      %swap3A_199 = arith.index_cast %swap3A_198 : i32 to index
      %swap3A_200 = arith.constant 16 : index
      %swap3A_201 = tpu.vector_load %arg11[%swap3A_199, %swap3A_200] {strides = array<i32>} : memref<8x64xf32, #tpu.memory_space<vmem>>, vector<1x16xf32>,
      %swap3A_202 = vector.shape_cast %swap3A_201 : vector<1x16xf32> to vector<16xf32>
      %swap3A_203 = vector.shape_cast %scan3A_190#1 : vector<16xf32> to vector<1x16xf32>
      tpu.vector_store %arg11[%swap3A_199, %swap3A_200], %swap3A_203 {strides = array<i32>} : memref<8x64xf32, #tpu.memory_space<vmem>>, vector<1x16xf32>,
      %swap3A_204 = arith.constant 5 : i32
      %swap3A_205 = arith.index_cast %swap3A_204 : i32 to index
      %swap3A_206 = arith.constant 32 : index
      %swap3A_207 = tpu.vector_load %arg11[%swap3A_205, %swap3A_206] {strides = array<i32>} : memref<8x64xf32, #tpu.memory_space<vmem>>, vector<1x16xf32>,
      %swap3A_208 = vector.shape_cast %swap3A_207 : vector<1x16xf32> to vector<16xf32>
      %swap3A_209 = vector.shape_cast %scan3A_190#2 : vector<16xf32> to vector<1x16xf32>
      tpu.vector_store %arg11[%swap3A_205, %swap3A_206], %swap3A_209 {strides = array<i32>} : memref<8x64xf32, #tpu.memory_space<vmem>>, vector<1x16xf32>,
      %swap3A_210 = arith.constant 5 : i32
      %swap3A_211 = arith.index_cast %swap3A_210 : i32 to index
      %swap3A_212 = arith.constant 48 : index
      %swap3A_213 = tpu.vector_load %arg11[%swap3A_211, %swap3A_212] {strides = array<i32>} : memref<8x64xf32, #tpu.memory_space<vmem>>, vector<1x16xf32>,
      %swap3A_214 = vector.shape_cast %swap3A_213 : vector<1x16xf32> to vector<16xf32>
      %swap3A_215 = vector.shape_cast %scan3A_190#3 : vector<16xf32> to vector<1x16xf32>
      tpu.vector_store %arg11[%swap3A_211, %swap3A_212], %swap3A_215 {strides = array<i32>} : memref<8x64xf32, #tpu.memory_space<vmem>>, vector<1x16xf32>,
      %broadcast_in_dim3A_216 = arith.constant 0.000000e+00 : f32
      %broadcast_in_dim3A_217 = vector.broadcast %broadcast_in_dim3A_216 : f32 to vector<16xf32>
      %scan3A_218 = arith.constant 0 : i32
      %scan3A_219 = arith.constant 32 : i32
      %scan3A_220 = arith.addi %scan3A_218, %scan3A_219 : i32
      %scan3A_221 = arith.constant 1 : i32
      %scan3A_222:4 = scf.for %scan3A_286 = %scan3A_218 to %scan3A_220 step %scan3A_221 iter_args(%scan3A_287 = %broadcast_in_dim3A_217, %scan3A_288 = %broadcast_in_dim3A_217, %scan3A_289 = %broadcast_in_dim3A_217, %scan3A_290 = %broadcast_in_dim3A_217) -> (vector<16xf32>, vector<16xf32>, vector<16xf32>, vector<16xf32>)  : i32 {
        %add3A_291 = arith.constant 64 : i32
        %add3A_292 = arith.addi %add3A_291, %scan3A_286 : i32
        %add3A_293 = arith.constant 128 : i32
        %add3A_294 = arith.addi %add3A_293, %add3A_292 : i32
        %get3A = arith.index_cast %add3A_294 : i32 to index
        %get3A_295 = arith.constant 0 : index
        %get3A_296 = tpu.vector_load %arg10[%get3A, %get3A_295] {strides = array<i32>} : memref<256x16xf32, #tpu.memory_space<vmem>>, vector<1x16xf32>,
        %get3A_297 = vector.shape_cast %get3A_296 : vector<1x16xf32> to vector<16xf32>
        %get3A_298 = arith.index_cast %add3A_292 : i32 to index
        %get3A_299 = arith.constant 0 : index
        %get3A_300 = tpu.vector_load %arg9[%get3A_298, %get3A_299] {strides = array<i32>} : memref<128x64xf32, #tpu.memory_space<vmem>>, vector<1x16xf32>,
        %get3A_301 = vector.shape_cast %get3A_300 : vector<1x16xf32> to vector<16xf32>
        %mul3A_302 = arith.mulf %get3A_301, %get3A_297 : vector<16xf32>
        %add3A_303 = arith.addf %scan3A_287, %mul3A_302 : vector<16xf32>
        %get3A_304 = arith.index_cast %add3A_292 : i32 to index
        %get3A_305 = arith.constant 16 : index
        %get3A_306 = tpu.vector_load %arg9[%get3A_304, %get3A_305] {strides = array<i32>} : memref<128x64xf32, #tpu.memory_space<vmem>>, vector<1x16xf32>,
        %get3A_307 = vector.shape_cast %get3A_306 : vector<1x16xf32> to vector<16xf32>
        %mul3A_308 = arith.mulf %get3A_307, %get3A_297 : vector<16xf32>
        %add3A_309 = arith.addf %scan3A_288, %mul3A_308 : vector<16xf32>
        %get3A_310 = arith.index_cast %add3A_292 : i32 to index
        %get3A_311 = arith.constant 32 : index
        %get3A_312 = tpu.vector_load %arg9[%get3A_310, %get3A_311] {strides = array<i32>} : memref<128x64xf32, #tpu.memory_space<vmem>>, vector<1x16xf32>,
        %get3A_313 = vector.shape_cast %get3A_312 : vector<1x16xf32> to vector<16xf32>
        %mul3A_314 = arith.mulf %get3A_313, %get3A_297 : vector<16xf32>
        %add3A_315 = arith.addf %scan3A_289, %mul3A_314 : vector<16xf32>
        %get3A_316 = arith.index_cast %add3A_292 : i32 to index
        %get3A_317 = arith.constant 48 : index
        %get3A_318 = tpu.vector_load %arg9[%get3A_316, %get3A_317] {strides = array<i32>} : memref<128x64xf32, #tpu.memory_space<vmem>>, vector<1x16xf32>,
        %get3A_319 = vector.shape_cast %get3A_318 : vector<1x16xf32> to vector<16xf32>
        %mul3A_320 = arith.mulf %get3A_319, %get3A_297 : vector<16xf32>
        %add3A_321 = arith.addf %scan3A_290, %mul3A_320 : vector<16xf32>
        scf.yield %add3A_303, %add3A_309, %add3A_315, %add3A_321 : vector<16xf32>, vector<16xf32>, vector<16xf32>, vector<16xf32>
      }
      %scan3A_223 = arith.constant 32 : i32
      %swap3A_224 = arith.constant 6 : i32
      %swap3A_225 = arith.index_cast %swap3A_224 : i32 to index
      %swap3A_226 = arith.constant 0 : index
      %swap3A_227 = tpu.vector_load %arg11[%swap3A_225, %swap3A_226] {strides = array<i32>} : memref<8x64xf32, #tpu.memory_space<vmem>>, vector<1x16xf32>,
      %swap3A_228 = vector.shape_cast %swap3A_227 : vector<1x16xf32> to vector<16xf32>
      %swap3A_229 = vector.shape_cast %scan3A_222#0 : vector<16xf32> to vector<1x16xf32>
      tpu.vector_store %arg11[%swap3A_225, %swap3A_226], %swap3A_229 {strides = array<i32>} : memref<8x64xf32, #tpu.memory_space<vmem>>, vector<1x16xf32>,
      %swap3A_230 = arith.constant 6 : i32
      %swap3A_231 = arith.index_cast %swap3A_230 : i32 to index
      %swap3A_232 = arith.constant 16 : index
      %swap3A_233 = tpu.vector_load %arg11[%swap3A_231, %swap3A_232] {strides = array<i32>} : memref<8x64xf32, #tpu.memory_space<vmem>>, vector<1x16xf32>,
      %swap3A_234 = vector.shape_cast %swap3A_233 : vector<1x16xf32> to vector<16xf32>
      %swap3A_235 = vector.shape_cast %scan3A_222#1 : vector<16xf32> to vector<1x16xf32>
      tpu.vector_store %arg11[%swap3A_231, %swap3A_232], %swap3A_235 {strides = array<i32>} : memref<8x64xf32, #tpu.memory_space<vmem>>, vector<1x16xf32>,
      %swap3A_236 = arith.constant 6 : i32
      %swap3A_237 = arith.index_cast %swap3A_236 : i32 to index
      %swap3A_238 = arith.constant 32 : index
      %swap3A_239 = tpu.vector_load %arg11[%swap3A_237, %swap3A_238] {strides = array<i32>} : memref<8x64xf32, #tpu.memory_space<vmem>>, vector<1x16xf32>,
      %swap3A_240 = vector.shape_cast %swap3A_239 : vector<1x16xf32> to vector<16xf32>
      %swap3A_241 = vector.shape_cast %scan3A_222#2 : vector<16xf32> to vector<1x16xf32>
      tpu.vector_store %arg11[%swap3A_237, %swap3A_238], %swap3A_241 {strides = array<i32>} : memref<8x64xf32, #tpu.memory_space<vmem>>, vector<1x16xf32>,
      %swap3A_242 = arith.constant 6 : i32
      %swap3A_243 = arith.index_cast %swap3A_242 : i32 to index
      %swap3A_244 = arith.constant 48 : index
      %swap3A_245 = tpu.vector_load %arg11[%swap3A_243, %swap3A_244] {strides = array<i32>} : memref<8x64xf32, #tpu.memory_space<vmem>>, vector<1x16xf32>,
      %swap3A_246 = vector.shape_cast %swap3A_245 : vector<1x16xf32> to vector<16xf32>
      %swap3A_247 = vector.shape_cast %scan3A_222#3 : vector<16xf32> to vector<1x16xf32>
      tpu.vector_store %arg11[%swap3A_243, %swap3A_244], %swap3A_247 {strides = array<i32>} : memref<8x64xf32, #tpu.memory_space<vmem>>, vector<1x16xf32>,
      %broadcast_in_dim3A_248 = arith.constant 0.000000e+00 : f32
      %broadcast_in_dim3A_249 = vector.broadcast %broadcast_in_dim3A_248 : f32 to vector<16xf32>
      %scan3A_250 = arith.constant 0 : i32
      %scan3A_251 = arith.constant 32 : i32
      %scan3A_252 = arith.addi %scan3A_250, %scan3A_251 : i32
      %scan3A_253 = arith.constant 1 : i32
      %scan3A_254:4 = scf.for %scan3A_286 = %scan3A_250 to %scan3A_252 step %scan3A_253 iter_args(%scan3A_287 = %broadcast_in_dim3A_249, %scan3A_288 = %broadcast_in_dim3A_249, %scan3A_289 = %broadcast_in_dim3A_249, %scan3A_290 = %broadcast_in_dim3A_249) -> (vector<16xf32>, vector<16xf32>, vector<16xf32>, vector<16xf32>)  : i32 {
        %add3A_291 = arith.constant 96 : i32
        %add3A_292 = arith.addi %add3A_291, %scan3A_286 : i32
        %add3A_293 = arith.constant 128 : i32
        %add3A_294 = arith.addi %add3A_293, %add3A_292 : i32
        %get3A = arith.index_cast %add3A_294 : i32 to index
        %get3A_295 = arith.constant 0 : index
        %get3A_296 = tpu.vector_load %arg10[%get3A, %get3A_295] {strides = array<i32>} : memref<256x16xf32, #tpu.memory_space<vmem>>, vector<1x16xf32>,
        %get3A_297 = vector.shape_cast %get3A_296 : vector<1x16xf32> to vector<16xf32>
        %get3A_298 = arith.index_cast %add3A_292 : i32 to index
        %get3A_299 = arith.constant 0 : index
        %get3A_300 = tpu.vector_load %arg9[%get3A_298, %get3A_299] {strides = array<i32>} : memref<128x64xf32, #tpu.memory_space<vmem>>, vector<1x16xf32>,
        %get3A_301 = vector.shape_cast %get3A_300 : vector<1x16xf32> to vector<16xf32>
        %mul3A_302 = arith.mulf %get3A_301, %get3A_297 : vector<16xf32>
        %add3A_303 = arith.addf %scan3A_287, %mul3A_302 : vector<16xf32>
        %get3A_304 = arith.index_cast %add3A_292 : i32 to index
        %get3A_305 = arith.constant 16 : index
        %get3A_306 = tpu.vector_load %arg9[%get3A_304, %get3A_305] {strides = array<i32>} : memref<128x64xf32, #tpu.memory_space<vmem>>, vector<1x16xf32>,
        %get3A_307 = vector.shape_cast %get3A_306 : vector<1x16xf32> to vector<16xf32>
        %mul3A_308 = arith.mulf %get3A_307, %get3A_297 : vector<16xf32>
        %add3A_309 = arith.addf %scan3A_288, %mul3A_308 : vector<16xf32>
        %get3A_310 = arith.index_cast %add3A_292 : i32 to index
        %get3A_311 = arith.constant 32 : index
        %get3A_312 = tpu.vector_load %arg9[%get3A_310, %get3A_311] {strides = array<i32>} : memref<128x64xf32, #tpu.memory_space<vmem>>, vector<1x16xf32>,
        %get3A_313 = vector.shape_cast %get3A_312 : vector<1x16xf32> to vector<16xf32>
        %mul3A_314 = arith.mulf %get3A_313, %get3A_297 : vector<16xf32>
        %add3A_315 = arith.addf %scan3A_289, %mul3A_314 : vector<16xf32>
        %get3A_316 = arith.index_cast %add3A_292 : i32 to index
        %get3A_317 = arith.constant 48 : index
        %get3A_318 = tpu.vector_load %arg9[%get3A_316, %get3A_317] {strides = array<i32>} : memref<128x64xf32, #tpu.memory_space<vmem>>, vector<1x16xf32>,
        %get3A_319 = vector.shape_cast %get3A_318 : vector<1x16xf32> to vector<16xf32>
        %mul3A_320 = arith.mulf %get3A_319, %get3A_297 : vector<16xf32>
        %add3A_321 = arith.addf %scan3A_290, %mul3A_320 : vector<16xf32>
        scf.yield %add3A_303, %add3A_309, %add3A_315, %add3A_321 : vector<16xf32>, vector<16xf32>, vector<16xf32>, vector<16xf32>
      }
      %scan3A_255 = arith.constant 32 : i32
      %swap3A_256 = arith.constant 7 : i32
      %swap3A_257 = arith.index_cast %swap3A_256 : i32 to index
      %swap3A_258 = arith.constant 0 : index
      %swap3A_259 = tpu.vector_load %arg11[%swap3A_257, %swap3A_258] {strides = array<i32>} : memref<8x64xf32, #tpu.memory_space<vmem>>, vector<1x16xf32>,
      %swap3A_260 = vector.shape_cast %swap3A_259 : vector<1x16xf32> to vector<16xf32>
      %swap3A_261 = vector.shape_cast %scan3A_254#0 : vector<16xf32> to vector<1x16xf32>
      tpu.vector_store %arg11[%swap3A_257, %swap3A_258], %swap3A_261 {strides = array<i32>} : memref<8x64xf32, #tpu.memory_space<vmem>>, vector<1x16xf32>,
      %swap3A_262 = arith.constant 7 : i32
      %swap3A_263 = arith.index_cast %swap3A_262 : i32 to index
      %swap3A_264 = arith.constant 16 : index
      %swap3A_265 = tpu.vector_load %arg11[%swap3A_263, %swap3A_264] {strides = array<i32>} : memref<8x64xf32, #tpu.memory_space<vmem>>, vector<1x16xf32>,
      %swap3A_266 = vector.shape_cast %swap3A_265 : vector<1x16xf32> to vector<16xf32>
      %swap3A_267 = vector.shape_cast %scan3A_254#1 : vector<16xf32> to vector<1x16xf32>
      tpu.vector_store %arg11[%swap3A_263, %swap3A_264], %swap3A_267 {strides = array<i32>} : memref<8x64xf32, #tpu.memory_space<vmem>>, vector<1x16xf32>,
      %swap3A_268 = arith.constant 7 : i32
      %swap3A_269 = arith.index_cast %swap3A_268 : i32 to index
      %swap3A_270 = arith.constant 32 : index
      %swap3A_271 = tpu.vector_load %arg11[%swap3A_269, %swap3A_270] {strides = array<i32>} : memref<8x64xf32, #tpu.memory_space<vmem>>, vector<1x16xf32>,
      %swap3A_272 = vector.shape_cast %swap3A_271 : vector<1x16xf32> to vector<16xf32>
      %swap3A_273 = vector.shape_cast %scan3A_254#2 : vector<16xf32> to vector<1x16xf32>
      tpu.vector_store %arg11[%swap3A_269, %swap3A_270], %swap3A_273 {strides = array<i32>} : memref<8x64xf32, #tpu.memory_space<vmem>>, vector<1x16xf32>,
      %swap3A_274 = arith.constant 7 : i32
      %swap3A_275 = arith.index_cast %swap3A_274 : i32 to index
      %swap3A_276 = arith.constant 48 : index
      %swap3A_277 = tpu.vector_load %arg11[%swap3A_275, %swap3A_276] {strides = array<i32>} : memref<8x64xf32, #tpu.memory_space<vmem>>, vector<1x16xf32>,
      %swap3A_278 = vector.shape_cast %swap3A_277 : vector<1x16xf32> to vector<16xf32>
      %swap3A_279 = vector.shape_cast %scan3A_254#3 : vector<16xf32> to vector<1x16xf32>
      tpu.vector_store %arg11[%swap3A_275, %swap3A_276], %swap3A_279 {strides = array<i32>} : memref<8x64xf32, #tpu.memory_space<vmem>>, vector<1x16xf32>,
      %mul3A_280 = arith.constant 128 : i32
      %mul3A_281 = arith.muli %add3A, %mul3A_280 : i32
      %mul3A_282 = arith.constant 8 : i32
      %mul3A_283 = arith.muli %scan3A_7, %mul3A_282 : i32
      %add3A_284 = arith.addi %mul3A_281, %mul3A_283 : i32
      "tpu.region"() ({
        %run_scoped3A = tpu.sem_alloc : memref<!tpu.dma_semaphore, #tpu.memory_space<semaphore_mem>>
        %dma_start3A_286 = arith.constant 0 : i32
        %dma_start3A_287 = tpu.memref_slice %arg5[%add3A_284, %dma_start3A_286] : memref<4096x64xf32, #tpu.memory_space<hbm>> -> memref<8x64xf32, #tpu.memory_space<hbm>>
        %dma_start3A_288 = arith.constant 0 : i32
        %dma_start3A_289 = tpu.memref_slice %arg5[%add3A_284, %dma_start3A_288] : memref<4096x64xf32, #tpu.memory_space<hbm>> -> memref<8x64xf32, #tpu.memory_space<hbm>>
        tpu.enqueue_dma source(%arg11 : memref<8x64xf32, #tpu.memory_space<vmem>>) target(%dma_start3A_289 : memref<8x64xf32, #tpu.memory_space<hbm>>) target_semaphore(%run_scoped3A : memref<!tpu.dma_semaphore, #tpu.memory_space<semaphore_mem>>)
        %dma_wait3A_290 = arith.constant 0 : i32
        %dma_wait3A_291 = tpu.memref_slice %arg5[%add3A_284, %dma_wait3A_290] : memref<4096x64xf32, #tpu.memory_space<hbm>> -> memref<8x64xf32, #tpu.memory_space<hbm>>
        %dma_wait3A_292 = arith.constant 0 : i32
        %dma_wait3A_293 = tpu.memref_slice %arg5[%add3A_284, %dma_wait3A_292] : memref<4096x64xf32, #tpu.memory_space<hbm>> -> memref<8x64xf32, #tpu.memory_space<hbm>>
        tpu.wait_dma2 semaphore(%run_scoped3A : memref<!tpu.dma_semaphore, #tpu.memory_space<semaphore_mem>>) src(%arg11 : memref<8x64xf32, #tpu.memory_space<vmem>>) dst(%dma_wait3A_293 : memref<8x64xf32, #tpu.memory_space<hbm>>)
        tpu.yield
      }) : () -> ()
      %scan3A_285 = arith.constant 0 : i32
      scf.yield %scan3A_285 : i32
    }
    %scan3A_6 = arith.constant 16 : i32
    return
  }
}

module attributes {stable_mosaic.version = 14 : i64} {
  func.func @_tc_body(%arg0: i32, %arg1: memref<1024x256xf32, #tpu.memory_space<vmem>>, %arg2: memref<256x256xf32, #tpu.memory_space<vmem>>, %arg3: memref<1x256xf32, #tpu.memory_space<vmem>>, %arg4: memref<1024x128xf32, #tpu.memory_space<vmem>>, %arg5: memref<1024x128xf32, #tpu.memory_space<vmem>>, %arg6: memref<1x1xf32, #tpu.memory_space<smem>>, %arg7: memref<1024x32xi32, #tpu.memory_space<vmem>>, %arg8: memref<1024x32xf32, #tpu.memory_space<vmem>>, %arg9: memref<1024x32xf32, #tpu.memory_space<vmem>>) attributes {dimension_semantics = [#tpu.dimension_semantics<arbitrary>], iteration_bounds = array<i64: 4>, scalar_prefetch = 0 : i64, scratch_operands = 0 : i64, tpu.core_type = #tpu.core_type<tc>, window_params = [{transform_indices = @transform_0, window_bounds = array<i64: 1024, 256>}, {pipeline_mode = #tpu.pipeline_mode<synchronous>, transform_indices = @transform_1, window_bounds = array<i64: 256, 256>}, {pipeline_mode = #tpu.pipeline_mode<synchronous>, transform_indices = @transform_2, window_bounds = array<i64: 1, 256>}, {pipeline_mode = #tpu.pipeline_mode<synchronous>, transform_indices = @transform_3, window_bounds = array<i64: 1024, 128>}, {pipeline_mode = #tpu.pipeline_mode<synchronous>, transform_indices = @transform_4, window_bounds = array<i64: 1024, 128>}, {transform_indices = @transform_5, window_bounds = array<i64: 1, 1>}, {transform_indices = @transform_6, window_bounds = array<i64: 1024, 32>}, {transform_indices = @transform_7, window_bounds = array<i64: 1024, 32>}, {transform_indices = @transform_8, window_bounds = array<i64: 1024, 32>}]} {
    %get3A = arith.constant 0 : index
    %get3A_0 = arith.constant 0 : index
    %get3A_1 = vector.load %arg1[%get3A, %get3A_0] : memref<1024x256xf32, #tpu.memory_space<vmem>>, vector<1024x256xf32>
    %get3A_2 = arith.constant 0 : index
    %get3A_3 = arith.constant 0 : index
    %get3A_4 = vector.load %arg2[%get3A_2, %get3A_3] : memref<256x256xf32, #tpu.memory_space<vmem>>, vector<256x256xf32>
    %dot_general3A = arith.constant dense<0.000000e+00> : vector<1024x256xf32>
    %dot_general3A_5 = tpu.matmul %get3A_1, %get3A_4, %dot_general3A {dimension_numbers = #tpu.dot_dimension_numbers<[1], [0], [0], [1], [0, 0, 1, 1], [], []>, transpose_lhs_hint = false} : vector<1024x256xf32>, vector<256x256xf32>, vector<1024x256xf32> -> vector<1024x256xf32>
    %get3A_6 = arith.constant 0 : index
    %get3A_7 = arith.constant 0 : index
    %get3A_8 = vector.load %arg3[%get3A_6, %get3A_7] : memref<1x256xf32, #tpu.memory_space<vmem>>, vector<1x256xf32>
    %add3A = vector.broadcast %get3A_8 : vector<1x256xf32> to vector<1024x256xf32>
    %add3A_9 = arith.addf %dot_general3A_5, %add3A : vector<1024x256xf32>
    %slice3A = vector.extract_strided_slice %add3A_9 {offsets = [0, 0], sizes = [1024, 128], strides = [1, 1]} : vector<1024x256xf32> to vector<1024x128xf32>
    %slice3A_10 = vector.extract_strided_slice %add3A_9 {offsets = [0, 128], sizes = [1024, 128], strides = [1, 1]} : vector<1024x256xf32> to vector<1024x128xf32>
    %get3A_11 = arith.constant 0 : index
    %get3A_12 = arith.constant 0 : index
    %get3A_13 = vector.load %arg4[%get3A_11, %get3A_12] : memref<1024x128xf32, #tpu.memory_space<vmem>>, vector<1024x128xf32>
    %dot_general3A_14 = arith.constant dense<0.000000e+00> : vector<1024x1024xf32>
    %dot_general3A_15 = tpu.matmul %slice3A, %get3A_13, %dot_general3A_14 {dimension_numbers = #tpu.dot_dimension_numbers<[1], [1], [0], [0], [0, 0, 1, 0], [], []>, transpose_lhs_hint = false} : vector<1024x128xf32>, vector<1024x128xf32>, vector<1024x1024xf32> -> vector<1024x1024xf32>
    %get3A_16 = arith.constant 0 : index
    %get3A_17 = arith.constant 0 : index
    %get3A_18 = vector.load %arg5[%get3A_16, %get3A_17] : memref<1024x128xf32, #tpu.memory_space<vmem>>, vector<1024x128xf32>
    %dot_general3A_19 = arith.constant dense<0.000000e+00> : vector<1024x1024xf32>
    %dot_general3A_20 = tpu.matmul %slice3A_10, %get3A_18, %dot_general3A_19 {dimension_numbers = #tpu.dot_dimension_numbers<[1], [1], [0], [0], [0, 0, 1, 0], [], []>, transpose_lhs_hint = false} : vector<1024x128xf32>, vector<1024x128xf32>, vector<1024x1024xf32> -> vector<1024x1024xf32>
    %iota3A = tpu.iota {dimensions = array<i32: 1>} : vector<1024x1024xi32>
    %iota3A_21 = tpu.iota {dimensions = array<i32: 1>} : vector<1024x32xi32>
    %broadcast_in_dim3A = arith.constant 0xFF800000 : f32
    %broadcast_in_dim3A_22 = vector.broadcast %broadcast_in_dim3A : f32 to vector<1024x32xf32>
    %broadcast_in_dim3A_23 = arith.constant 0 : i32
    %broadcast_in_dim3A_24 = vector.broadcast %broadcast_in_dim3A_23 : i32 to vector<1024x32xi32>
    %scan3A = arith.constant 0 : i32
    %scan3A_25 = arith.constant 8 : i32
    %scan3A_26 = arith.addi %scan3A, %scan3A_25 : i32
    %scan3A_27 = arith.constant 1 : i32
    %scan3A_28:6 = scf.for %scan3A_919 = %scan3A to %scan3A_26 step %scan3A_27 iter_args(%scan3A_920 = %dot_general3A_15, %scan3A_921 = %dot_general3A_20, %scan3A_922 = %broadcast_in_dim3A_22, %scan3A_923 = %broadcast_in_dim3A_24, %scan3A_924 = %broadcast_in_dim3A_22, %scan3A_925 = %broadcast_in_dim3A_24) -> (vector<1024x1024xf32>, vector<1024x1024xf32>, vector<1024x32xf32>, vector<1024x32xi32>, vector<1024x32xf32>, vector<1024x32xi32>)  : i32 {
      %mul3A_926 = arith.constant 4 : i32
      %mul3A_927 = arith.muli %scan3A_919, %mul3A_926 : i32
      %add3A_928 = arith.constant 0 : i32
      %add3A_929 = arith.addi %mul3A_927, %add3A_928 : i32
      %reduce_max3A = arith.constant dense<0xFF800000> : vector<1024xf32>
      %reduce_max3A_930 = vector.multi_reduction <maximumf>, %scan3A_920, %reduce_max3A [1] : vector<1024x1024xf32> to vector<1024xf32>
      %reduce_max3A_931 = arith.constant dense<0xFF800000> : vector<1024xf32>
      %reduce_max3A_932 = vector.multi_reduction <maximumf>, %scan3A_921, %reduce_max3A_931 [1] : vector<1024x1024xf32> to vector<1024xf32>
      %broadcast_in_dim3A_933 = vector.shape_cast %reduce_max3A_930 : vector<1024xf32> to vector<1024x1xf32>
      %eq3A_934 = vector.broadcast %broadcast_in_dim3A_933 : vector<1024x1xf32> to vector<1024x1024xf32>
      %eq3A_935 = arith.cmpf oeq, %scan3A_920, %eq3A_934 : vector<1024x1024xf32>
      %jit3A_936 = arith.constant 1024 : i32
      %broadcast_in_dim3A_937 = vector.broadcast %jit3A_936 : i32 to vector<1024x1024xi32>
      %select_n3A_938 = arith.select %eq3A_935, %iota3A, %broadcast_in_dim3A_937 : vector<1024x1024xi1>, vector<1024x1024xi32>
      %reduce_min3A = arith.constant dense<2147483647> : vector<1024xi32>
      %reduce_min3A_939 = vector.multi_reduction <minsi>, %select_n3A_938, %reduce_min3A [1] : vector<1024x1024xi32> to vector<1024xi32>
      %broadcast_in_dim3A_940 = vector.shape_cast %reduce_max3A_932 : vector<1024xf32> to vector<1024x1xf32>
      %eq3A_941 = vector.broadcast %broadcast_in_dim3A_940 : vector<1024x1xf32> to vector<1024x1024xf32>
      %eq3A_942 = arith.cmpf oeq, %scan3A_921, %eq3A_941 : vector<1024x1024xf32>
      %jit3A_943 = arith.constant 1024 : i32
      %broadcast_in_dim3A_944 = vector.broadcast %jit3A_943 : i32 to vector<1024x1024xi32>
      %select_n3A_945 = arith.select %eq3A_942, %iota3A, %broadcast_in_dim3A_944 : vector<1024x1024xi1>, vector<1024x1024xi32>
      %reduce_min3A_946 = arith.constant dense<2147483647> : vector<1024xi32>
      %reduce_min3A_947 = vector.multi_reduction <minsi>, %select_n3A_945, %reduce_min3A_946 [1] : vector<1024x1024xi32> to vector<1024xi32>
      %eq3A_948 = vector.broadcast %add3A_929 : i32 to vector<1024x32xi32>
      %eq3A_949 = arith.cmpi eq, %iota3A_21, %eq3A_948 : vector<1024x32xi32>
      %broadcast_in_dim3A_950 = vector.shape_cast %reduce_max3A_930 : vector<1024xf32> to vector<1024x1xf32>
      %broadcast_in_dim3A_951 = vector.shape_cast %broadcast_in_dim3A_950 : vector<1024x1xf32> to vector<1024x1xf32>
      %broadcast_in_dim3A_952 = vector.broadcast %broadcast_in_dim3A_951 : vector<1024x1xf32> to vector<1024x32xf32>
      %select_n3A_953 = arith.select %eq3A_949, %broadcast_in_dim3A_952, %scan3A_922 : vector<1024x32xi1>, vector<1024x32xf32>
      %eq3A_954 = vector.broadcast %add3A_929 : i32 to vector<1024x32xi32>
      %eq3A_955 = arith.cmpi eq, %iota3A_21, %eq3A_954 : vector<1024x32xi32>
      %broadcast_in_dim3A_956 = vector.shape_cast %reduce_max3A_932 : vector<1024xf32> to vector<1024x1xf32>
      %broadcast_in_dim3A_957 = vector.shape_cast %broadcast_in_dim3A_956 : vector<1024x1xf32> to vector<1024x1xf32>
      %broadcast_in_dim3A_958 = vector.broadcast %broadcast_in_dim3A_957 : vector<1024x1xf32> to vector<1024x32xf32>
      %select_n3A_959 = arith.select %eq3A_955, %broadcast_in_dim3A_958, %scan3A_924 : vector<1024x32xi1>, vector<1024x32xf32>
      %eq3A_960 = vector.broadcast %add3A_929 : i32 to vector<1024x32xi32>
      %eq3A_961 = arith.cmpi eq, %iota3A_21, %eq3A_960 : vector<1024x32xi32>
      %broadcast_in_dim3A_962 = vector.shape_cast %reduce_min3A_939 : vector<1024xi32> to vector<1024x1xi32>
      %broadcast_in_dim3A_963 = vector.shape_cast %broadcast_in_dim3A_962 : vector<1024x1xi32> to vector<1024x1xi32>
      %broadcast_in_dim3A_964 = vector.broadcast %broadcast_in_dim3A_963 : vector<1024x1xi32> to vector<1024x32xi32>
      %select_n3A_965 = arith.select %eq3A_961, %broadcast_in_dim3A_964, %scan3A_923 : vector<1024x32xi1>, vector<1024x32xi32>
      %eq3A_966 = vector.broadcast %add3A_929 : i32 to vector<1024x32xi32>
      %eq3A_967 = arith.cmpi eq, %iota3A_21, %eq3A_966 : vector<1024x32xi32>
      %broadcast_in_dim3A_968 = vector.shape_cast %reduce_min3A_947 : vector<1024xi32> to vector<1024x1xi32>
      %broadcast_in_dim3A_969 = vector.shape_cast %broadcast_in_dim3A_968 : vector<1024x1xi32> to vector<1024x1xi32>
      %broadcast_in_dim3A_970 = vector.broadcast %broadcast_in_dim3A_969 : vector<1024x1xi32> to vector<1024x32xi32>
      %select_n3A_971 = arith.select %eq3A_967, %broadcast_in_dim3A_970, %scan3A_925 : vector<1024x32xi1>, vector<1024x32xi32>
      %broadcast_in_dim3A_972 = vector.shape_cast %reduce_min3A_939 : vector<1024xi32> to vector<1024x1xi32>
      %eq3A_973 = vector.broadcast %broadcast_in_dim3A_972 : vector<1024x1xi32> to vector<1024x1024xi32>
      %eq3A_974 = arith.cmpi eq, %iota3A, %eq3A_973 : vector<1024x1024xi32>
      %jit3A_975 = arith.constant 0xFF800000 : f32
      %broadcast_in_dim3A_976 = vector.broadcast %jit3A_975 : f32 to vector<1024x1024xf32>
      %select_n3A_977 = arith.select %eq3A_974, %broadcast_in_dim3A_976, %scan3A_920 : vector<1024x1024xi1>, vector<1024x1024xf32>
      %broadcast_in_dim3A_978 = vector.shape_cast %reduce_min3A_947 : vector<1024xi32> to vector<1024x1xi32>
      %eq3A_979 = vector.broadcast %broadcast_in_dim3A_978 : vector<1024x1xi32> to vector<1024x1024xi32>
      %eq3A_980 = arith.cmpi eq, %iota3A, %eq3A_979 : vector<1024x1024xi32>
      %jit3A_981 = arith.constant 0xFF800000 : f32
      %broadcast_in_dim3A_982 = vector.broadcast %jit3A_981 : f32 to vector<1024x1024xf32>
      %select_n3A_983 = arith.select %eq3A_980, %broadcast_in_dim3A_982, %scan3A_921 : vector<1024x1024xi1>, vector<1024x1024xf32>
      %mul3A_984 = arith.constant 4 : i32
      %mul3A_985 = arith.muli %scan3A_919, %mul3A_984 : i32
      %add3A_986 = arith.constant 1 : i32
      %add3A_987 = arith.addi %mul3A_985, %add3A_986 : i32
      %reduce_max3A_988 = arith.constant dense<0xFF800000> : vector<1024xf32>
      %reduce_max3A_989 = vector.multi_reduction <maximumf>, %select_n3A_977, %reduce_max3A_988 [1] : vector<1024x1024xf32> to vector<1024xf32>
      %reduce_max3A_990 = arith.constant dense<0xFF800000> : vector<1024xf32>
      %reduce_max3A_991 = vector.multi_reduction <maximumf>, %select_n3A_983, %reduce_max3A_990 [1] : vector<1024x1024xf32> to vector<1024xf32>
      %broadcast_in_dim3A_992 = vector.shape_cast %reduce_max3A_989 : vector<1024xf32> to vector<1024x1xf32>
      %eq3A_993 = vector.broadcast %broadcast_in_dim3A_992 : vector<1024x1xf32> to vector<1024x1024xf32>
      %eq3A_994 = arith.cmpf oeq, %select_n3A_977, %eq3A_993 : vector<1024x1024xf32>
      %jit3A_995 = arith.constant 1024 : i32
      %broadcast_in_dim3A_996 = vector.broadcast %jit3A_995 : i32 to vector<1024x1024xi32>
      %select_n3A_997 = arith.select %eq3A_994, %iota3A, %broadcast_in_dim3A_996 : vector<1024x1024xi1>, vector<1024x1024xi32>
      %reduce_min3A_998 = arith.constant dense<2147483647> : vector<1024xi32>
      %reduce_min3A_999 = vector.multi_reduction <minsi>, %select_n3A_997, %reduce_min3A_998 [1] : vector<1024x1024xi32> to vector<1024xi32>
      %broadcast_in_dim3A_1000 = vector.shape_cast %reduce_max3A_991 : vector<1024xf32> to vector<1024x1xf32>
      %eq3A_1001 = vector.broadcast %broadcast_in_dim3A_1000 : vector<1024x1xf32> to vector<1024x1024xf32>
      %eq3A_1002 = arith.cmpf oeq, %select_n3A_983, %eq3A_1001 : vector<1024x1024xf32>
      %jit3A_1003 = arith.constant 1024 : i32
      %broadcast_in_dim3A_1004 = vector.broadcast %jit3A_1003 : i32 to vector<1024x1024xi32>
      %select_n3A_1005 = arith.select %eq3A_1002, %iota3A, %broadcast_in_dim3A_1004 : vector<1024x1024xi1>, vector<1024x1024xi32>
      %reduce_min3A_1006 = arith.constant dense<2147483647> : vector<1024xi32>
      %reduce_min3A_1007 = vector.multi_reduction <minsi>, %select_n3A_1005, %reduce_min3A_1006 [1] : vector<1024x1024xi32> to vector<1024xi32>
      %eq3A_1008 = vector.broadcast %add3A_987 : i32 to vector<1024x32xi32>
      %eq3A_1009 = arith.cmpi eq, %iota3A_21, %eq3A_1008 : vector<1024x32xi32>
      %broadcast_in_dim3A_1010 = vector.shape_cast %reduce_max3A_989 : vector<1024xf32> to vector<1024x1xf32>
      %broadcast_in_dim3A_1011 = vector.shape_cast %broadcast_in_dim3A_1010 : vector<1024x1xf32> to vector<1024x1xf32>
      %broadcast_in_dim3A_1012 = vector.broadcast %broadcast_in_dim3A_1011 : vector<1024x1xf32> to vector<1024x32xf32>
      %select_n3A_1013 = arith.select %eq3A_1009, %broadcast_in_dim3A_1012, %select_n3A_953 : vector<1024x32xi1>, vector<1024x32xf32>
      %eq3A_1014 = vector.broadcast %add3A_987 : i32 to vector<1024x32xi32>
      %eq3A_1015 = arith.cmpi eq, %iota3A_21, %eq3A_1014 : vector<1024x32xi32>
      %broadcast_in_dim3A_1016 = vector.shape_cast %reduce_max3A_991 : vector<1024xf32> to vector<1024x1xf32>
      %broadcast_in_dim3A_1017 = vector.shape_cast %broadcast_in_dim3A_1016 : vector<1024x1xf32> to vector<1024x1xf32>
      %broadcast_in_dim3A_1018 = vector.broadcast %broadcast_in_dim3A_1017 : vector<1024x1xf32> to vector<1024x32xf32>
      %select_n3A_1019 = arith.select %eq3A_1015, %broadcast_in_dim3A_1018, %select_n3A_959 : vector<1024x32xi1>, vector<1024x32xf32>
      %eq3A_1020 = vector.broadcast %add3A_987 : i32 to vector<1024x32xi32>
      %eq3A_1021 = arith.cmpi eq, %iota3A_21, %eq3A_1020 : vector<1024x32xi32>
      %broadcast_in_dim3A_1022 = vector.shape_cast %reduce_min3A_999 : vector<1024xi32> to vector<1024x1xi32>
      %broadcast_in_dim3A_1023 = vector.shape_cast %broadcast_in_dim3A_1022 : vector<1024x1xi32> to vector<1024x1xi32>
      %broadcast_in_dim3A_1024 = vector.broadcast %broadcast_in_dim3A_1023 : vector<1024x1xi32> to vector<1024x32xi32>
      %select_n3A_1025 = arith.select %eq3A_1021, %broadcast_in_dim3A_1024, %select_n3A_965 : vector<1024x32xi1>, vector<1024x32xi32>
      %eq3A_1026 = vector.broadcast %add3A_987 : i32 to vector<1024x32xi32>
      %eq3A_1027 = arith.cmpi eq, %iota3A_21, %eq3A_1026 : vector<1024x32xi32>
      %broadcast_in_dim3A_1028 = vector.shape_cast %reduce_min3A_1007 : vector<1024xi32> to vector<1024x1xi32>
      %broadcast_in_dim3A_1029 = vector.shape_cast %broadcast_in_dim3A_1028 : vector<1024x1xi32> to vector<1024x1xi32>
      %broadcast_in_dim3A_1030 = vector.broadcast %broadcast_in_dim3A_1029 : vector<1024x1xi32> to vector<1024x32xi32>
      %select_n3A_1031 = arith.select %eq3A_1027, %broadcast_in_dim3A_1030, %select_n3A_971 : vector<1024x32xi1>, vector<1024x32xi32>
      %broadcast_in_dim3A_1032 = vector.shape_cast %reduce_min3A_999 : vector<1024xi32> to vector<1024x1xi32>
      %eq3A_1033 = vector.broadcast %broadcast_in_dim3A_1032 : vector<1024x1xi32> to vector<1024x1024xi32>
      %eq3A_1034 = arith.cmpi eq, %iota3A, %eq3A_1033 : vector<1024x1024xi32>
      %jit3A_1035 = arith.constant 0xFF800000 : f32
      %broadcast_in_dim3A_1036 = vector.broadcast %jit3A_1035 : f32 to vector<1024x1024xf32>
      %select_n3A_1037 = arith.select %eq3A_1034, %broadcast_in_dim3A_1036, %select_n3A_977 : vector<1024x1024xi1>, vector<1024x1024xf32>
      %broadcast_in_dim3A_1038 = vector.shape_cast %reduce_min3A_1007 : vector<1024xi32> to vector<1024x1xi32>
      %eq3A_1039 = vector.broadcast %broadcast_in_dim3A_1038 : vector<1024x1xi32> to vector<1024x1024xi32>
      %eq3A_1040 = arith.cmpi eq, %iota3A, %eq3A_1039 : vector<1024x1024xi32>
      %jit3A_1041 = arith.constant 0xFF800000 : f32
      %broadcast_in_dim3A_1042 = vector.broadcast %jit3A_1041 : f32 to vector<1024x1024xf32>
      %select_n3A_1043 = arith.select %eq3A_1040, %broadcast_in_dim3A_1042, %select_n3A_983 : vector<1024x1024xi1>, vector<1024x1024xf32>
      %mul3A_1044 = arith.constant 4 : i32
      %mul3A_1045 = arith.muli %scan3A_919, %mul3A_1044 : i32
      %add3A_1046 = arith.constant 2 : i32
      %add3A_1047 = arith.addi %mul3A_1045, %add3A_1046 : i32
      %reduce_max3A_1048 = arith.constant dense<0xFF800000> : vector<1024xf32>
      %reduce_max3A_1049 = vector.multi_reduction <maximumf>, %select_n3A_1037, %reduce_max3A_1048 [1] : vector<1024x1024xf32> to vector<1024xf32>
      %reduce_max3A_1050 = arith.constant dense<0xFF800000> : vector<1024xf32>
      %reduce_max3A_1051 = vector.multi_reduction <maximumf>, %select_n3A_1043, %reduce_max3A_1050 [1] : vector<1024x1024xf32> to vector<1024xf32>
      %broadcast_in_dim3A_1052 = vector.shape_cast %reduce_max3A_1049 : vector<1024xf32> to vector<1024x1xf32>
      %eq3A_1053 = vector.broadcast %broadcast_in_dim3A_1052 : vector<1024x1xf32> to vector<1024x1024xf32>
      %eq3A_1054 = arith.cmpf oeq, %select_n3A_1037, %eq3A_1053 : vector<1024x1024xf32>
      %jit3A_1055 = arith.constant 1024 : i32
      %broadcast_in_dim3A_1056 = vector.broadcast %jit3A_1055 : i32 to vector<1024x1024xi32>
      %select_n3A_1057 = arith.select %eq3A_1054, %iota3A, %broadcast_in_dim3A_1056 : vector<1024x1024xi1>, vector<1024x1024xi32>
      %reduce_min3A_1058 = arith.constant dense<2147483647> : vector<1024xi32>
      %reduce_min3A_1059 = vector.multi_reduction <minsi>, %select_n3A_1057, %reduce_min3A_1058 [1] : vector<1024x1024xi32> to vector<1024xi32>
      %broadcast_in_dim3A_1060 = vector.shape_cast %reduce_max3A_1051 : vector<1024xf32> to vector<1024x1xf32>
      %eq3A_1061 = vector.broadcast %broadcast_in_dim3A_1060 : vector<1024x1xf32> to vector<1024x1024xf32>
      %eq3A_1062 = arith.cmpf oeq, %select_n3A_1043, %eq3A_1061 : vector<1024x1024xf32>
      %jit3A_1063 = arith.constant 1024 : i32
      %broadcast_in_dim3A_1064 = vector.broadcast %jit3A_1063 : i32 to vector<1024x1024xi32>
      %select_n3A_1065 = arith.select %eq3A_1062, %iota3A, %broadcast_in_dim3A_1064 : vector<1024x1024xi1>, vector<1024x1024xi32>
      %reduce_min3A_1066 = arith.constant dense<2147483647> : vector<1024xi32>
      %reduce_min3A_1067 = vector.multi_reduction <minsi>, %select_n3A_1065, %reduce_min3A_1066 [1] : vector<1024x1024xi32> to vector<1024xi32>
      %eq3A_1068 = vector.broadcast %add3A_1047 : i32 to vector<1024x32xi32>
      %eq3A_1069 = arith.cmpi eq, %iota3A_21, %eq3A_1068 : vector<1024x32xi32>
      %broadcast_in_dim3A_1070 = vector.shape_cast %reduce_max3A_1049 : vector<1024xf32> to vector<1024x1xf32>
      %broadcast_in_dim3A_1071 = vector.shape_cast %broadcast_in_dim3A_1070 : vector<1024x1xf32> to vector<1024x1xf32>
      %broadcast_in_dim3A_1072 = vector.broadcast %broadcast_in_dim3A_1071 : vector<1024x1xf32> to vector<1024x32xf32>
      %select_n3A_1073 = arith.select %eq3A_1069, %broadcast_in_dim3A_1072, %select_n3A_1013 : vector<1024x32xi1>, vector<1024x32xf32>
      %eq3A_1074 = vector.broadcast %add3A_1047 : i32 to vector<1024x32xi32>
      %eq3A_1075 = arith.cmpi eq, %iota3A_21, %eq3A_1074 : vector<1024x32xi32>
      %broadcast_in_dim3A_1076 = vector.shape_cast %reduce_max3A_1051 : vector<1024xf32> to vector<1024x1xf32>
      %broadcast_in_dim3A_1077 = vector.shape_cast %broadcast_in_dim3A_1076 : vector<1024x1xf32> to vector<1024x1xf32>
      %broadcast_in_dim3A_1078 = vector.broadcast %broadcast_in_dim3A_1077 : vector<1024x1xf32> to vector<1024x32xf32>
      %select_n3A_1079 = arith.select %eq3A_1075, %broadcast_in_dim3A_1078, %select_n3A_1019 : vector<1024x32xi1>, vector<1024x32xf32>
      %eq3A_1080 = vector.broadcast %add3A_1047 : i32 to vector<1024x32xi32>
      %eq3A_1081 = arith.cmpi eq, %iota3A_21, %eq3A_1080 : vector<1024x32xi32>
      %broadcast_in_dim3A_1082 = vector.shape_cast %reduce_min3A_1059 : vector<1024xi32> to vector<1024x1xi32>
      %broadcast_in_dim3A_1083 = vector.shape_cast %broadcast_in_dim3A_1082 : vector<1024x1xi32> to vector<1024x1xi32>
      %broadcast_in_dim3A_1084 = vector.broadcast %broadcast_in_dim3A_1083 : vector<1024x1xi32> to vector<1024x32xi32>
      %select_n3A_1085 = arith.select %eq3A_1081, %broadcast_in_dim3A_1084, %select_n3A_1025 : vector<1024x32xi1>, vector<1024x32xi32>
      %eq3A_1086 = vector.broadcast %add3A_1047 : i32 to vector<1024x32xi32>
      %eq3A_1087 = arith.cmpi eq, %iota3A_21, %eq3A_1086 : vector<1024x32xi32>
      %broadcast_in_dim3A_1088 = vector.shape_cast %reduce_min3A_1067 : vector<1024xi32> to vector<1024x1xi32>
      %broadcast_in_dim3A_1089 = vector.shape_cast %broadcast_in_dim3A_1088 : vector<1024x1xi32> to vector<1024x1xi32>
      %broadcast_in_dim3A_1090 = vector.broadcast %broadcast_in_dim3A_1089 : vector<1024x1xi32> to vector<1024x32xi32>
      %select_n3A_1091 = arith.select %eq3A_1087, %broadcast_in_dim3A_1090, %select_n3A_1031 : vector<1024x32xi1>, vector<1024x32xi32>
      %broadcast_in_dim3A_1092 = vector.shape_cast %reduce_min3A_1059 : vector<1024xi32> to vector<1024x1xi32>
      %eq3A_1093 = vector.broadcast %broadcast_in_dim3A_1092 : vector<1024x1xi32> to vector<1024x1024xi32>
      %eq3A_1094 = arith.cmpi eq, %iota3A, %eq3A_1093 : vector<1024x1024xi32>
      %jit3A_1095 = arith.constant 0xFF800000 : f32
      %broadcast_in_dim3A_1096 = vector.broadcast %jit3A_1095 : f32 to vector<1024x1024xf32>
      %select_n3A_1097 = arith.select %eq3A_1094, %broadcast_in_dim3A_1096, %select_n3A_1037 : vector<1024x1024xi1>, vector<1024x1024xf32>
      %broadcast_in_dim3A_1098 = vector.shape_cast %reduce_min3A_1067 : vector<1024xi32> to vector<1024x1xi32>
      %eq3A_1099 = vector.broadcast %broadcast_in_dim3A_1098 : vector<1024x1xi32> to vector<1024x1024xi32>
      %eq3A_1100 = arith.cmpi eq, %iota3A, %eq3A_1099 : vector<1024x1024xi32>
      %jit3A_1101 = arith.constant 0xFF800000 : f32
      %broadcast_in_dim3A_1102 = vector.broadcast %jit3A_1101 : f32 to vector<1024x1024xf32>
      %select_n3A_1103 = arith.select %eq3A_1100, %broadcast_in_dim3A_1102, %select_n3A_1043 : vector<1024x1024xi1>, vector<1024x1024xf32>
      %mul3A_1104 = arith.constant 4 : i32
      %mul3A_1105 = arith.muli %scan3A_919, %mul3A_1104 : i32
      %add3A_1106 = arith.constant 3 : i32
      %add3A_1107 = arith.addi %mul3A_1105, %add3A_1106 : i32
      %reduce_max3A_1108 = arith.constant dense<0xFF800000> : vector<1024xf32>
      %reduce_max3A_1109 = vector.multi_reduction <maximumf>, %select_n3A_1097, %reduce_max3A_1108 [1] : vector<1024x1024xf32> to vector<1024xf32>
      %reduce_max3A_1110 = arith.constant dense<0xFF800000> : vector<1024xf32>
      %reduce_max3A_1111 = vector.multi_reduction <maximumf>, %select_n3A_1103, %reduce_max3A_1110 [1] : vector<1024x1024xf32> to vector<1024xf32>
      %broadcast_in_dim3A_1112 = vector.shape_cast %reduce_max3A_1109 : vector<1024xf32> to vector<1024x1xf32>
      %eq3A_1113 = vector.broadcast %broadcast_in_dim3A_1112 : vector<1024x1xf32> to vector<1024x1024xf32>
      %eq3A_1114 = arith.cmpf oeq, %select_n3A_1097, %eq3A_1113 : vector<1024x1024xf32>
      %jit3A_1115 = arith.constant 1024 : i32
      %broadcast_in_dim3A_1116 = vector.broadcast %jit3A_1115 : i32 to vector<1024x1024xi32>
      %select_n3A_1117 = arith.select %eq3A_1114, %iota3A, %broadcast_in_dim3A_1116 : vector<1024x1024xi1>, vector<1024x1024xi32>
      %reduce_min3A_1118 = arith.constant dense<2147483647> : vector<1024xi32>
      %reduce_min3A_1119 = vector.multi_reduction <minsi>, %select_n3A_1117, %reduce_min3A_1118 [1] : vector<1024x1024xi32> to vector<1024xi32>
      %broadcast_in_dim3A_1120 = vector.shape_cast %reduce_max3A_1111 : vector<1024xf32> to vector<1024x1xf32>
      %eq3A_1121 = vector.broadcast %broadcast_in_dim3A_1120 : vector<1024x1xf32> to vector<1024x1024xf32>
      %eq3A_1122 = arith.cmpf oeq, %select_n3A_1103, %eq3A_1121 : vector<1024x1024xf32>
      %jit3A_1123 = arith.constant 1024 : i32
      %broadcast_in_dim3A_1124 = vector.broadcast %jit3A_1123 : i32 to vector<1024x1024xi32>
      %select_n3A_1125 = arith.select %eq3A_1122, %iota3A, %broadcast_in_dim3A_1124 : vector<1024x1024xi1>, vector<1024x1024xi32>
      %reduce_min3A_1126 = arith.constant dense<2147483647> : vector<1024xi32>
      %reduce_min3A_1127 = vector.multi_reduction <minsi>, %select_n3A_1125, %reduce_min3A_1126 [1] : vector<1024x1024xi32> to vector<1024xi32>
      %eq3A_1128 = vector.broadcast %add3A_1107 : i32 to vector<1024x32xi32>
      %eq3A_1129 = arith.cmpi eq, %iota3A_21, %eq3A_1128 : vector<1024x32xi32>
      %broadcast_in_dim3A_1130 = vector.shape_cast %reduce_max3A_1109 : vector<1024xf32> to vector<1024x1xf32>
      %broadcast_in_dim3A_1131 = vector.shape_cast %broadcast_in_dim3A_1130 : vector<1024x1xf32> to vector<1024x1xf32>
      %broadcast_in_dim3A_1132 = vector.broadcast %broadcast_in_dim3A_1131 : vector<1024x1xf32> to vector<1024x32xf32>
      %select_n3A_1133 = arith.select %eq3A_1129, %broadcast_in_dim3A_1132, %select_n3A_1073 : vector<1024x32xi1>, vector<1024x32xf32>
      %eq3A_1134 = vector.broadcast %add3A_1107 : i32 to vector<1024x32xi32>
      %eq3A_1135 = arith.cmpi eq, %iota3A_21, %eq3A_1134 : vector<1024x32xi32>
      %broadcast_in_dim3A_1136 = vector.shape_cast %reduce_max3A_1111 : vector<1024xf32> to vector<1024x1xf32>
      %broadcast_in_dim3A_1137 = vector.shape_cast %broadcast_in_dim3A_1136 : vector<1024x1xf32> to vector<1024x1xf32>
      %broadcast_in_dim3A_1138 = vector.broadcast %broadcast_in_dim3A_1137 : vector<1024x1xf32> to vector<1024x32xf32>
      %select_n3A_1139 = arith.select %eq3A_1135, %broadcast_in_dim3A_1138, %select_n3A_1079 : vector<1024x32xi1>, vector<1024x32xf32>
      %eq3A_1140 = vector.broadcast %add3A_1107 : i32 to vector<1024x32xi32>
      %eq3A_1141 = arith.cmpi eq, %iota3A_21, %eq3A_1140 : vector<1024x32xi32>
      %broadcast_in_dim3A_1142 = vector.shape_cast %reduce_min3A_1119 : vector<1024xi32> to vector<1024x1xi32>
      %broadcast_in_dim3A_1143 = vector.shape_cast %broadcast_in_dim3A_1142 : vector<1024x1xi32> to vector<1024x1xi32>
      %broadcast_in_dim3A_1144 = vector.broadcast %broadcast_in_dim3A_1143 : vector<1024x1xi32> to vector<1024x32xi32>
      %select_n3A_1145 = arith.select %eq3A_1141, %broadcast_in_dim3A_1144, %select_n3A_1085 : vector<1024x32xi1>, vector<1024x32xi32>
      %eq3A_1146 = vector.broadcast %add3A_1107 : i32 to vector<1024x32xi32>
      %eq3A_1147 = arith.cmpi eq, %iota3A_21, %eq3A_1146 : vector<1024x32xi32>
      %broadcast_in_dim3A_1148 = vector.shape_cast %reduce_min3A_1127 : vector<1024xi32> to vector<1024x1xi32>
      %broadcast_in_dim3A_1149 = vector.shape_cast %broadcast_in_dim3A_1148 : vector<1024x1xi32> to vector<1024x1xi32>
      %broadcast_in_dim3A_1150 = vector.broadcast %broadcast_in_dim3A_1149 : vector<1024x1xi32> to vector<1024x32xi32>
      %select_n3A_1151 = arith.select %eq3A_1147, %broadcast_in_dim3A_1150, %select_n3A_1091 : vector<1024x32xi1>, vector<1024x32xi32>
      %broadcast_in_dim3A_1152 = vector.shape_cast %reduce_min3A_1119 : vector<1024xi32> to vector<1024x1xi32>
      %eq3A_1153 = vector.broadcast %broadcast_in_dim3A_1152 : vector<1024x1xi32> to vector<1024x1024xi32>
      %eq3A_1154 = arith.cmpi eq, %iota3A, %eq3A_1153 : vector<1024x1024xi32>
      %jit3A_1155 = arith.constant 0xFF800000 : f32
      %broadcast_in_dim3A_1156 = vector.broadcast %jit3A_1155 : f32 to vector<1024x1024xf32>
      %select_n3A_1157 = arith.select %eq3A_1154, %broadcast_in_dim3A_1156, %select_n3A_1097 : vector<1024x1024xi1>, vector<1024x1024xf32>
      %broadcast_in_dim3A_1158 = vector.shape_cast %reduce_min3A_1127 : vector<1024xi32> to vector<1024x1xi32>
      %eq3A_1159 = vector.broadcast %broadcast_in_dim3A_1158 : vector<1024x1xi32> to vector<1024x1024xi32>
      %eq3A_1160 = arith.cmpi eq, %iota3A, %eq3A_1159 : vector<1024x1024xi32>
      %jit3A_1161 = arith.constant 0xFF800000 : f32
      %broadcast_in_dim3A_1162 = vector.broadcast %jit3A_1161 : f32 to vector<1024x1024xf32>
      %select_n3A_1163 = arith.select %eq3A_1160, %broadcast_in_dim3A_1162, %select_n3A_1103 : vector<1024x1024xi1>, vector<1024x1024xf32>
      scf.yield %select_n3A_1157, %select_n3A_1163, %select_n3A_1133, %select_n3A_1145, %select_n3A_1139, %select_n3A_1151 : vector<1024x1024xf32>, vector<1024x1024xf32>, vector<1024x32xf32>, vector<1024x32xi32>, vector<1024x32xf32>, vector<1024x32xi32>
    }
    %scan3A_29 = arith.constant 8 : i32
    %slice3A_30 = vector.extract_strided_slice %scan3A_28#2 {offsets = [0, 0], sizes = [1024, 1], strides = [1, 1]} : vector<1024x32xf32> to vector<1024x1xf32>
    %add3A_31 = vector.broadcast %slice3A_30 : vector<1024x1xf32> to vector<1024x32xf32>
    %add3A_32 = arith.addf %scan3A_28#4, %add3A_31 : vector<1024x32xf32>
    %slice3A_33 = vector.extract_strided_slice %scan3A_28#4 {offsets = [0, 0], sizes = [1024, 16], strides = [1, 1]} : vector<1024x32xf32> to vector<1024x16xf32>
    %slice3A_34 = vector.extract_strided_slice %scan3A_28#2 {offsets = [0, 1], sizes = [1024, 1], strides = [1, 1]} : vector<1024x32xf32> to vector<1024x1xf32>
    %add3A_35 = vector.broadcast %slice3A_34 : vector<1024x1xf32> to vector<1024x16xf32>
    %add3A_36 = arith.addf %slice3A_33, %add3A_35 : vector<1024x16xf32>
    %slice3A_37 = vector.extract_strided_slice %scan3A_28#4 {offsets = [0, 0], sizes = [1024, 12], strides = [1, 1]} : vector<1024x32xf32> to vector<1024x12xf32>
    %slice3A_38 = vector.extract_strided_slice %scan3A_28#2 {offsets = [0, 2], sizes = [1024, 1], strides = [1, 1]} : vector<1024x32xf32> to vector<1024x1xf32>
    %add3A_39 = vector.broadcast %slice3A_38 : vector<1024x1xf32> to vector<1024x12xf32>
    %add3A_40 = arith.addf %slice3A_37, %add3A_39 : vector<1024x12xf32>
    %slice3A_41 = vector.extract_strided_slice %scan3A_28#4 {offsets = [0, 0], sizes = [1024, 8], strides = [1, 1]} : vector<1024x32xf32> to vector<1024x8xf32>
    %slice3A_42 = vector.extract_strided_slice %scan3A_28#2 {offsets = [0, 3], sizes = [1024, 1], strides = [1, 1]} : vector<1024x32xf32> to vector<1024x1xf32>
    %add3A_43 = vector.broadcast %slice3A_42 : vector<1024x1xf32> to vector<1024x8xf32>
    %add3A_44 = arith.addf %slice3A_41, %add3A_43 : vector<1024x8xf32>
    %slice3A_45 = vector.extract_strided_slice %scan3A_28#4 {offsets = [0, 0], sizes = [1024, 8], strides = [1, 1]} : vector<1024x32xf32> to vector<1024x8xf32>
    %slice3A_46 = vector.extract_strided_slice %scan3A_28#2 {offsets = [0, 4], sizes = [1024, 1], strides = [1, 1]} : vector<1024x32xf32> to vector<1024x1xf32>
    %add3A_47 = vector.broadcast %slice3A_46 : vector<1024x1xf32> to vector<1024x8xf32>
    %add3A_48 = arith.addf %slice3A_45, %add3A_47 : vector<1024x8xf32>
    %slice3A_49 = vector.extract_strided_slice %scan3A_28#4 {offsets = [0, 0], sizes = [1024, 8], strides = [1, 1]} : vector<1024x32xf32> to vector<1024x8xf32>
    %slice3A_50 = vector.extract_strided_slice %scan3A_28#2 {offsets = [0, 5], sizes = [1024, 1], strides = [1, 1]} : vector<1024x32xf32> to vector<1024x1xf32>
    %add3A_51 = vector.broadcast %slice3A_50 : vector<1024x1xf32> to vector<1024x8xf32>
    %add3A_52 = arith.addf %slice3A_49, %add3A_51 : vector<1024x8xf32>
    %slice3A_53 = vector.extract_strided_slice %scan3A_28#4 {offsets = [0, 0], sizes = [1024, 4], strides = [1, 1]} : vector<1024x32xf32> to vector<1024x4xf32>
    %slice3A_54 = vector.extract_strided_slice %scan3A_28#2 {offsets = [0, 6], sizes = [1024, 1], strides = [1, 1]} : vector<1024x32xf32> to vector<1024x1xf32>
    %add3A_55 = vector.broadcast %slice3A_54 : vector<1024x1xf32> to vector<1024x4xf32>
    %add3A_56 = arith.addf %slice3A_53, %add3A_55 : vector<1024x4xf32>
    %slice3A_57 = vector.extract_strided_slice %scan3A_28#4 {offsets = [0, 0], sizes = [1024, 4], strides = [1, 1]} : vector<1024x32xf32> to vector<1024x4xf32>
    %slice3A_58 = vector.extract_strided_slice %scan3A_28#2 {offsets = [0, 7], sizes = [1024, 1], strides = [1, 1]} : vector<1024x32xf32> to vector<1024x1xf32>
    %add3A_59 = vector.broadcast %slice3A_58 : vector<1024x1xf32> to vector<1024x4xf32>
    %add3A_60 = arith.addf %slice3A_57, %add3A_59 : vector<1024x4xf32>
    %slice3A_61 = vector.extract_strided_slice %scan3A_28#4 {offsets = [0, 0], sizes = [1024, 4], strides = [1, 1]} : vector<1024x32xf32> to vector<1024x4xf32>
    %slice3A_62 = vector.extract_strided_slice %scan3A_28#2 {offsets = [0, 8], sizes = [1024, 1], strides = [1, 1]} : vector<1024x32xf32> to vector<1024x1xf32>
    %add3A_63 = vector.broadcast %slice3A_62 : vector<1024x1xf32> to vector<1024x4xf32>
    %add3A_64 = arith.addf %slice3A_61, %add3A_63 : vector<1024x4xf32>
    %slice3A_65 = vector.extract_strided_slice %scan3A_28#4 {offsets = [0, 0], sizes = [1024, 4], strides = [1, 1]} : vector<1024x32xf32> to vector<1024x4xf32>
    %slice3A_66 = vector.extract_strided_slice %scan3A_28#2 {offsets = [0, 9], sizes = [1024, 1], strides = [1, 1]} : vector<1024x32xf32> to vector<1024x1xf32>
    %add3A_67 = vector.broadcast %slice3A_66 : vector<1024x1xf32> to vector<1024x4xf32>
    %add3A_68 = arith.addf %slice3A_65, %add3A_67 : vector<1024x4xf32>
    %slice3A_69 = vector.extract_strided_slice %scan3A_28#4 {offsets = [0, 0], sizes = [1024, 2], strides = [1, 1]} : vector<1024x32xf32> to vector<1024x2xf32>
    %slice3A_70 = vector.extract_strided_slice %scan3A_28#2 {offsets = [0, 10], sizes = [1024, 1], strides = [1, 1]} : vector<1024x32xf32> to vector<1024x1xf32>
    %add3A_71 = vector.broadcast %slice3A_70 : vector<1024x1xf32> to vector<1024x2xf32>
    %add3A_72 = arith.addf %slice3A_69, %add3A_71 : vector<1024x2xf32>
    %slice3A_73 = vector.extract_strided_slice %scan3A_28#4 {offsets = [0, 0], sizes = [1024, 2], strides = [1, 1]} : vector<1024x32xf32> to vector<1024x2xf32>
    %slice3A_74 = vector.extract_strided_slice %scan3A_28#2 {offsets = [0, 11], sizes = [1024, 1], strides = [1, 1]} : vector<1024x32xf32> to vector<1024x1xf32>
    %add3A_75 = vector.broadcast %slice3A_74 : vector<1024x1xf32> to vector<1024x2xf32>
    %add3A_76 = arith.addf %slice3A_73, %add3A_75 : vector<1024x2xf32>
    %slice3A_77 = vector.extract_strided_slice %scan3A_28#4 {offsets = [0, 0], sizes = [1024, 2], strides = [1, 1]} : vector<1024x32xf32> to vector<1024x2xf32>
    %slice3A_78 = vector.extract_strided_slice %scan3A_28#2 {offsets = [0, 12], sizes = [1024, 1], strides = [1, 1]} : vector<1024x32xf32> to vector<1024x1xf32>
    %add3A_79 = vector.broadcast %slice3A_78 : vector<1024x1xf32> to vector<1024x2xf32>
    %add3A_80 = arith.addf %slice3A_77, %add3A_79 : vector<1024x2xf32>
    %slice3A_81 = vector.extract_strided_slice %scan3A_28#4 {offsets = [0, 0], sizes = [1024, 2], strides = [1, 1]} : vector<1024x32xf32> to vector<1024x2xf32>
    %slice3A_82 = vector.extract_strided_slice %scan3A_28#2 {offsets = [0, 13], sizes = [1024, 1], strides = [1, 1]} : vector<1024x32xf32> to vector<1024x1xf32>
    %add3A_83 = vector.broadcast %slice3A_82 : vector<1024x1xf32> to vector<1024x2xf32>
    %add3A_84 = arith.addf %slice3A_81, %add3A_83 : vector<1024x2xf32>
    %slice3A_85 = vector.extract_strided_slice %scan3A_28#4 {offsets = [0, 0], sizes = [1024, 2], strides = [1, 1]} : vector<1024x32xf32> to vector<1024x2xf32>
    %slice3A_86 = vector.extract_strided_slice %scan3A_28#2 {offsets = [0, 14], sizes = [1024, 1], strides = [1, 1]} : vector<1024x32xf32> to vector<1024x1xf32>
    %add3A_87 = vector.broadcast %slice3A_86 : vector<1024x1xf32> to vector<1024x2xf32>
    %add3A_88 = arith.addf %slice3A_85, %add3A_87 : vector<1024x2xf32>
    %slice3A_89 = vector.extract_strided_slice %scan3A_28#4 {offsets = [0, 0], sizes = [1024, 2], strides = [1, 1]} : vector<1024x32xf32> to vector<1024x2xf32>
    %slice3A_90 = vector.extract_strided_slice %scan3A_28#2 {offsets = [0, 15], sizes = [1024, 1], strides = [1, 1]} : vector<1024x32xf32> to vector<1024x1xf32>
    %add3A_91 = vector.broadcast %slice3A_90 : vector<1024x1xf32> to vector<1024x2xf32>
    %add3A_92 = arith.addf %slice3A_89, %add3A_91 : vector<1024x2xf32>
    %slice3A_93 = vector.extract_strided_slice %scan3A_28#2 {offsets = [0, 16], sizes = [1024, 16], strides = [1, 1]} : vector<1024x32xf32> to vector<1024x16xf32>
    %slice3A_94 = vector.extract_strided_slice %scan3A_28#4 {offsets = [0, 0], sizes = [1024, 1], strides = [1, 1]} : vector<1024x32xf32> to vector<1024x1xf32>
    %add3A_95 = vector.broadcast %slice3A_94 : vector<1024x1xf32> to vector<1024x16xf32>
    %add3A_96 = arith.addf %slice3A_93, %add3A_95 : vector<1024x16xf32>
    %concatenate3A = tpu.concatenate %add3A_32, %add3A_36, %add3A_40, %add3A_44, %add3A_48, %add3A_52, %add3A_56, %add3A_60, %add3A_64, %add3A_68, %add3A_72, %add3A_76, %add3A_80, %add3A_84, %add3A_88, %add3A_92, %add3A_96 in 1 : vector<1024x32xf32>, vector<1024x16xf32>, vector<1024x12xf32>, vector<1024x8xf32>, vector<1024x8xf32>, vector<1024x8xf32>, vector<1024x4xf32>, vector<1024x4xf32>, vector<1024x4xf32>, vector<1024x4xf32>, vector<1024x2xf32>, vector<1024x2xf32>, vector<1024x2xf32>, vector<1024x2xf32>, vector<1024x2xf32>, vector<1024x2xf32>, vector<1024x16xf32> -> vector<1024x128xf32>
    %iota3A_97 = tpu.iota {dimensions = array<i32: 1>} : vector<1024x128xi32>
    %iota3A_98 = tpu.iota {dimensions = array<i32: 1>} : vector<1024x32xi32>
    %broadcast_in_dim3A_99 = arith.constant 0xFF800000 : f32
    %broadcast_in_dim3A_100 = vector.broadcast %broadcast_in_dim3A_99 : f32 to vector<1024x32xf32>
    %broadcast_in_dim3A_101 = arith.constant 0 : i32
    %broadcast_in_dim3A_102 = vector.broadcast %broadcast_in_dim3A_101 : i32 to vector<1024x32xi32>
    %scan3A_103 = arith.constant 0 : i32
    %scan3A_104 = arith.constant 8 : i32
    %scan3A_105 = arith.addi %scan3A_103, %scan3A_104 : i32
    %scan3A_106 = arith.constant 1 : i32
    %scan3A_107:3 = scf.for %scan3A_919 = %scan3A_103 to %scan3A_105 step %scan3A_106 iter_args(%scan3A_920 = %concatenate3A, %scan3A_921 = %broadcast_in_dim3A_100, %scan3A_922 = %broadcast_in_dim3A_102) -> (vector<1024x128xf32>, vector<1024x32xf32>, vector<1024x32xi32>)  : i32 {
      %mul3A_923 = arith.constant 4 : i32
      %mul3A_924 = arith.muli %scan3A_919, %mul3A_923 : i32
      %add3A_925 = arith.constant 0 : i32
      %add3A_926 = arith.addi %mul3A_924, %add3A_925 : i32
      %reduce_max3A = arith.constant dense<0xFF800000> : vector<1024xf32>
      %reduce_max3A_927 = vector.multi_reduction <maximumf>, %scan3A_920, %reduce_max3A [1] : vector<1024x128xf32> to vector<1024xf32>
      %broadcast_in_dim3A_928 = vector.shape_cast %reduce_max3A_927 : vector<1024xf32> to vector<1024x1xf32>
      %eq3A_929 = vector.broadcast %broadcast_in_dim3A_928 : vector<1024x1xf32> to vector<1024x128xf32>
      %eq3A_930 = arith.cmpf oeq, %scan3A_920, %eq3A_929 : vector<1024x128xf32>
      %jit3A_931 = arith.constant 128 : i32
      %broadcast_in_dim3A_932 = vector.broadcast %jit3A_931 : i32 to vector<1024x128xi32>
      %select_n3A_933 = arith.select %eq3A_930, %iota3A_97, %broadcast_in_dim3A_932 : vector<1024x128xi1>, vector<1024x128xi32>
      %reduce_min3A = arith.constant dense<2147483647> : vector<1024xi32>
      %reduce_min3A_934 = vector.multi_reduction <minsi>, %select_n3A_933, %reduce_min3A [1] : vector<1024x128xi32> to vector<1024xi32>
      %eq3A_935 = vector.broadcast %add3A_926 : i32 to vector<1024x32xi32>
      %eq3A_936 = arith.cmpi eq, %iota3A_98, %eq3A_935 : vector<1024x32xi32>
      %broadcast_in_dim3A_937 = vector.shape_cast %reduce_max3A_927 : vector<1024xf32> to vector<1024x1xf32>
      %broadcast_in_dim3A_938 = vector.shape_cast %broadcast_in_dim3A_937 : vector<1024x1xf32> to vector<1024x1xf32>
      %broadcast_in_dim3A_939 = vector.broadcast %broadcast_in_dim3A_938 : vector<1024x1xf32> to vector<1024x32xf32>
      %select_n3A_940 = arith.select %eq3A_936, %broadcast_in_dim3A_939, %scan3A_921 : vector<1024x32xi1>, vector<1024x32xf32>
      %eq3A_941 = vector.broadcast %add3A_926 : i32 to vector<1024x32xi32>
      %eq3A_942 = arith.cmpi eq, %iota3A_98, %eq3A_941 : vector<1024x32xi32>
      %broadcast_in_dim3A_943 = vector.shape_cast %reduce_min3A_934 : vector<1024xi32> to vector<1024x1xi32>
      %broadcast_in_dim3A_944 = vector.shape_cast %broadcast_in_dim3A_943 : vector<1024x1xi32> to vector<1024x1xi32>
      %broadcast_in_dim3A_945 = vector.broadcast %broadcast_in_dim3A_944 : vector<1024x1xi32> to vector<1024x32xi32>
      %select_n3A_946 = arith.select %eq3A_942, %broadcast_in_dim3A_945, %scan3A_922 : vector<1024x32xi1>, vector<1024x32xi32>
      %broadcast_in_dim3A_947 = vector.shape_cast %reduce_min3A_934 : vector<1024xi32> to vector<1024x1xi32>
      %eq3A_948 = vector.broadcast %broadcast_in_dim3A_947 : vector<1024x1xi32> to vector<1024x128xi32>
      %eq3A_949 = arith.cmpi eq, %iota3A_97, %eq3A_948 : vector<1024x128xi32>
      %jit3A_950 = arith.constant 0xFF800000 : f32
      %broadcast_in_dim3A_951 = vector.broadcast %jit3A_950 : f32 to vector<1024x128xf32>
      %select_n3A_952 = arith.select %eq3A_949, %broadcast_in_dim3A_951, %scan3A_920 : vector<1024x128xi1>, vector<1024x128xf32>
      %mul3A_953 = arith.constant 4 : i32
      %mul3A_954 = arith.muli %scan3A_919, %mul3A_953 : i32
      %add3A_955 = arith.constant 1 : i32
      %add3A_956 = arith.addi %mul3A_954, %add3A_955 : i32
      %reduce_max3A_957 = arith.constant dense<0xFF800000> : vector<1024xf32>
      %reduce_max3A_958 = vector.multi_reduction <maximumf>, %select_n3A_952, %reduce_max3A_957 [1] : vector<1024x128xf32> to vector<1024xf32>
      %broadcast_in_dim3A_959 = vector.shape_cast %reduce_max3A_958 : vector<1024xf32> to vector<1024x1xf32>
      %eq3A_960 = vector.broadcast %broadcast_in_dim3A_959 : vector<1024x1xf32> to vector<1024x128xf32>
      %eq3A_961 = arith.cmpf oeq, %select_n3A_952, %eq3A_960 : vector<1024x128xf32>
      %jit3A_962 = arith.constant 128 : i32
      %broadcast_in_dim3A_963 = vector.broadcast %jit3A_962 : i32 to vector<1024x128xi32>
      %select_n3A_964 = arith.select %eq3A_961, %iota3A_97, %broadcast_in_dim3A_963 : vector<1024x128xi1>, vector<1024x128xi32>
      %reduce_min3A_965 = arith.constant dense<2147483647> : vector<1024xi32>
      %reduce_min3A_966 = vector.multi_reduction <minsi>, %select_n3A_964, %reduce_min3A_965 [1] : vector<1024x128xi32> to vector<1024xi32>
      %eq3A_967 = vector.broadcast %add3A_956 : i32 to vector<1024x32xi32>
      %eq3A_968 = arith.cmpi eq, %iota3A_98, %eq3A_967 : vector<1024x32xi32>
      %broadcast_in_dim3A_969 = vector.shape_cast %reduce_max3A_958 : vector<1024xf32> to vector<1024x1xf32>
      %broadcast_in_dim3A_970 = vector.shape_cast %broadcast_in_dim3A_969 : vector<1024x1xf32> to vector<1024x1xf32>
      %broadcast_in_dim3A_971 = vector.broadcast %broadcast_in_dim3A_970 : vector<1024x1xf32> to vector<1024x32xf32>
      %select_n3A_972 = arith.select %eq3A_968, %broadcast_in_dim3A_971, %select_n3A_940 : vector<1024x32xi1>, vector<1024x32xf32>
      %eq3A_973 = vector.broadcast %add3A_956 : i32 to vector<1024x32xi32>
      %eq3A_974 = arith.cmpi eq, %iota3A_98, %eq3A_973 : vector<1024x32xi32>
      %broadcast_in_dim3A_975 = vector.shape_cast %reduce_min3A_966 : vector<1024xi32> to vector<1024x1xi32>
      %broadcast_in_dim3A_976 = vector.shape_cast %broadcast_in_dim3A_975 : vector<1024x1xi32> to vector<1024x1xi32>
      %broadcast_in_dim3A_977 = vector.broadcast %broadcast_in_dim3A_976 : vector<1024x1xi32> to vector<1024x32xi32>
      %select_n3A_978 = arith.select %eq3A_974, %broadcast_in_dim3A_977, %select_n3A_946 : vector<1024x32xi1>, vector<1024x32xi32>
      %broadcast_in_dim3A_979 = vector.shape_cast %reduce_min3A_966 : vector<1024xi32> to vector<1024x1xi32>
      %eq3A_980 = vector.broadcast %broadcast_in_dim3A_979 : vector<1024x1xi32> to vector<1024x128xi32>
      %eq3A_981 = arith.cmpi eq, %iota3A_97, %eq3A_980 : vector<1024x128xi32>
      %jit3A_982 = arith.constant 0xFF800000 : f32
      %broadcast_in_dim3A_983 = vector.broadcast %jit3A_982 : f32 to vector<1024x128xf32>
      %select_n3A_984 = arith.select %eq3A_981, %broadcast_in_dim3A_983, %select_n3A_952 : vector<1024x128xi1>, vector<1024x128xf32>
      %mul3A_985 = arith.constant 4 : i32
      %mul3A_986 = arith.muli %scan3A_919, %mul3A_985 : i32
      %add3A_987 = arith.constant 2 : i32
      %add3A_988 = arith.addi %mul3A_986, %add3A_987 : i32
      %reduce_max3A_989 = arith.constant dense<0xFF800000> : vector<1024xf32>
      %reduce_max3A_990 = vector.multi_reduction <maximumf>, %select_n3A_984, %reduce_max3A_989 [1] : vector<1024x128xf32> to vector<1024xf32>
      %broadcast_in_dim3A_991 = vector.shape_cast %reduce_max3A_990 : vector<1024xf32> to vector<1024x1xf32>
      %eq3A_992 = vector.broadcast %broadcast_in_dim3A_991 : vector<1024x1xf32> to vector<1024x128xf32>
      %eq3A_993 = arith.cmpf oeq, %select_n3A_984, %eq3A_992 : vector<1024x128xf32>
      %jit3A_994 = arith.constant 128 : i32
      %broadcast_in_dim3A_995 = vector.broadcast %jit3A_994 : i32 to vector<1024x128xi32>
      %select_n3A_996 = arith.select %eq3A_993, %iota3A_97, %broadcast_in_dim3A_995 : vector<1024x128xi1>, vector<1024x128xi32>
      %reduce_min3A_997 = arith.constant dense<2147483647> : vector<1024xi32>
      %reduce_min3A_998 = vector.multi_reduction <minsi>, %select_n3A_996, %reduce_min3A_997 [1] : vector<1024x128xi32> to vector<1024xi32>
      %eq3A_999 = vector.broadcast %add3A_988 : i32 to vector<1024x32xi32>
      %eq3A_1000 = arith.cmpi eq, %iota3A_98, %eq3A_999 : vector<1024x32xi32>
      %broadcast_in_dim3A_1001 = vector.shape_cast %reduce_max3A_990 : vector<1024xf32> to vector<1024x1xf32>
      %broadcast_in_dim3A_1002 = vector.shape_cast %broadcast_in_dim3A_1001 : vector<1024x1xf32> to vector<1024x1xf32>
      %broadcast_in_dim3A_1003 = vector.broadcast %broadcast_in_dim3A_1002 : vector<1024x1xf32> to vector<1024x32xf32>
      %select_n3A_1004 = arith.select %eq3A_1000, %broadcast_in_dim3A_1003, %select_n3A_972 : vector<1024x32xi1>, vector<1024x32xf32>
      %eq3A_1005 = vector.broadcast %add3A_988 : i32 to vector<1024x32xi32>
      %eq3A_1006 = arith.cmpi eq, %iota3A_98, %eq3A_1005 : vector<1024x32xi32>
      %broadcast_in_dim3A_1007 = vector.shape_cast %reduce_min3A_998 : vector<1024xi32> to vector<1024x1xi32>
      %broadcast_in_dim3A_1008 = vector.shape_cast %broadcast_in_dim3A_1007 : vector<1024x1xi32> to vector<1024x1xi32>
      %broadcast_in_dim3A_1009 = vector.broadcast %broadcast_in_dim3A_1008 : vector<1024x1xi32> to vector<1024x32xi32>
      %select_n3A_1010 = arith.select %eq3A_1006, %broadcast_in_dim3A_1009, %select_n3A_978 : vector<1024x32xi1>, vector<1024x32xi32>
      %broadcast_in_dim3A_1011 = vector.shape_cast %reduce_min3A_998 : vector<1024xi32> to vector<1024x1xi32>
      %eq3A_1012 = vector.broadcast %broadcast_in_dim3A_1011 : vector<1024x1xi32> to vector<1024x128xi32>
      %eq3A_1013 = arith.cmpi eq, %iota3A_97, %eq3A_1012 : vector<1024x128xi32>
      %jit3A_1014 = arith.constant 0xFF800000 : f32
      %broadcast_in_dim3A_1015 = vector.broadcast %jit3A_1014 : f32 to vector<1024x128xf32>
      %select_n3A_1016 = arith.select %eq3A_1013, %broadcast_in_dim3A_1015, %select_n3A_984 : vector<1024x128xi1>, vector<1024x128xf32>
      %mul3A_1017 = arith.constant 4 : i32
      %mul3A_1018 = arith.muli %scan3A_919, %mul3A_1017 : i32
      %add3A_1019 = arith.constant 3 : i32
      %add3A_1020 = arith.addi %mul3A_1018, %add3A_1019 : i32
      %reduce_max3A_1021 = arith.constant dense<0xFF800000> : vector<1024xf32>
      %reduce_max3A_1022 = vector.multi_reduction <maximumf>, %select_n3A_1016, %reduce_max3A_1021 [1] : vector<1024x128xf32> to vector<1024xf32>
      %broadcast_in_dim3A_1023 = vector.shape_cast %reduce_max3A_1022 : vector<1024xf32> to vector<1024x1xf32>
      %eq3A_1024 = vector.broadcast %broadcast_in_dim3A_1023 : vector<1024x1xf32> to vector<1024x128xf32>
      %eq3A_1025 = arith.cmpf oeq, %select_n3A_1016, %eq3A_1024 : vector<1024x128xf32>
      %jit3A_1026 = arith.constant 128 : i32
      %broadcast_in_dim3A_1027 = vector.broadcast %jit3A_1026 : i32 to vector<1024x128xi32>
      %select_n3A_1028 = arith.select %eq3A_1025, %iota3A_97, %broadcast_in_dim3A_1027 : vector<1024x128xi1>, vector<1024x128xi32>
      %reduce_min3A_1029 = arith.constant dense<2147483647> : vector<1024xi32>
      %reduce_min3A_1030 = vector.multi_reduction <minsi>, %select_n3A_1028, %reduce_min3A_1029 [1] : vector<1024x128xi32> to vector<1024xi32>
      %eq3A_1031 = vector.broadcast %add3A_1020 : i32 to vector<1024x32xi32>
      %eq3A_1032 = arith.cmpi eq, %iota3A_98, %eq3A_1031 : vector<1024x32xi32>
      %broadcast_in_dim3A_1033 = vector.shape_cast %reduce_max3A_1022 : vector<1024xf32> to vector<1024x1xf32>
      %broadcast_in_dim3A_1034 = vector.shape_cast %broadcast_in_dim3A_1033 : vector<1024x1xf32> to vector<1024x1xf32>
      %broadcast_in_dim3A_1035 = vector.broadcast %broadcast_in_dim3A_1034 : vector<1024x1xf32> to vector<1024x32xf32>
      %select_n3A_1036 = arith.select %eq3A_1032, %broadcast_in_dim3A_1035, %select_n3A_1004 : vector<1024x32xi1>, vector<1024x32xf32>
      %eq3A_1037 = vector.broadcast %add3A_1020 : i32 to vector<1024x32xi32>
      %eq3A_1038 = arith.cmpi eq, %iota3A_98, %eq3A_1037 : vector<1024x32xi32>
      %broadcast_in_dim3A_1039 = vector.shape_cast %reduce_min3A_1030 : vector<1024xi32> to vector<1024x1xi32>
      %broadcast_in_dim3A_1040 = vector.shape_cast %broadcast_in_dim3A_1039 : vector<1024x1xi32> to vector<1024x1xi32>
      %broadcast_in_dim3A_1041 = vector.broadcast %broadcast_in_dim3A_1040 : vector<1024x1xi32> to vector<1024x32xi32>
      %select_n3A_1042 = arith.select %eq3A_1038, %broadcast_in_dim3A_1041, %select_n3A_1010 : vector<1024x32xi1>, vector<1024x32xi32>
      %broadcast_in_dim3A_1043 = vector.shape_cast %reduce_min3A_1030 : vector<1024xi32> to vector<1024x1xi32>
      %eq3A_1044 = vector.broadcast %broadcast_in_dim3A_1043 : vector<1024x1xi32> to vector<1024x128xi32>
      %eq3A_1045 = arith.cmpi eq, %iota3A_97, %eq3A_1044 : vector<1024x128xi32>
      %jit3A_1046 = arith.constant 0xFF800000 : f32
      %broadcast_in_dim3A_1047 = vector.broadcast %jit3A_1046 : f32 to vector<1024x128xf32>
      %select_n3A_1048 = arith.select %eq3A_1045, %broadcast_in_dim3A_1047, %select_n3A_1016 : vector<1024x128xi1>, vector<1024x128xf32>
      scf.yield %select_n3A_1048, %select_n3A_1036, %select_n3A_1042 : vector<1024x128xf32>, vector<1024x32xf32>, vector<1024x32xi32>
    }
    %scan3A_108 = arith.constant 8 : i32
    %broadcast_in_dim3A_109 = arith.constant 0 : i32
    %broadcast_in_dim3A_110 = vector.broadcast %broadcast_in_dim3A_109 : i32 to vector<1024x32xi32>
    %broadcast_in_dim3A_111 = arith.constant 0 : i32
    %broadcast_in_dim3A_112 = vector.broadcast %broadcast_in_dim3A_111 : i32 to vector<1024x32xi32>
    %ge3A = arith.constant 32 : i32
    %ge3A_113 = vector.broadcast %ge3A : i32 to vector<1024x32xi32>
    %ge3A_114 = arith.cmpi sge, %scan3A_107#2, %ge3A_113 : vector<1024x32xi32>
    %convert_element_type3A = arith.extui %ge3A_114 : vector<1024x32xi1> to vector<1024x32xi32>
    %add3A_115 = arith.addi %broadcast_in_dim3A_110, %convert_element_type3A : vector<1024x32xi32>
    %mul3A = arith.constant 32 : i32
    %mul3A_116 = vector.broadcast %mul3A : i32 to vector<1024x32xi32>
    %mul3A_117 = arith.muli %convert_element_type3A, %mul3A_116 : vector<1024x32xi32>
    %add3A_118 = arith.addi %broadcast_in_dim3A_112, %mul3A_117 : vector<1024x32xi32>
    %ge3A_119 = arith.constant 48 : i32
    %ge3A_120 = vector.broadcast %ge3A_119 : i32 to vector<1024x32xi32>
    %ge3A_121 = arith.cmpi sge, %scan3A_107#2, %ge3A_120 : vector<1024x32xi32>
    %convert_element_type3A_122 = arith.extui %ge3A_121 : vector<1024x32xi1> to vector<1024x32xi32>
    %add3A_123 = arith.addi %add3A_115, %convert_element_type3A_122 : vector<1024x32xi32>
    %mul3A_124 = arith.constant 16 : i32
    %mul3A_125 = vector.broadcast %mul3A_124 : i32 to vector<1024x32xi32>
    %mul3A_126 = arith.muli %convert_element_type3A_122, %mul3A_125 : vector<1024x32xi32>
    %add3A_127 = arith.addi %add3A_118, %mul3A_126 : vector<1024x32xi32>
    %ge3A_128 = arith.constant 60 : i32
    %ge3A_129 = vector.broadcast %ge3A_128 : i32 to vector<1024x32xi32>
    %ge3A_130 = arith.cmpi sge, %scan3A_107#2, %ge3A_129 : vector<1024x32xi32>
    %convert_element_type3A_131 = arith.extui %ge3A_130 : vector<1024x32xi1> to vector<1024x32xi32>
    %add3A_132 = arith.addi %add3A_123, %convert_element_type3A_131 : vector<1024x32xi32>
    %mul3A_133 = arith.constant 12 : i32
    %mul3A_134 = vector.broadcast %mul3A_133 : i32 to vector<1024x32xi32>
    %mul3A_135 = arith.muli %convert_element_type3A_131, %mul3A_134 : vector<1024x32xi32>
    %add3A_136 = arith.addi %add3A_127, %mul3A_135 : vector<1024x32xi32>
    %ge3A_137 = arith.constant 68 : i32
    %ge3A_138 = vector.broadcast %ge3A_137 : i32 to vector<1024x32xi32>
    %ge3A_139 = arith.cmpi sge, %scan3A_107#2, %ge3A_138 : vector<1024x32xi32>
    %convert_element_type3A_140 = arith.extui %ge3A_139 : vector<1024x32xi1> to vector<1024x32xi32>
    %add3A_141 = arith.addi %add3A_132, %convert_element_type3A_140 : vector<1024x32xi32>
    %mul3A_142 = arith.constant 8 : i32
    %mul3A_143 = vector.broadcast %mul3A_142 : i32 to vector<1024x32xi32>
    %mul3A_144 = arith.muli %convert_element_type3A_140, %mul3A_143 : vector<1024x32xi32>
    %add3A_145 = arith.addi %add3A_136, %mul3A_144 : vector<1024x32xi32>
    %ge3A_146 = arith.constant 76 : i32
    %ge3A_147 = vector.broadcast %ge3A_146 : i32 to vector<1024x32xi32>
    %ge3A_148 = arith.cmpi sge, %scan3A_107#2, %ge3A_147 : vector<1024x32xi32>
    %convert_element_type3A_149 = arith.extui %ge3A_148 : vector<1024x32xi1> to vector<1024x32xi32>
    %add3A_150 = arith.addi %add3A_141, %convert_element_type3A_149 : vector<1024x32xi32>
    %mul3A_151 = arith.constant 8 : i32
    %mul3A_152 = vector.broadcast %mul3A_151 : i32 to vector<1024x32xi32>
    %mul3A_153 = arith.muli %convert_element_type3A_149, %mul3A_152 : vector<1024x32xi32>
    %add3A_154 = arith.addi %add3A_145, %mul3A_153 : vector<1024x32xi32>
    %ge3A_155 = arith.constant 84 : i32
    %ge3A_156 = vector.broadcast %ge3A_155 : i32 to vector<1024x32xi32>
    %ge3A_157 = arith.cmpi sge, %scan3A_107#2, %ge3A_156 : vector<1024x32xi32>
    %convert_element_type3A_158 = arith.extui %ge3A_157 : vector<1024x32xi1> to vector<1024x32xi32>
    %add3A_159 = arith.addi %add3A_150, %convert_element_type3A_158 : vector<1024x32xi32>
    %mul3A_160 = arith.constant 8 : i32
    %mul3A_161 = vector.broadcast %mul3A_160 : i32 to vector<1024x32xi32>
    %mul3A_162 = arith.muli %convert_element_type3A_158, %mul3A_161 : vector<1024x32xi32>
    %add3A_163 = arith.addi %add3A_154, %mul3A_162 : vector<1024x32xi32>
    %ge3A_164 = arith.constant 88 : i32
    %ge3A_165 = vector.broadcast %ge3A_164 : i32 to vector<1024x32xi32>
    %ge3A_166 = arith.cmpi sge, %scan3A_107#2, %ge3A_165 : vector<1024x32xi32>
    %convert_element_type3A_167 = arith.extui %ge3A_166 : vector<1024x32xi1> to vector<1024x32xi32>
    %add3A_168 = arith.addi %add3A_159, %convert_element_type3A_167 : vector<1024x32xi32>
    %mul3A_169 = arith.constant 4 : i32
    %mul3A_170 = vector.broadcast %mul3A_169 : i32 to vector<1024x32xi32>
    %mul3A_171 = arith.muli %convert_element_type3A_167, %mul3A_170 : vector<1024x32xi32>
    %add3A_172 = arith.addi %add3A_163, %mul3A_171 : vector<1024x32xi32>
    %ge3A_173 = arith.constant 92 : i32
    %ge3A_174 = vector.broadcast %ge3A_173 : i32 to vector<1024x32xi32>
    %ge3A_175 = arith.cmpi sge, %scan3A_107#2, %ge3A_174 : vector<1024x32xi32>
    %convert_element_type3A_176 = arith.extui %ge3A_175 : vector<1024x32xi1> to vector<1024x32xi32>
    %add3A_177 = arith.addi %add3A_168, %convert_element_type3A_176 : vector<1024x32xi32>
    %mul3A_178 = arith.constant 4 : i32
    %mul3A_179 = vector.broadcast %mul3A_178 : i32 to vector<1024x32xi32>
    %mul3A_180 = arith.muli %convert_element_type3A_176, %mul3A_179 : vector<1024x32xi32>
    %add3A_181 = arith.addi %add3A_172, %mul3A_180 : vector<1024x32xi32>
    %ge3A_182 = arith.constant 96 : i32
    %ge3A_183 = vector.broadcast %ge3A_182 : i32 to vector<1024x32xi32>
    %ge3A_184 = arith.cmpi sge, %scan3A_107#2, %ge3A_183 : vector<1024x32xi32>
    %convert_element_type3A_185 = arith.extui %ge3A_184 : vector<1024x32xi1> to vector<1024x32xi32>
    %add3A_186 = arith.addi %add3A_177, %convert_element_type3A_185 : vector<1024x32xi32>
    %mul3A_187 = arith.constant 4 : i32
    %mul3A_188 = vector.broadcast %mul3A_187 : i32 to vector<1024x32xi32>
    %mul3A_189 = arith.muli %convert_element_type3A_185, %mul3A_188 : vector<1024x32xi32>
    %add3A_190 = arith.addi %add3A_181, %mul3A_189 : vector<1024x32xi32>
    %ge3A_191 = arith.constant 100 : i32
    %ge3A_192 = vector.broadcast %ge3A_191 : i32 to vector<1024x32xi32>
    %ge3A_193 = arith.cmpi sge, %scan3A_107#2, %ge3A_192 : vector<1024x32xi32>
    %convert_element_type3A_194 = arith.extui %ge3A_193 : vector<1024x32xi1> to vector<1024x32xi32>
    %add3A_195 = arith.addi %add3A_186, %convert_element_type3A_194 : vector<1024x32xi32>
    %mul3A_196 = arith.constant 4 : i32
    %mul3A_197 = vector.broadcast %mul3A_196 : i32 to vector<1024x32xi32>
    %mul3A_198 = arith.muli %convert_element_type3A_194, %mul3A_197 : vector<1024x32xi32>
    %add3A_199 = arith.addi %add3A_190, %mul3A_198 : vector<1024x32xi32>
    %ge3A_200 = arith.constant 102 : i32
    %ge3A_201 = vector.broadcast %ge3A_200 : i32 to vector<1024x32xi32>
    %ge3A_202 = arith.cmpi sge, %scan3A_107#2, %ge3A_201 : vector<1024x32xi32>
    %convert_element_type3A_203 = arith.extui %ge3A_202 : vector<1024x32xi1> to vector<1024x32xi32>
    %add3A_204 = arith.addi %add3A_195, %convert_element_type3A_203 : vector<1024x32xi32>
    %mul3A_205 = arith.constant 2 : i32
    %mul3A_206 = vector.broadcast %mul3A_205 : i32 to vector<1024x32xi32>
    %mul3A_207 = arith.muli %convert_element_type3A_203, %mul3A_206 : vector<1024x32xi32>
    %add3A_208 = arith.addi %add3A_199, %mul3A_207 : vector<1024x32xi32>
    %ge3A_209 = arith.constant 104 : i32
    %ge3A_210 = vector.broadcast %ge3A_209 : i32 to vector<1024x32xi32>
    %ge3A_211 = arith.cmpi sge, %scan3A_107#2, %ge3A_210 : vector<1024x32xi32>
    %convert_element_type3A_212 = arith.extui %ge3A_211 : vector<1024x32xi1> to vector<1024x32xi32>
    %add3A_213 = arith.addi %add3A_204, %convert_element_type3A_212 : vector<1024x32xi32>
    %mul3A_214 = arith.constant 2 : i32
    %mul3A_215 = vector.broadcast %mul3A_214 : i32 to vector<1024x32xi32>
    %mul3A_216 = arith.muli %convert_element_type3A_212, %mul3A_215 : vector<1024x32xi32>
    %add3A_217 = arith.addi %add3A_208, %mul3A_216 : vector<1024x32xi32>
    %ge3A_218 = arith.constant 106 : i32
    %ge3A_219 = vector.broadcast %ge3A_218 : i32 to vector<1024x32xi32>
    %ge3A_220 = arith.cmpi sge, %scan3A_107#2, %ge3A_219 : vector<1024x32xi32>
    %convert_element_type3A_221 = arith.extui %ge3A_220 : vector<1024x32xi1> to vector<1024x32xi32>
    %add3A_222 = arith.addi %add3A_213, %convert_element_type3A_221 : vector<1024x32xi32>
    %mul3A_223 = arith.constant 2 : i32
    %mul3A_224 = vector.broadcast %mul3A_223 : i32 to vector<1024x32xi32>
    %mul3A_225 = arith.muli %convert_element_type3A_221, %mul3A_224 : vector<1024x32xi32>
    %add3A_226 = arith.addi %add3A_217, %mul3A_225 : vector<1024x32xi32>
    %ge3A_227 = arith.constant 108 : i32
    %ge3A_228 = vector.broadcast %ge3A_227 : i32 to vector<1024x32xi32>
    %ge3A_229 = arith.cmpi sge, %scan3A_107#2, %ge3A_228 : vector<1024x32xi32>
    %convert_element_type3A_230 = arith.extui %ge3A_229 : vector<1024x32xi1> to vector<1024x32xi32>
    %add3A_231 = arith.addi %add3A_222, %convert_element_type3A_230 : vector<1024x32xi32>
    %mul3A_232 = arith.constant 2 : i32
    %mul3A_233 = vector.broadcast %mul3A_232 : i32 to vector<1024x32xi32>
    %mul3A_234 = arith.muli %convert_element_type3A_230, %mul3A_233 : vector<1024x32xi32>
    %add3A_235 = arith.addi %add3A_226, %mul3A_234 : vector<1024x32xi32>
    %ge3A_236 = arith.constant 110 : i32
    %ge3A_237 = vector.broadcast %ge3A_236 : i32 to vector<1024x32xi32>
    %ge3A_238 = arith.cmpi sge, %scan3A_107#2, %ge3A_237 : vector<1024x32xi32>
    %convert_element_type3A_239 = arith.extui %ge3A_238 : vector<1024x32xi1> to vector<1024x32xi32>
    %add3A_240 = arith.addi %add3A_231, %convert_element_type3A_239 : vector<1024x32xi32>
    %mul3A_241 = arith.constant 2 : i32
    %mul3A_242 = vector.broadcast %mul3A_241 : i32 to vector<1024x32xi32>
    %mul3A_243 = arith.muli %convert_element_type3A_239, %mul3A_242 : vector<1024x32xi32>
    %add3A_244 = arith.addi %add3A_235, %mul3A_243 : vector<1024x32xi32>
    %ge3A_245 = arith.constant 112 : i32
    %ge3A_246 = vector.broadcast %ge3A_245 : i32 to vector<1024x32xi32>
    %ge3A_247 = arith.cmpi sge, %scan3A_107#2, %ge3A_246 : vector<1024x32xi32>
    %sub3A = arith.constant 96 : i32
    %sub3A_248 = vector.broadcast %sub3A : i32 to vector<1024x32xi32>
    %sub3A_249 = arith.subi %scan3A_107#2, %sub3A_248 : vector<1024x32xi32>
    %select_n3A = arith.select %ge3A_247, %sub3A_249, %add3A_240 : vector<1024x32xi1>, vector<1024x32xi32>
    %sub3A_250 = arith.subi %scan3A_107#2, %add3A_244 : vector<1024x32xi32>
    %jit3A = arith.constant 0 : i32
    %broadcast_in_dim3A_251 = vector.broadcast %jit3A : i32 to vector<1024x32xi32>
    %select_n3A_252 = arith.select %ge3A_247, %broadcast_in_dim3A_251, %sub3A_250 : vector<1024x32xi1>, vector<1024x32xi32>
    %broadcast_in_dim3A_253 = arith.constant 0 : i32
    %broadcast_in_dim3A_254 = vector.broadcast %broadcast_in_dim3A_253 : i32 to vector<1024x32xi32>
    %broadcast_in_dim3A_255 = arith.constant 0 : i32
    %broadcast_in_dim3A_256 = vector.broadcast %broadcast_in_dim3A_255 : i32 to vector<1024x32xi32>
    %eq3A = arith.constant 0 : i32
    %eq3A_257 = vector.broadcast %eq3A : i32 to vector<1024x32xi32>
    %eq3A_258 = arith.cmpi eq, %select_n3A, %eq3A_257 : vector<1024x32xi32>
    %slice3A_259 = vector.extract_strided_slice %scan3A_28#3 {offsets = [0, 0], sizes = [1024, 1], strides = [1, 1]} : vector<1024x32xi32> to vector<1024x1xi32>
    %jit3A_260 = arith.constant 0 : i32
    %broadcast_in_dim3A_261 = vector.shape_cast %slice3A_259 : vector<1024x1xi32> to vector<1024x1xi32>
    %broadcast_in_dim3A_262 = vector.broadcast %broadcast_in_dim3A_261 : vector<1024x1xi32> to vector<1024x32xi32>
    %broadcast_in_dim3A_263 = vector.broadcast %jit3A_260 : i32 to vector<1024x32xi32>
    %select_n3A_264 = arith.select %eq3A_258, %broadcast_in_dim3A_262, %broadcast_in_dim3A_263 : vector<1024x32xi1>, vector<1024x32xi32>
    %add3A_265 = arith.addi %broadcast_in_dim3A_254, %select_n3A_264 : vector<1024x32xi32>
    %eq3A_266 = arith.constant 0 : i32
    %eq3A_267 = vector.broadcast %eq3A_266 : i32 to vector<1024x32xi32>
    %eq3A_268 = arith.cmpi eq, %select_n3A_252, %eq3A_267 : vector<1024x32xi32>
    %slice3A_269 = vector.extract_strided_slice %scan3A_28#5 {offsets = [0, 0], sizes = [1024, 1], strides = [1, 1]} : vector<1024x32xi32> to vector<1024x1xi32>
    %jit3A_270 = arith.constant 0 : i32
    %broadcast_in_dim3A_271 = vector.shape_cast %slice3A_269 : vector<1024x1xi32> to vector<1024x1xi32>
    %broadcast_in_dim3A_272 = vector.broadcast %broadcast_in_dim3A_271 : vector<1024x1xi32> to vector<1024x32xi32>
    %broadcast_in_dim3A_273 = vector.broadcast %jit3A_270 : i32 to vector<1024x32xi32>
    %select_n3A_274 = arith.select %eq3A_268, %broadcast_in_dim3A_272, %broadcast_in_dim3A_273 : vector<1024x32xi1>, vector<1024x32xi32>
    %add3A_275 = arith.addi %broadcast_in_dim3A_256, %select_n3A_274 : vector<1024x32xi32>
    %eq3A_276 = arith.constant 1 : i32
    %eq3A_277 = vector.broadcast %eq3A_276 : i32 to vector<1024x32xi32>
    %eq3A_278 = arith.cmpi eq, %select_n3A, %eq3A_277 : vector<1024x32xi32>
    %slice3A_279 = vector.extract_strided_slice %scan3A_28#3 {offsets = [0, 1], sizes = [1024, 1], strides = [1, 1]} : vector<1024x32xi32> to vector<1024x1xi32>
    %jit3A_280 = arith.constant 0 : i32
    %broadcast_in_dim3A_281 = vector.shape_cast %slice3A_279 : vector<1024x1xi32> to vector<1024x1xi32>
    %broadcast_in_dim3A_282 = vector.broadcast %broadcast_in_dim3A_281 : vector<1024x1xi32> to vector<1024x32xi32>
    %broadcast_in_dim3A_283 = vector.broadcast %jit3A_280 : i32 to vector<1024x32xi32>
    %select_n3A_284 = arith.select %eq3A_278, %broadcast_in_dim3A_282, %broadcast_in_dim3A_283 : vector<1024x32xi1>, vector<1024x32xi32>
    %add3A_285 = arith.addi %add3A_265, %select_n3A_284 : vector<1024x32xi32>
    %eq3A_286 = arith.constant 1 : i32
    %eq3A_287 = vector.broadcast %eq3A_286 : i32 to vector<1024x32xi32>
    %eq3A_288 = arith.cmpi eq, %select_n3A_252, %eq3A_287 : vector<1024x32xi32>
    %slice3A_289 = vector.extract_strided_slice %scan3A_28#5 {offsets = [0, 1], sizes = [1024, 1], strides = [1, 1]} : vector<1024x32xi32> to vector<1024x1xi32>
    %jit3A_290 = arith.constant 0 : i32
    %broadcast_in_dim3A_291 = vector.shape_cast %slice3A_289 : vector<1024x1xi32> to vector<1024x1xi32>
    %broadcast_in_dim3A_292 = vector.broadcast %broadcast_in_dim3A_291 : vector<1024x1xi32> to vector<1024x32xi32>
    %broadcast_in_dim3A_293 = vector.broadcast %jit3A_290 : i32 to vector<1024x32xi32>
    %select_n3A_294 = arith.select %eq3A_288, %broadcast_in_dim3A_292, %broadcast_in_dim3A_293 : vector<1024x32xi1>, vector<1024x32xi32>
    %add3A_295 = arith.addi %add3A_275, %select_n3A_294 : vector<1024x32xi32>
    %eq3A_296 = arith.constant 2 : i32
    %eq3A_297 = vector.broadcast %eq3A_296 : i32 to vector<1024x32xi32>
    %eq3A_298 = arith.cmpi eq, %select_n3A, %eq3A_297 : vector<1024x32xi32>
    %slice3A_299 = vector.extract_strided_slice %scan3A_28#3 {offsets = [0, 2], sizes = [1024, 1], strides = [1, 1]} : vector<1024x32xi32> to vector<1024x1xi32>
    %jit3A_300 = arith.constant 0 : i32
    %broadcast_in_dim3A_301 = vector.shape_cast %slice3A_299 : vector<1024x1xi32> to vector<1024x1xi32>
    %broadcast_in_dim3A_302 = vector.broadcast %broadcast_in_dim3A_301 : vector<1024x1xi32> to vector<1024x32xi32>
    %broadcast_in_dim3A_303 = vector.broadcast %jit3A_300 : i32 to vector<1024x32xi32>
    %select_n3A_304 = arith.select %eq3A_298, %broadcast_in_dim3A_302, %broadcast_in_dim3A_303 : vector<1024x32xi1>, vector<1024x32xi32>
    %add3A_305 = arith.addi %add3A_285, %select_n3A_304 : vector<1024x32xi32>
    %eq3A_306 = arith.constant 2 : i32
    %eq3A_307 = vector.broadcast %eq3A_306 : i32 to vector<1024x32xi32>
    %eq3A_308 = arith.cmpi eq, %select_n3A_252, %eq3A_307 : vector<1024x32xi32>
    %slice3A_309 = vector.extract_strided_slice %scan3A_28#5 {offsets = [0, 2], sizes = [1024, 1], strides = [1, 1]} : vector<1024x32xi32> to vector<1024x1xi32>
    %jit3A_310 = arith.constant 0 : i32
    %broadcast_in_dim3A_311 = vector.shape_cast %slice3A_309 : vector<1024x1xi32> to vector<1024x1xi32>
    %broadcast_in_dim3A_312 = vector.broadcast %broadcast_in_dim3A_311 : vector<1024x1xi32> to vector<1024x32xi32>
    %broadcast_in_dim3A_313 = vector.broadcast %jit3A_310 : i32 to vector<1024x32xi32>
    %select_n3A_314 = arith.select %eq3A_308, %broadcast_in_dim3A_312, %broadcast_in_dim3A_313 : vector<1024x32xi1>, vector<1024x32xi32>
    %add3A_315 = arith.addi %add3A_295, %select_n3A_314 : vector<1024x32xi32>
    %eq3A_316 = arith.constant 3 : i32
    %eq3A_317 = vector.broadcast %eq3A_316 : i32 to vector<1024x32xi32>
    %eq3A_318 = arith.cmpi eq, %select_n3A, %eq3A_317 : vector<1024x32xi32>
    %slice3A_319 = vector.extract_strided_slice %scan3A_28#3 {offsets = [0, 3], sizes = [1024, 1], strides = [1, 1]} : vector<1024x32xi32> to vector<1024x1xi32>
    %jit3A_320 = arith.constant 0 : i32
    %broadcast_in_dim3A_321 = vector.shape_cast %slice3A_319 : vector<1024x1xi32> to vector<1024x1xi32>
    %broadcast_in_dim3A_322 = vector.broadcast %broadcast_in_dim3A_321 : vector<1024x1xi32> to vector<1024x32xi32>
    %broadcast_in_dim3A_323 = vector.broadcast %jit3A_320 : i32 to vector<1024x32xi32>
    %select_n3A_324 = arith.select %eq3A_318, %broadcast_in_dim3A_322, %broadcast_in_dim3A_323 : vector<1024x32xi1>, vector<1024x32xi32>
    %add3A_325 = arith.addi %add3A_305, %select_n3A_324 : vector<1024x32xi32>
    %eq3A_326 = arith.constant 3 : i32
    %eq3A_327 = vector.broadcast %eq3A_326 : i32 to vector<1024x32xi32>
    %eq3A_328 = arith.cmpi eq, %select_n3A_252, %eq3A_327 : vector<1024x32xi32>
    %slice3A_329 = vector.extract_strided_slice %scan3A_28#5 {offsets = [0, 3], sizes = [1024, 1], strides = [1, 1]} : vector<1024x32xi32> to vector<1024x1xi32>
    %jit3A_330 = arith.constant 0 : i32
    %broadcast_in_dim3A_331 = vector.shape_cast %slice3A_329 : vector<1024x1xi32> to vector<1024x1xi32>
    %broadcast_in_dim3A_332 = vector.broadcast %broadcast_in_dim3A_331 : vector<1024x1xi32> to vector<1024x32xi32>
    %broadcast_in_dim3A_333 = vector.broadcast %jit3A_330 : i32 to vector<1024x32xi32>
    %select_n3A_334 = arith.select %eq3A_328, %broadcast_in_dim3A_332, %broadcast_in_dim3A_333 : vector<1024x32xi1>, vector<1024x32xi32>
    %add3A_335 = arith.addi %add3A_315, %select_n3A_334 : vector<1024x32xi32>
    %eq3A_336 = arith.constant 4 : i32
    %eq3A_337 = vector.broadcast %eq3A_336 : i32 to vector<1024x32xi32>
    %eq3A_338 = arith.cmpi eq, %select_n3A, %eq3A_337 : vector<1024x32xi32>
    %slice3A_339 = vector.extract_strided_slice %scan3A_28#3 {offsets = [0, 4], sizes = [1024, 1], strides = [1, 1]} : vector<1024x32xi32> to vector<1024x1xi32>
    %jit3A_340 = arith.constant 0 : i32
    %broadcast_in_dim3A_341 = vector.shape_cast %slice3A_339 : vector<1024x1xi32> to vector<1024x1xi32>
    %broadcast_in_dim3A_342 = vector.broadcast %broadcast_in_dim3A_341 : vector<1024x1xi32> to vector<1024x32xi32>
    %broadcast_in_dim3A_343 = vector.broadcast %jit3A_340 : i32 to vector<1024x32xi32>
    %select_n3A_344 = arith.select %eq3A_338, %broadcast_in_dim3A_342, %broadcast_in_dim3A_343 : vector<1024x32xi1>, vector<1024x32xi32>
    %add3A_345 = arith.addi %add3A_325, %select_n3A_344 : vector<1024x32xi32>
    %eq3A_346 = arith.constant 4 : i32
    %eq3A_347 = vector.broadcast %eq3A_346 : i32 to vector<1024x32xi32>
    %eq3A_348 = arith.cmpi eq, %select_n3A_252, %eq3A_347 : vector<1024x32xi32>
    %slice3A_349 = vector.extract_strided_slice %scan3A_28#5 {offsets = [0, 4], sizes = [1024, 1], strides = [1, 1]} : vector<1024x32xi32> to vector<1024x1xi32>
    %jit3A_350 = arith.constant 0 : i32
    %broadcast_in_dim3A_351 = vector.shape_cast %slice3A_349 : vector<1024x1xi32> to vector<1024x1xi32>
    %broadcast_in_dim3A_352 = vector.broadcast %broadcast_in_dim3A_351 : vector<1024x1xi32> to vector<1024x32xi32>
    %broadcast_in_dim3A_353 = vector.broadcast %jit3A_350 : i32 to vector<1024x32xi32>
    %select_n3A_354 = arith.select %eq3A_348, %broadcast_in_dim3A_352, %broadcast_in_dim3A_353 : vector<1024x32xi1>, vector<1024x32xi32>
    %add3A_355 = arith.addi %add3A_335, %select_n3A_354 : vector<1024x32xi32>
    %eq3A_356 = arith.constant 5 : i32
    %eq3A_357 = vector.broadcast %eq3A_356 : i32 to vector<1024x32xi32>
    %eq3A_358 = arith.cmpi eq, %select_n3A, %eq3A_357 : vector<1024x32xi32>
    %slice3A_359 = vector.extract_strided_slice %scan3A_28#3 {offsets = [0, 5], sizes = [1024, 1], strides = [1, 1]} : vector<1024x32xi32> to vector<1024x1xi32>
    %jit3A_360 = arith.constant 0 : i32
    %broadcast_in_dim3A_361 = vector.shape_cast %slice3A_359 : vector<1024x1xi32> to vector<1024x1xi32>
    %broadcast_in_dim3A_362 = vector.broadcast %broadcast_in_dim3A_361 : vector<1024x1xi32> to vector<1024x32xi32>
    %broadcast_in_dim3A_363 = vector.broadcast %jit3A_360 : i32 to vector<1024x32xi32>
    %select_n3A_364 = arith.select %eq3A_358, %broadcast_in_dim3A_362, %broadcast_in_dim3A_363 : vector<1024x32xi1>, vector<1024x32xi32>
    %add3A_365 = arith.addi %add3A_345, %select_n3A_364 : vector<1024x32xi32>
    %eq3A_366 = arith.constant 5 : i32
    %eq3A_367 = vector.broadcast %eq3A_366 : i32 to vector<1024x32xi32>
    %eq3A_368 = arith.cmpi eq, %select_n3A_252, %eq3A_367 : vector<1024x32xi32>
    %slice3A_369 = vector.extract_strided_slice %scan3A_28#5 {offsets = [0, 5], sizes = [1024, 1], strides = [1, 1]} : vector<1024x32xi32> to vector<1024x1xi32>
    %jit3A_370 = arith.constant 0 : i32
    %broadcast_in_dim3A_371 = vector.shape_cast %slice3A_369 : vector<1024x1xi32> to vector<1024x1xi32>
    %broadcast_in_dim3A_372 = vector.broadcast %broadcast_in_dim3A_371 : vector<1024x1xi32> to vector<1024x32xi32>
    %broadcast_in_dim3A_373 = vector.broadcast %jit3A_370 : i32 to vector<1024x32xi32>
    %select_n3A_374 = arith.select %eq3A_368, %broadcast_in_dim3A_372, %broadcast_in_dim3A_373 : vector<1024x32xi1>, vector<1024x32xi32>
    %add3A_375 = arith.addi %add3A_355, %select_n3A_374 : vector<1024x32xi32>
    %eq3A_376 = arith.constant 6 : i32
    %eq3A_377 = vector.broadcast %eq3A_376 : i32 to vector<1024x32xi32>
    %eq3A_378 = arith.cmpi eq, %select_n3A, %eq3A_377 : vector<1024x32xi32>
    %slice3A_379 = vector.extract_strided_slice %scan3A_28#3 {offsets = [0, 6], sizes = [1024, 1], strides = [1, 1]} : vector<1024x32xi32> to vector<1024x1xi32>
    %jit3A_380 = arith.constant 0 : i32
    %broadcast_in_dim3A_381 = vector.shape_cast %slice3A_379 : vector<1024x1xi32> to vector<1024x1xi32>
    %broadcast_in_dim3A_382 = vector.broadcast %broadcast_in_dim3A_381 : vector<1024x1xi32> to vector<1024x32xi32>
    %broadcast_in_dim3A_383 = vector.broadcast %jit3A_380 : i32 to vector<1024x32xi32>
    %select_n3A_384 = arith.select %eq3A_378, %broadcast_in_dim3A_382, %broadcast_in_dim3A_383 : vector<1024x32xi1>, vector<1024x32xi32>
    %add3A_385 = arith.addi %add3A_365, %select_n3A_384 : vector<1024x32xi32>
    %eq3A_386 = arith.constant 6 : i32
    %eq3A_387 = vector.broadcast %eq3A_386 : i32 to vector<1024x32xi32>
    %eq3A_388 = arith.cmpi eq, %select_n3A_252, %eq3A_387 : vector<1024x32xi32>
    %slice3A_389 = vector.extract_strided_slice %scan3A_28#5 {offsets = [0, 6], sizes = [1024, 1], strides = [1, 1]} : vector<1024x32xi32> to vector<1024x1xi32>
    %jit3A_390 = arith.constant 0 : i32
    %broadcast_in_dim3A_391 = vector.shape_cast %slice3A_389 : vector<1024x1xi32> to vector<1024x1xi32>
    %broadcast_in_dim3A_392 = vector.broadcast %broadcast_in_dim3A_391 : vector<1024x1xi32> to vector<1024x32xi32>
    %broadcast_in_dim3A_393 = vector.broadcast %jit3A_390 : i32 to vector<1024x32xi32>
    %select_n3A_394 = arith.select %eq3A_388, %broadcast_in_dim3A_392, %broadcast_in_dim3A_393 : vector<1024x32xi1>, vector<1024x32xi32>
    %add3A_395 = arith.addi %add3A_375, %select_n3A_394 : vector<1024x32xi32>
    %eq3A_396 = arith.constant 7 : i32
    %eq3A_397 = vector.broadcast %eq3A_396 : i32 to vector<1024x32xi32>
    %eq3A_398 = arith.cmpi eq, %select_n3A, %eq3A_397 : vector<1024x32xi32>
    %slice3A_399 = vector.extract_strided_slice %scan3A_28#3 {offsets = [0, 7], sizes = [1024, 1], strides = [1, 1]} : vector<1024x32xi32> to vector<1024x1xi32>
    %jit3A_400 = arith.constant 0 : i32
    %broadcast_in_dim3A_401 = vector.shape_cast %slice3A_399 : vector<1024x1xi32> to vector<1024x1xi32>
    %broadcast_in_dim3A_402 = vector.broadcast %broadcast_in_dim3A_401 : vector<1024x1xi32> to vector<1024x32xi32>
    %broadcast_in_dim3A_403 = vector.broadcast %jit3A_400 : i32 to vector<1024x32xi32>
    %select_n3A_404 = arith.select %eq3A_398, %broadcast_in_dim3A_402, %broadcast_in_dim3A_403 : vector<1024x32xi1>, vector<1024x32xi32>
    %add3A_405 = arith.addi %add3A_385, %select_n3A_404 : vector<1024x32xi32>
    %eq3A_406 = arith.constant 7 : i32
    %eq3A_407 = vector.broadcast %eq3A_406 : i32 to vector<1024x32xi32>
    %eq3A_408 = arith.cmpi eq, %select_n3A_252, %eq3A_407 : vector<1024x32xi32>
    %slice3A_409 = vector.extract_strided_slice %scan3A_28#5 {offsets = [0, 7], sizes = [1024, 1], strides = [1, 1]} : vector<1024x32xi32> to vector<1024x1xi32>
    %jit3A_410 = arith.constant 0 : i32
    %broadcast_in_dim3A_411 = vector.shape_cast %slice3A_409 : vector<1024x1xi32> to vector<1024x1xi32>
    %broadcast_in_dim3A_412 = vector.broadcast %broadcast_in_dim3A_411 : vector<1024x1xi32> to vector<1024x32xi32>
    %broadcast_in_dim3A_413 = vector.broadcast %jit3A_410 : i32 to vector<1024x32xi32>
    %select_n3A_414 = arith.select %eq3A_408, %broadcast_in_dim3A_412, %broadcast_in_dim3A_413 : vector<1024x32xi1>, vector<1024x32xi32>
    %add3A_415 = arith.addi %add3A_395, %select_n3A_414 : vector<1024x32xi32>
    %eq3A_416 = arith.constant 8 : i32
    %eq3A_417 = vector.broadcast %eq3A_416 : i32 to vector<1024x32xi32>
    %eq3A_418 = arith.cmpi eq, %select_n3A, %eq3A_417 : vector<1024x32xi32>
    %slice3A_419 = vector.extract_strided_slice %scan3A_28#3 {offsets = [0, 8], sizes = [1024, 1], strides = [1, 1]} : vector<1024x32xi32> to vector<1024x1xi32>
    %jit3A_420 = arith.constant 0 : i32
    %broadcast_in_dim3A_421 = vector.shape_cast %slice3A_419 : vector<1024x1xi32> to vector<1024x1xi32>
    %broadcast_in_dim3A_422 = vector.broadcast %broadcast_in_dim3A_421 : vector<1024x1xi32> to vector<1024x32xi32>
    %broadcast_in_dim3A_423 = vector.broadcast %jit3A_420 : i32 to vector<1024x32xi32>
    %select_n3A_424 = arith.select %eq3A_418, %broadcast_in_dim3A_422, %broadcast_in_dim3A_423 : vector<1024x32xi1>, vector<1024x32xi32>
    %add3A_425 = arith.addi %add3A_405, %select_n3A_424 : vector<1024x32xi32>
    %eq3A_426 = arith.constant 8 : i32
    %eq3A_427 = vector.broadcast %eq3A_426 : i32 to vector<1024x32xi32>
    %eq3A_428 = arith.cmpi eq, %select_n3A_252, %eq3A_427 : vector<1024x32xi32>
    %slice3A_429 = vector.extract_strided_slice %scan3A_28#5 {offsets = [0, 8], sizes = [1024, 1], strides = [1, 1]} : vector<1024x32xi32> to vector<1024x1xi32>
    %jit3A_430 = arith.constant 0 : i32
    %broadcast_in_dim3A_431 = vector.shape_cast %slice3A_429 : vector<1024x1xi32> to vector<1024x1xi32>
    %broadcast_in_dim3A_432 = vector.broadcast %broadcast_in_dim3A_431 : vector<1024x1xi32> to vector<1024x32xi32>
    %broadcast_in_dim3A_433 = vector.broadcast %jit3A_430 : i32 to vector<1024x32xi32>
    %select_n3A_434 = arith.select %eq3A_428, %broadcast_in_dim3A_432, %broadcast_in_dim3A_433 : vector<1024x32xi1>, vector<1024x32xi32>
    %add3A_435 = arith.addi %add3A_415, %select_n3A_434 : vector<1024x32xi32>
    %eq3A_436 = arith.constant 9 : i32
    %eq3A_437 = vector.broadcast %eq3A_436 : i32 to vector<1024x32xi32>
    %eq3A_438 = arith.cmpi eq, %select_n3A, %eq3A_437 : vector<1024x32xi32>
    %slice3A_439 = vector.extract_strided_slice %scan3A_28#3 {offsets = [0, 9], sizes = [1024, 1], strides = [1, 1]} : vector<1024x32xi32> to vector<1024x1xi32>
    %jit3A_440 = arith.constant 0 : i32
    %broadcast_in_dim3A_441 = vector.shape_cast %slice3A_439 : vector<1024x1xi32> to vector<1024x1xi32>
    %broadcast_in_dim3A_442 = vector.broadcast %broadcast_in_dim3A_441 : vector<1024x1xi32> to vector<1024x32xi32>
    %broadcast_in_dim3A_443 = vector.broadcast %jit3A_440 : i32 to vector<1024x32xi32>
    %select_n3A_444 = arith.select %eq3A_438, %broadcast_in_dim3A_442, %broadcast_in_dim3A_443 : vector<1024x32xi1>, vector<1024x32xi32>
    %add3A_445 = arith.addi %add3A_425, %select_n3A_444 : vector<1024x32xi32>
    %eq3A_446 = arith.constant 9 : i32
    %eq3A_447 = vector.broadcast %eq3A_446 : i32 to vector<1024x32xi32>
    %eq3A_448 = arith.cmpi eq, %select_n3A_252, %eq3A_447 : vector<1024x32xi32>
    %slice3A_449 = vector.extract_strided_slice %scan3A_28#5 {offsets = [0, 9], sizes = [1024, 1], strides = [1, 1]} : vector<1024x32xi32> to vector<1024x1xi32>
    %jit3A_450 = arith.constant 0 : i32
    %broadcast_in_dim3A_451 = vector.shape_cast %slice3A_449 : vector<1024x1xi32> to vector<1024x1xi32>
    %broadcast_in_dim3A_452 = vector.broadcast %broadcast_in_dim3A_451 : vector<1024x1xi32> to vector<1024x32xi32>
    %broadcast_in_dim3A_453 = vector.broadcast %jit3A_450 : i32 to vector<1024x32xi32>
    %select_n3A_454 = arith.select %eq3A_448, %broadcast_in_dim3A_452, %broadcast_in_dim3A_453 : vector<1024x32xi1>, vector<1024x32xi32>
    %add3A_455 = arith.addi %add3A_435, %select_n3A_454 : vector<1024x32xi32>
    %eq3A_456 = arith.constant 10 : i32
    %eq3A_457 = vector.broadcast %eq3A_456 : i32 to vector<1024x32xi32>
    %eq3A_458 = arith.cmpi eq, %select_n3A, %eq3A_457 : vector<1024x32xi32>
    %slice3A_459 = vector.extract_strided_slice %scan3A_28#3 {offsets = [0, 10], sizes = [1024, 1], strides = [1, 1]} : vector<1024x32xi32> to vector<1024x1xi32>
    %jit3A_460 = arith.constant 0 : i32
    %broadcast_in_dim3A_461 = vector.shape_cast %slice3A_459 : vector<1024x1xi32> to vector<1024x1xi32>
    %broadcast_in_dim3A_462 = vector.broadcast %broadcast_in_dim3A_461 : vector<1024x1xi32> to vector<1024x32xi32>
    %broadcast_in_dim3A_463 = vector.broadcast %jit3A_460 : i32 to vector<1024x32xi32>
    %select_n3A_464 = arith.select %eq3A_458, %broadcast_in_dim3A_462, %broadcast_in_dim3A_463 : vector<1024x32xi1>, vector<1024x32xi32>
    %add3A_465 = arith.addi %add3A_445, %select_n3A_464 : vector<1024x32xi32>
    %eq3A_466 = arith.constant 10 : i32
    %eq3A_467 = vector.broadcast %eq3A_466 : i32 to vector<1024x32xi32>
    %eq3A_468 = arith.cmpi eq, %select_n3A_252, %eq3A_467 : vector<1024x32xi32>
    %slice3A_469 = vector.extract_strided_slice %scan3A_28#5 {offsets = [0, 10], sizes = [1024, 1], strides = [1, 1]} : vector<1024x32xi32> to vector<1024x1xi32>
    %jit3A_470 = arith.constant 0 : i32
    %broadcast_in_dim3A_471 = vector.shape_cast %slice3A_469 : vector<1024x1xi32> to vector<1024x1xi32>
    %broadcast_in_dim3A_472 = vector.broadcast %broadcast_in_dim3A_471 : vector<1024x1xi32> to vector<1024x32xi32>
    %broadcast_in_dim3A_473 = vector.broadcast %jit3A_470 : i32 to vector<1024x32xi32>
    %select_n3A_474 = arith.select %eq3A_468, %broadcast_in_dim3A_472, %broadcast_in_dim3A_473 : vector<1024x32xi1>, vector<1024x32xi32>
    %add3A_475 = arith.addi %add3A_455, %select_n3A_474 : vector<1024x32xi32>
    %eq3A_476 = arith.constant 11 : i32
    %eq3A_477 = vector.broadcast %eq3A_476 : i32 to vector<1024x32xi32>
    %eq3A_478 = arith.cmpi eq, %select_n3A, %eq3A_477 : vector<1024x32xi32>
    %slice3A_479 = vector.extract_strided_slice %scan3A_28#3 {offsets = [0, 11], sizes = [1024, 1], strides = [1, 1]} : vector<1024x32xi32> to vector<1024x1xi32>
    %jit3A_480 = arith.constant 0 : i32
    %broadcast_in_dim3A_481 = vector.shape_cast %slice3A_479 : vector<1024x1xi32> to vector<1024x1xi32>
    %broadcast_in_dim3A_482 = vector.broadcast %broadcast_in_dim3A_481 : vector<1024x1xi32> to vector<1024x32xi32>
    %broadcast_in_dim3A_483 = vector.broadcast %jit3A_480 : i32 to vector<1024x32xi32>
    %select_n3A_484 = arith.select %eq3A_478, %broadcast_in_dim3A_482, %broadcast_in_dim3A_483 : vector<1024x32xi1>, vector<1024x32xi32>
    %add3A_485 = arith.addi %add3A_465, %select_n3A_484 : vector<1024x32xi32>
    %eq3A_486 = arith.constant 11 : i32
    %eq3A_487 = vector.broadcast %eq3A_486 : i32 to vector<1024x32xi32>
    %eq3A_488 = arith.cmpi eq, %select_n3A_252, %eq3A_487 : vector<1024x32xi32>
    %slice3A_489 = vector.extract_strided_slice %scan3A_28#5 {offsets = [0, 11], sizes = [1024, 1], strides = [1, 1]} : vector<1024x32xi32> to vector<1024x1xi32>
    %jit3A_490 = arith.constant 0 : i32
    %broadcast_in_dim3A_491 = vector.shape_cast %slice3A_489 : vector<1024x1xi32> to vector<1024x1xi32>
    %broadcast_in_dim3A_492 = vector.broadcast %broadcast_in_dim3A_491 : vector<1024x1xi32> to vector<1024x32xi32>
    %broadcast_in_dim3A_493 = vector.broadcast %jit3A_490 : i32 to vector<1024x32xi32>
    %select_n3A_494 = arith.select %eq3A_488, %broadcast_in_dim3A_492, %broadcast_in_dim3A_493 : vector<1024x32xi1>, vector<1024x32xi32>
    %add3A_495 = arith.addi %add3A_475, %select_n3A_494 : vector<1024x32xi32>
    %eq3A_496 = arith.constant 12 : i32
    %eq3A_497 = vector.broadcast %eq3A_496 : i32 to vector<1024x32xi32>
    %eq3A_498 = arith.cmpi eq, %select_n3A, %eq3A_497 : vector<1024x32xi32>
    %slice3A_499 = vector.extract_strided_slice %scan3A_28#3 {offsets = [0, 12], sizes = [1024, 1], strides = [1, 1]} : vector<1024x32xi32> to vector<1024x1xi32>
    %jit3A_500 = arith.constant 0 : i32
    %broadcast_in_dim3A_501 = vector.shape_cast %slice3A_499 : vector<1024x1xi32> to vector<1024x1xi32>
    %broadcast_in_dim3A_502 = vector.broadcast %broadcast_in_dim3A_501 : vector<1024x1xi32> to vector<1024x32xi32>
    %broadcast_in_dim3A_503 = vector.broadcast %jit3A_500 : i32 to vector<1024x32xi32>
    %select_n3A_504 = arith.select %eq3A_498, %broadcast_in_dim3A_502, %broadcast_in_dim3A_503 : vector<1024x32xi1>, vector<1024x32xi32>
    %add3A_505 = arith.addi %add3A_485, %select_n3A_504 : vector<1024x32xi32>
    %eq3A_506 = arith.constant 12 : i32
    %eq3A_507 = vector.broadcast %eq3A_506 : i32 to vector<1024x32xi32>
    %eq3A_508 = arith.cmpi eq, %select_n3A_252, %eq3A_507 : vector<1024x32xi32>
    %slice3A_509 = vector.extract_strided_slice %scan3A_28#5 {offsets = [0, 12], sizes = [1024, 1], strides = [1, 1]} : vector<1024x32xi32> to vector<1024x1xi32>
    %jit3A_510 = arith.constant 0 : i32
    %broadcast_in_dim3A_511 = vector.shape_cast %slice3A_509 : vector<1024x1xi32> to vector<1024x1xi32>
    %broadcast_in_dim3A_512 = vector.broadcast %broadcast_in_dim3A_511 : vector<1024x1xi32> to vector<1024x32xi32>
    %broadcast_in_dim3A_513 = vector.broadcast %jit3A_510 : i32 to vector<1024x32xi32>
    %select_n3A_514 = arith.select %eq3A_508, %broadcast_in_dim3A_512, %broadcast_in_dim3A_513 : vector<1024x32xi1>, vector<1024x32xi32>
    %add3A_515 = arith.addi %add3A_495, %select_n3A_514 : vector<1024x32xi32>
    %eq3A_516 = arith.constant 13 : i32
    %eq3A_517 = vector.broadcast %eq3A_516 : i32 to vector<1024x32xi32>
    %eq3A_518 = arith.cmpi eq, %select_n3A, %eq3A_517 : vector<1024x32xi32>
    %slice3A_519 = vector.extract_strided_slice %scan3A_28#3 {offsets = [0, 13], sizes = [1024, 1], strides = [1, 1]} : vector<1024x32xi32> to vector<1024x1xi32>
    %jit3A_520 = arith.constant 0 : i32
    %broadcast_in_dim3A_521 = vector.shape_cast %slice3A_519 : vector<1024x1xi32> to vector<1024x1xi32>
    %broadcast_in_dim3A_522 = vector.broadcast %broadcast_in_dim3A_521 : vector<1024x1xi32> to vector<1024x32xi32>
    %broadcast_in_dim3A_523 = vector.broadcast %jit3A_520 : i32 to vector<1024x32xi32>
    %select_n3A_524 = arith.select %eq3A_518, %broadcast_in_dim3A_522, %broadcast_in_dim3A_523 : vector<1024x32xi1>, vector<1024x32xi32>
    %add3A_525 = arith.addi %add3A_505, %select_n3A_524 : vector<1024x32xi32>
    %eq3A_526 = arith.constant 13 : i32
    %eq3A_527 = vector.broadcast %eq3A_526 : i32 to vector<1024x32xi32>
    %eq3A_528 = arith.cmpi eq, %select_n3A_252, %eq3A_527 : vector<1024x32xi32>
    %slice3A_529 = vector.extract_strided_slice %scan3A_28#5 {offsets = [0, 13], sizes = [1024, 1], strides = [1, 1]} : vector<1024x32xi32> to vector<1024x1xi32>
    %jit3A_530 = arith.constant 0 : i32
    %broadcast_in_dim3A_531 = vector.shape_cast %slice3A_529 : vector<1024x1xi32> to vector<1024x1xi32>
    %broadcast_in_dim3A_532 = vector.broadcast %broadcast_in_dim3A_531 : vector<1024x1xi32> to vector<1024x32xi32>
    %broadcast_in_dim3A_533 = vector.broadcast %jit3A_530 : i32 to vector<1024x32xi32>
    %select_n3A_534 = arith.select %eq3A_528, %broadcast_in_dim3A_532, %broadcast_in_dim3A_533 : vector<1024x32xi1>, vector<1024x32xi32>
    %add3A_535 = arith.addi %add3A_515, %select_n3A_534 : vector<1024x32xi32>
    %eq3A_536 = arith.constant 14 : i32
    %eq3A_537 = vector.broadcast %eq3A_536 : i32 to vector<1024x32xi32>
    %eq3A_538 = arith.cmpi eq, %select_n3A, %eq3A_537 : vector<1024x32xi32>
    %slice3A_539 = vector.extract_strided_slice %scan3A_28#3 {offsets = [0, 14], sizes = [1024, 1], strides = [1, 1]} : vector<1024x32xi32> to vector<1024x1xi32>
    %jit3A_540 = arith.constant 0 : i32
    %broadcast_in_dim3A_541 = vector.shape_cast %slice3A_539 : vector<1024x1xi32> to vector<1024x1xi32>
    %broadcast_in_dim3A_542 = vector.broadcast %broadcast_in_dim3A_541 : vector<1024x1xi32> to vector<1024x32xi32>
    %broadcast_in_dim3A_543 = vector.broadcast %jit3A_540 : i32 to vector<1024x32xi32>
    %select_n3A_544 = arith.select %eq3A_538, %broadcast_in_dim3A_542, %broadcast_in_dim3A_543 : vector<1024x32xi1>, vector<1024x32xi32>
    %add3A_545 = arith.addi %add3A_525, %select_n3A_544 : vector<1024x32xi32>
    %eq3A_546 = arith.constant 14 : i32
    %eq3A_547 = vector.broadcast %eq3A_546 : i32 to vector<1024x32xi32>
    %eq3A_548 = arith.cmpi eq, %select_n3A_252, %eq3A_547 : vector<1024x32xi32>
    %slice3A_549 = vector.extract_strided_slice %scan3A_28#5 {offsets = [0, 14], sizes = [1024, 1], strides = [1, 1]} : vector<1024x32xi32> to vector<1024x1xi32>
    %jit3A_550 = arith.constant 0 : i32
    %broadcast_in_dim3A_551 = vector.shape_cast %slice3A_549 : vector<1024x1xi32> to vector<1024x1xi32>
    %broadcast_in_dim3A_552 = vector.broadcast %broadcast_in_dim3A_551 : vector<1024x1xi32> to vector<1024x32xi32>
    %broadcast_in_dim3A_553 = vector.broadcast %jit3A_550 : i32 to vector<1024x32xi32>
    %select_n3A_554 = arith.select %eq3A_548, %broadcast_in_dim3A_552, %broadcast_in_dim3A_553 : vector<1024x32xi1>, vector<1024x32xi32>
    %add3A_555 = arith.addi %add3A_535, %select_n3A_554 : vector<1024x32xi32>
    %eq3A_556 = arith.constant 15 : i32
    %eq3A_557 = vector.broadcast %eq3A_556 : i32 to vector<1024x32xi32>
    %eq3A_558 = arith.cmpi eq, %select_n3A, %eq3A_557 : vector<1024x32xi32>
    %slice3A_559 = vector.extract_strided_slice %scan3A_28#3 {offsets = [0, 15], sizes = [1024, 1], strides = [1, 1]} : vector<1024x32xi32> to vector<1024x1xi32>
    %jit3A_560 = arith.constant 0 : i32
    %broadcast_in_dim3A_561 = vector.shape_cast %slice3A_559 : vector<1024x1xi32> to vector<1024x1xi32>
    %broadcast_in_dim3A_562 = vector.broadcast %broadcast_in_dim3A_561 : vector<1024x1xi32> to vector<1024x32xi32>
    %broadcast_in_dim3A_563 = vector.broadcast %jit3A_560 : i32 to vector<1024x32xi32>
    %select_n3A_564 = arith.select %eq3A_558, %broadcast_in_dim3A_562, %broadcast_in_dim3A_563 : vector<1024x32xi1>, vector<1024x32xi32>
    %add3A_565 = arith.addi %add3A_545, %select_n3A_564 : vector<1024x32xi32>
    %eq3A_566 = arith.constant 15 : i32
    %eq3A_567 = vector.broadcast %eq3A_566 : i32 to vector<1024x32xi32>
    %eq3A_568 = arith.cmpi eq, %select_n3A_252, %eq3A_567 : vector<1024x32xi32>
    %slice3A_569 = vector.extract_strided_slice %scan3A_28#5 {offsets = [0, 15], sizes = [1024, 1], strides = [1, 1]} : vector<1024x32xi32> to vector<1024x1xi32>
    %jit3A_570 = arith.constant 0 : i32
    %broadcast_in_dim3A_571 = vector.shape_cast %slice3A_569 : vector<1024x1xi32> to vector<1024x1xi32>
    %broadcast_in_dim3A_572 = vector.broadcast %broadcast_in_dim3A_571 : vector<1024x1xi32> to vector<1024x32xi32>
    %broadcast_in_dim3A_573 = vector.broadcast %jit3A_570 : i32 to vector<1024x32xi32>
    %select_n3A_574 = arith.select %eq3A_568, %broadcast_in_dim3A_572, %broadcast_in_dim3A_573 : vector<1024x32xi1>, vector<1024x32xi32>
    %add3A_575 = arith.addi %add3A_555, %select_n3A_574 : vector<1024x32xi32>
    %eq3A_576 = arith.constant 16 : i32
    %eq3A_577 = vector.broadcast %eq3A_576 : i32 to vector<1024x32xi32>
    %eq3A_578 = arith.cmpi eq, %select_n3A, %eq3A_577 : vector<1024x32xi32>
    %slice3A_579 = vector.extract_strided_slice %scan3A_28#3 {offsets = [0, 16], sizes = [1024, 1], strides = [1, 1]} : vector<1024x32xi32> to vector<1024x1xi32>
    %jit3A_580 = arith.constant 0 : i32
    %broadcast_in_dim3A_581 = vector.shape_cast %slice3A_579 : vector<1024x1xi32> to vector<1024x1xi32>
    %broadcast_in_dim3A_582 = vector.broadcast %broadcast_in_dim3A_581 : vector<1024x1xi32> to vector<1024x32xi32>
    %broadcast_in_dim3A_583 = vector.broadcast %jit3A_580 : i32 to vector<1024x32xi32>
    %select_n3A_584 = arith.select %eq3A_578, %broadcast_in_dim3A_582, %broadcast_in_dim3A_583 : vector<1024x32xi1>, vector<1024x32xi32>
    %add3A_585 = arith.addi %add3A_565, %select_n3A_584 : vector<1024x32xi32>
    %eq3A_586 = arith.constant 16 : i32
    %eq3A_587 = vector.broadcast %eq3A_586 : i32 to vector<1024x32xi32>
    %eq3A_588 = arith.cmpi eq, %select_n3A_252, %eq3A_587 : vector<1024x32xi32>
    %slice3A_589 = vector.extract_strided_slice %scan3A_28#5 {offsets = [0, 16], sizes = [1024, 1], strides = [1, 1]} : vector<1024x32xi32> to vector<1024x1xi32>
    %jit3A_590 = arith.constant 0 : i32
    %broadcast_in_dim3A_591 = vector.shape_cast %slice3A_589 : vector<1024x1xi32> to vector<1024x1xi32>
    %broadcast_in_dim3A_592 = vector.broadcast %broadcast_in_dim3A_591 : vector<1024x1xi32> to vector<1024x32xi32>
    %broadcast_in_dim3A_593 = vector.broadcast %jit3A_590 : i32 to vector<1024x32xi32>
    %select_n3A_594 = arith.select %eq3A_588, %broadcast_in_dim3A_592, %broadcast_in_dim3A_593 : vector<1024x32xi1>, vector<1024x32xi32>
    %add3A_595 = arith.addi %add3A_575, %select_n3A_594 : vector<1024x32xi32>
    %eq3A_596 = arith.constant 17 : i32
    %eq3A_597 = vector.broadcast %eq3A_596 : i32 to vector<1024x32xi32>
    %eq3A_598 = arith.cmpi eq, %select_n3A, %eq3A_597 : vector<1024x32xi32>
    %slice3A_599 = vector.extract_strided_slice %scan3A_28#3 {offsets = [0, 17], sizes = [1024, 1], strides = [1, 1]} : vector<1024x32xi32> to vector<1024x1xi32>
    %jit3A_600 = arith.constant 0 : i32
    %broadcast_in_dim3A_601 = vector.shape_cast %slice3A_599 : vector<1024x1xi32> to vector<1024x1xi32>
    %broadcast_in_dim3A_602 = vector.broadcast %broadcast_in_dim3A_601 : vector<1024x1xi32> to vector<1024x32xi32>
    %broadcast_in_dim3A_603 = vector.broadcast %jit3A_600 : i32 to vector<1024x32xi32>
    %select_n3A_604 = arith.select %eq3A_598, %broadcast_in_dim3A_602, %broadcast_in_dim3A_603 : vector<1024x32xi1>, vector<1024x32xi32>
    %add3A_605 = arith.addi %add3A_585, %select_n3A_604 : vector<1024x32xi32>
    %eq3A_606 = arith.constant 17 : i32
    %eq3A_607 = vector.broadcast %eq3A_606 : i32 to vector<1024x32xi32>
    %eq3A_608 = arith.cmpi eq, %select_n3A_252, %eq3A_607 : vector<1024x32xi32>
    %slice3A_609 = vector.extract_strided_slice %scan3A_28#5 {offsets = [0, 17], sizes = [1024, 1], strides = [1, 1]} : vector<1024x32xi32> to vector<1024x1xi32>
    %jit3A_610 = arith.constant 0 : i32
    %broadcast_in_dim3A_611 = vector.shape_cast %slice3A_609 : vector<1024x1xi32> to vector<1024x1xi32>
    %broadcast_in_dim3A_612 = vector.broadcast %broadcast_in_dim3A_611 : vector<1024x1xi32> to vector<1024x32xi32>
    %broadcast_in_dim3A_613 = vector.broadcast %jit3A_610 : i32 to vector<1024x32xi32>
    %select_n3A_614 = arith.select %eq3A_608, %broadcast_in_dim3A_612, %broadcast_in_dim3A_613 : vector<1024x32xi1>, vector<1024x32xi32>
    %add3A_615 = arith.addi %add3A_595, %select_n3A_614 : vector<1024x32xi32>
    %eq3A_616 = arith.constant 18 : i32
    %eq3A_617 = vector.broadcast %eq3A_616 : i32 to vector<1024x32xi32>
    %eq3A_618 = arith.cmpi eq, %select_n3A, %eq3A_617 : vector<1024x32xi32>
    %slice3A_619 = vector.extract_strided_slice %scan3A_28#3 {offsets = [0, 18], sizes = [1024, 1], strides = [1, 1]} : vector<1024x32xi32> to vector<1024x1xi32>
    %jit3A_620 = arith.constant 0 : i32
    %broadcast_in_dim3A_621 = vector.shape_cast %slice3A_619 : vector<1024x1xi32> to vector<1024x1xi32>
    %broadcast_in_dim3A_622 = vector.broadcast %broadcast_in_dim3A_621 : vector<1024x1xi32> to vector<1024x32xi32>
    %broadcast_in_dim3A_623 = vector.broadcast %jit3A_620 : i32 to vector<1024x32xi32>
    %select_n3A_624 = arith.select %eq3A_618, %broadcast_in_dim3A_622, %broadcast_in_dim3A_623 : vector<1024x32xi1>, vector<1024x32xi32>
    %add3A_625 = arith.addi %add3A_605, %select_n3A_624 : vector<1024x32xi32>
    %eq3A_626 = arith.constant 18 : i32
    %eq3A_627 = vector.broadcast %eq3A_626 : i32 to vector<1024x32xi32>
    %eq3A_628 = arith.cmpi eq, %select_n3A_252, %eq3A_627 : vector<1024x32xi32>
    %slice3A_629 = vector.extract_strided_slice %scan3A_28#5 {offsets = [0, 18], sizes = [1024, 1], strides = [1, 1]} : vector<1024x32xi32> to vector<1024x1xi32>
    %jit3A_630 = arith.constant 0 : i32
    %broadcast_in_dim3A_631 = vector.shape_cast %slice3A_629 : vector<1024x1xi32> to vector<1024x1xi32>
    %broadcast_in_dim3A_632 = vector.broadcast %broadcast_in_dim3A_631 : vector<1024x1xi32> to vector<1024x32xi32>
    %broadcast_in_dim3A_633 = vector.broadcast %jit3A_630 : i32 to vector<1024x32xi32>
    %select_n3A_634 = arith.select %eq3A_628, %broadcast_in_dim3A_632, %broadcast_in_dim3A_633 : vector<1024x32xi1>, vector<1024x32xi32>
    %add3A_635 = arith.addi %add3A_615, %select_n3A_634 : vector<1024x32xi32>
    %eq3A_636 = arith.constant 19 : i32
    %eq3A_637 = vector.broadcast %eq3A_636 : i32 to vector<1024x32xi32>
    %eq3A_638 = arith.cmpi eq, %select_n3A, %eq3A_637 : vector<1024x32xi32>
    %slice3A_639 = vector.extract_strided_slice %scan3A_28#3 {offsets = [0, 19], sizes = [1024, 1], strides = [1, 1]} : vector<1024x32xi32> to vector<1024x1xi32>
    %jit3A_640 = arith.constant 0 : i32
    %broadcast_in_dim3A_641 = vector.shape_cast %slice3A_639 : vector<1024x1xi32> to vector<1024x1xi32>
    %broadcast_in_dim3A_642 = vector.broadcast %broadcast_in_dim3A_641 : vector<1024x1xi32> to vector<1024x32xi32>
    %broadcast_in_dim3A_643 = vector.broadcast %jit3A_640 : i32 to vector<1024x32xi32>
    %select_n3A_644 = arith.select %eq3A_638, %broadcast_in_dim3A_642, %broadcast_in_dim3A_643 : vector<1024x32xi1>, vector<1024x32xi32>
    %add3A_645 = arith.addi %add3A_625, %select_n3A_644 : vector<1024x32xi32>
    %eq3A_646 = arith.constant 19 : i32
    %eq3A_647 = vector.broadcast %eq3A_646 : i32 to vector<1024x32xi32>
    %eq3A_648 = arith.cmpi eq, %select_n3A_252, %eq3A_647 : vector<1024x32xi32>
    %slice3A_649 = vector.extract_strided_slice %scan3A_28#5 {offsets = [0, 19], sizes = [1024, 1], strides = [1, 1]} : vector<1024x32xi32> to vector<1024x1xi32>
    %jit3A_650 = arith.constant 0 : i32
    %broadcast_in_dim3A_651 = vector.shape_cast %slice3A_649 : vector<1024x1xi32> to vector<1024x1xi32>
    %broadcast_in_dim3A_652 = vector.broadcast %broadcast_in_dim3A_651 : vector<1024x1xi32> to vector<1024x32xi32>
    %broadcast_in_dim3A_653 = vector.broadcast %jit3A_650 : i32 to vector<1024x32xi32>
    %select_n3A_654 = arith.select %eq3A_648, %broadcast_in_dim3A_652, %broadcast_in_dim3A_653 : vector<1024x32xi1>, vector<1024x32xi32>
    %add3A_655 = arith.addi %add3A_635, %select_n3A_654 : vector<1024x32xi32>
    %eq3A_656 = arith.constant 20 : i32
    %eq3A_657 = vector.broadcast %eq3A_656 : i32 to vector<1024x32xi32>
    %eq3A_658 = arith.cmpi eq, %select_n3A, %eq3A_657 : vector<1024x32xi32>
    %slice3A_659 = vector.extract_strided_slice %scan3A_28#3 {offsets = [0, 20], sizes = [1024, 1], strides = [1, 1]} : vector<1024x32xi32> to vector<1024x1xi32>
    %jit3A_660 = arith.constant 0 : i32
    %broadcast_in_dim3A_661 = vector.shape_cast %slice3A_659 : vector<1024x1xi32> to vector<1024x1xi32>
    %broadcast_in_dim3A_662 = vector.broadcast %broadcast_in_dim3A_661 : vector<1024x1xi32> to vector<1024x32xi32>
    %broadcast_in_dim3A_663 = vector.broadcast %jit3A_660 : i32 to vector<1024x32xi32>
    %select_n3A_664 = arith.select %eq3A_658, %broadcast_in_dim3A_662, %broadcast_in_dim3A_663 : vector<1024x32xi1>, vector<1024x32xi32>
    %add3A_665 = arith.addi %add3A_645, %select_n3A_664 : vector<1024x32xi32>
    %eq3A_666 = arith.constant 20 : i32
    %eq3A_667 = vector.broadcast %eq3A_666 : i32 to vector<1024x32xi32>
    %eq3A_668 = arith.cmpi eq, %select_n3A_252, %eq3A_667 : vector<1024x32xi32>
    %slice3A_669 = vector.extract_strided_slice %scan3A_28#5 {offsets = [0, 20], sizes = [1024, 1], strides = [1, 1]} : vector<1024x32xi32> to vector<1024x1xi32>
    %jit3A_670 = arith.constant 0 : i32
    %broadcast_in_dim3A_671 = vector.shape_cast %slice3A_669 : vector<1024x1xi32> to vector<1024x1xi32>
    %broadcast_in_dim3A_672 = vector.broadcast %broadcast_in_dim3A_671 : vector<1024x1xi32> to vector<1024x32xi32>
    %broadcast_in_dim3A_673 = vector.broadcast %jit3A_670 : i32 to vector<1024x32xi32>
    %select_n3A_674 = arith.select %eq3A_668, %broadcast_in_dim3A_672, %broadcast_in_dim3A_673 : vector<1024x32xi1>, vector<1024x32xi32>
    %add3A_675 = arith.addi %add3A_655, %select_n3A_674 : vector<1024x32xi32>
    %eq3A_676 = arith.constant 21 : i32
    %eq3A_677 = vector.broadcast %eq3A_676 : i32 to vector<1024x32xi32>
    %eq3A_678 = arith.cmpi eq, %select_n3A, %eq3A_677 : vector<1024x32xi32>
    %slice3A_679 = vector.extract_strided_slice %scan3A_28#3 {offsets = [0, 21], sizes = [1024, 1], strides = [1, 1]} : vector<1024x32xi32> to vector<1024x1xi32>
    %jit3A_680 = arith.constant 0 : i32
    %broadcast_in_dim3A_681 = vector.shape_cast %slice3A_679 : vector<1024x1xi32> to vector<1024x1xi32>
    %broadcast_in_dim3A_682 = vector.broadcast %broadcast_in_dim3A_681 : vector<1024x1xi32> to vector<1024x32xi32>
    %broadcast_in_dim3A_683 = vector.broadcast %jit3A_680 : i32 to vector<1024x32xi32>
    %select_n3A_684 = arith.select %eq3A_678, %broadcast_in_dim3A_682, %broadcast_in_dim3A_683 : vector<1024x32xi1>, vector<1024x32xi32>
    %add3A_685 = arith.addi %add3A_665, %select_n3A_684 : vector<1024x32xi32>
    %eq3A_686 = arith.constant 21 : i32
    %eq3A_687 = vector.broadcast %eq3A_686 : i32 to vector<1024x32xi32>
    %eq3A_688 = arith.cmpi eq, %select_n3A_252, %eq3A_687 : vector<1024x32xi32>
    %slice3A_689 = vector.extract_strided_slice %scan3A_28#5 {offsets = [0, 21], sizes = [1024, 1], strides = [1, 1]} : vector<1024x32xi32> to vector<1024x1xi32>
    %jit3A_690 = arith.constant 0 : i32
    %broadcast_in_dim3A_691 = vector.shape_cast %slice3A_689 : vector<1024x1xi32> to vector<1024x1xi32>
    %broadcast_in_dim3A_692 = vector.broadcast %broadcast_in_dim3A_691 : vector<1024x1xi32> to vector<1024x32xi32>
    %broadcast_in_dim3A_693 = vector.broadcast %jit3A_690 : i32 to vector<1024x32xi32>
    %select_n3A_694 = arith.select %eq3A_688, %broadcast_in_dim3A_692, %broadcast_in_dim3A_693 : vector<1024x32xi1>, vector<1024x32xi32>
    %add3A_695 = arith.addi %add3A_675, %select_n3A_694 : vector<1024x32xi32>
    %eq3A_696 = arith.constant 22 : i32
    %eq3A_697 = vector.broadcast %eq3A_696 : i32 to vector<1024x32xi32>
    %eq3A_698 = arith.cmpi eq, %select_n3A, %eq3A_697 : vector<1024x32xi32>
    %slice3A_699 = vector.extract_strided_slice %scan3A_28#3 {offsets = [0, 22], sizes = [1024, 1], strides = [1, 1]} : vector<1024x32xi32> to vector<1024x1xi32>
    %jit3A_700 = arith.constant 0 : i32
    %broadcast_in_dim3A_701 = vector.shape_cast %slice3A_699 : vector<1024x1xi32> to vector<1024x1xi32>
    %broadcast_in_dim3A_702 = vector.broadcast %broadcast_in_dim3A_701 : vector<1024x1xi32> to vector<1024x32xi32>
    %broadcast_in_dim3A_703 = vector.broadcast %jit3A_700 : i32 to vector<1024x32xi32>
    %select_n3A_704 = arith.select %eq3A_698, %broadcast_in_dim3A_702, %broadcast_in_dim3A_703 : vector<1024x32xi1>, vector<1024x32xi32>
    %add3A_705 = arith.addi %add3A_685, %select_n3A_704 : vector<1024x32xi32>
    %eq3A_706 = arith.constant 22 : i32
    %eq3A_707 = vector.broadcast %eq3A_706 : i32 to vector<1024x32xi32>
    %eq3A_708 = arith.cmpi eq, %select_n3A_252, %eq3A_707 : vector<1024x32xi32>
    %slice3A_709 = vector.extract_strided_slice %scan3A_28#5 {offsets = [0, 22], sizes = [1024, 1], strides = [1, 1]} : vector<1024x32xi32> to vector<1024x1xi32>
    %jit3A_710 = arith.constant 0 : i32
    %broadcast_in_dim3A_711 = vector.shape_cast %slice3A_709 : vector<1024x1xi32> to vector<1024x1xi32>
    %broadcast_in_dim3A_712 = vector.broadcast %broadcast_in_dim3A_711 : vector<1024x1xi32> to vector<1024x32xi32>
    %broadcast_in_dim3A_713 = vector.broadcast %jit3A_710 : i32 to vector<1024x32xi32>
    %select_n3A_714 = arith.select %eq3A_708, %broadcast_in_dim3A_712, %broadcast_in_dim3A_713 : vector<1024x32xi1>, vector<1024x32xi32>
    %add3A_715 = arith.addi %add3A_695, %select_n3A_714 : vector<1024x32xi32>
    %eq3A_716 = arith.constant 23 : i32
    %eq3A_717 = vector.broadcast %eq3A_716 : i32 to vector<1024x32xi32>
    %eq3A_718 = arith.cmpi eq, %select_n3A, %eq3A_717 : vector<1024x32xi32>
    %slice3A_719 = vector.extract_strided_slice %scan3A_28#3 {offsets = [0, 23], sizes = [1024, 1], strides = [1, 1]} : vector<1024x32xi32> to vector<1024x1xi32>
    %jit3A_720 = arith.constant 0 : i32
    %broadcast_in_dim3A_721 = vector.shape_cast %slice3A_719 : vector<1024x1xi32> to vector<1024x1xi32>
    %broadcast_in_dim3A_722 = vector.broadcast %broadcast_in_dim3A_721 : vector<1024x1xi32> to vector<1024x32xi32>
    %broadcast_in_dim3A_723 = vector.broadcast %jit3A_720 : i32 to vector<1024x32xi32>
    %select_n3A_724 = arith.select %eq3A_718, %broadcast_in_dim3A_722, %broadcast_in_dim3A_723 : vector<1024x32xi1>, vector<1024x32xi32>
    %add3A_725 = arith.addi %add3A_705, %select_n3A_724 : vector<1024x32xi32>
    %eq3A_726 = arith.constant 23 : i32
    %eq3A_727 = vector.broadcast %eq3A_726 : i32 to vector<1024x32xi32>
    %eq3A_728 = arith.cmpi eq, %select_n3A_252, %eq3A_727 : vector<1024x32xi32>
    %slice3A_729 = vector.extract_strided_slice %scan3A_28#5 {offsets = [0, 23], sizes = [1024, 1], strides = [1, 1]} : vector<1024x32xi32> to vector<1024x1xi32>
    %jit3A_730 = arith.constant 0 : i32
    %broadcast_in_dim3A_731 = vector.shape_cast %slice3A_729 : vector<1024x1xi32> to vector<1024x1xi32>
    %broadcast_in_dim3A_732 = vector.broadcast %broadcast_in_dim3A_731 : vector<1024x1xi32> to vector<1024x32xi32>
    %broadcast_in_dim3A_733 = vector.broadcast %jit3A_730 : i32 to vector<1024x32xi32>
    %select_n3A_734 = arith.select %eq3A_728, %broadcast_in_dim3A_732, %broadcast_in_dim3A_733 : vector<1024x32xi1>, vector<1024x32xi32>
    %add3A_735 = arith.addi %add3A_715, %select_n3A_734 : vector<1024x32xi32>
    %eq3A_736 = arith.constant 24 : i32
    %eq3A_737 = vector.broadcast %eq3A_736 : i32 to vector<1024x32xi32>
    %eq3A_738 = arith.cmpi eq, %select_n3A, %eq3A_737 : vector<1024x32xi32>
    %slice3A_739 = vector.extract_strided_slice %scan3A_28#3 {offsets = [0, 24], sizes = [1024, 1], strides = [1, 1]} : vector<1024x32xi32> to vector<1024x1xi32>
    %jit3A_740 = arith.constant 0 : i32
    %broadcast_in_dim3A_741 = vector.shape_cast %slice3A_739 : vector<1024x1xi32> to vector<1024x1xi32>
    %broadcast_in_dim3A_742 = vector.broadcast %broadcast_in_dim3A_741 : vector<1024x1xi32> to vector<1024x32xi32>
    %broadcast_in_dim3A_743 = vector.broadcast %jit3A_740 : i32 to vector<1024x32xi32>
    %select_n3A_744 = arith.select %eq3A_738, %broadcast_in_dim3A_742, %broadcast_in_dim3A_743 : vector<1024x32xi1>, vector<1024x32xi32>
    %add3A_745 = arith.addi %add3A_725, %select_n3A_744 : vector<1024x32xi32>
    %eq3A_746 = arith.constant 24 : i32
    %eq3A_747 = vector.broadcast %eq3A_746 : i32 to vector<1024x32xi32>
    %eq3A_748 = arith.cmpi eq, %select_n3A_252, %eq3A_747 : vector<1024x32xi32>
    %slice3A_749 = vector.extract_strided_slice %scan3A_28#5 {offsets = [0, 24], sizes = [1024, 1], strides = [1, 1]} : vector<1024x32xi32> to vector<1024x1xi32>
    %jit3A_750 = arith.constant 0 : i32
    %broadcast_in_dim3A_751 = vector.shape_cast %slice3A_749 : vector<1024x1xi32> to vector<1024x1xi32>
    %broadcast_in_dim3A_752 = vector.broadcast %broadcast_in_dim3A_751 : vector<1024x1xi32> to vector<1024x32xi32>
    %broadcast_in_dim3A_753 = vector.broadcast %jit3A_750 : i32 to vector<1024x32xi32>
    %select_n3A_754 = arith.select %eq3A_748, %broadcast_in_dim3A_752, %broadcast_in_dim3A_753 : vector<1024x32xi1>, vector<1024x32xi32>
    %add3A_755 = arith.addi %add3A_735, %select_n3A_754 : vector<1024x32xi32>
    %eq3A_756 = arith.constant 25 : i32
    %eq3A_757 = vector.broadcast %eq3A_756 : i32 to vector<1024x32xi32>
    %eq3A_758 = arith.cmpi eq, %select_n3A, %eq3A_757 : vector<1024x32xi32>
    %slice3A_759 = vector.extract_strided_slice %scan3A_28#3 {offsets = [0, 25], sizes = [1024, 1], strides = [1, 1]} : vector<1024x32xi32> to vector<1024x1xi32>
    %jit3A_760 = arith.constant 0 : i32
    %broadcast_in_dim3A_761 = vector.shape_cast %slice3A_759 : vector<1024x1xi32> to vector<1024x1xi32>
    %broadcast_in_dim3A_762 = vector.broadcast %broadcast_in_dim3A_761 : vector<1024x1xi32> to vector<1024x32xi32>
    %broadcast_in_dim3A_763 = vector.broadcast %jit3A_760 : i32 to vector<1024x32xi32>
    %select_n3A_764 = arith.select %eq3A_758, %broadcast_in_dim3A_762, %broadcast_in_dim3A_763 : vector<1024x32xi1>, vector<1024x32xi32>
    %add3A_765 = arith.addi %add3A_745, %select_n3A_764 : vector<1024x32xi32>
    %eq3A_766 = arith.constant 25 : i32
    %eq3A_767 = vector.broadcast %eq3A_766 : i32 to vector<1024x32xi32>
    %eq3A_768 = arith.cmpi eq, %select_n3A_252, %eq3A_767 : vector<1024x32xi32>
    %slice3A_769 = vector.extract_strided_slice %scan3A_28#5 {offsets = [0, 25], sizes = [1024, 1], strides = [1, 1]} : vector<1024x32xi32> to vector<1024x1xi32>
    %jit3A_770 = arith.constant 0 : i32
    %broadcast_in_dim3A_771 = vector.shape_cast %slice3A_769 : vector<1024x1xi32> to vector<1024x1xi32>
    %broadcast_in_dim3A_772 = vector.broadcast %broadcast_in_dim3A_771 : vector<1024x1xi32> to vector<1024x32xi32>
    %broadcast_in_dim3A_773 = vector.broadcast %jit3A_770 : i32 to vector<1024x32xi32>
    %select_n3A_774 = arith.select %eq3A_768, %broadcast_in_dim3A_772, %broadcast_in_dim3A_773 : vector<1024x32xi1>, vector<1024x32xi32>
    %add3A_775 = arith.addi %add3A_755, %select_n3A_774 : vector<1024x32xi32>
    %eq3A_776 = arith.constant 26 : i32
    %eq3A_777 = vector.broadcast %eq3A_776 : i32 to vector<1024x32xi32>
    %eq3A_778 = arith.cmpi eq, %select_n3A, %eq3A_777 : vector<1024x32xi32>
    %slice3A_779 = vector.extract_strided_slice %scan3A_28#3 {offsets = [0, 26], sizes = [1024, 1], strides = [1, 1]} : vector<1024x32xi32> to vector<1024x1xi32>
    %jit3A_780 = arith.constant 0 : i32
    %broadcast_in_dim3A_781 = vector.shape_cast %slice3A_779 : vector<1024x1xi32> to vector<1024x1xi32>
    %broadcast_in_dim3A_782 = vector.broadcast %broadcast_in_dim3A_781 : vector<1024x1xi32> to vector<1024x32xi32>
    %broadcast_in_dim3A_783 = vector.broadcast %jit3A_780 : i32 to vector<1024x32xi32>
    %select_n3A_784 = arith.select %eq3A_778, %broadcast_in_dim3A_782, %broadcast_in_dim3A_783 : vector<1024x32xi1>, vector<1024x32xi32>
    %add3A_785 = arith.addi %add3A_765, %select_n3A_784 : vector<1024x32xi32>
    %eq3A_786 = arith.constant 26 : i32
    %eq3A_787 = vector.broadcast %eq3A_786 : i32 to vector<1024x32xi32>
    %eq3A_788 = arith.cmpi eq, %select_n3A_252, %eq3A_787 : vector<1024x32xi32>
    %slice3A_789 = vector.extract_strided_slice %scan3A_28#5 {offsets = [0, 26], sizes = [1024, 1], strides = [1, 1]} : vector<1024x32xi32> to vector<1024x1xi32>
    %jit3A_790 = arith.constant 0 : i32
    %broadcast_in_dim3A_791 = vector.shape_cast %slice3A_789 : vector<1024x1xi32> to vector<1024x1xi32>
    %broadcast_in_dim3A_792 = vector.broadcast %broadcast_in_dim3A_791 : vector<1024x1xi32> to vector<1024x32xi32>
    %broadcast_in_dim3A_793 = vector.broadcast %jit3A_790 : i32 to vector<1024x32xi32>
    %select_n3A_794 = arith.select %eq3A_788, %broadcast_in_dim3A_792, %broadcast_in_dim3A_793 : vector<1024x32xi1>, vector<1024x32xi32>
    %add3A_795 = arith.addi %add3A_775, %select_n3A_794 : vector<1024x32xi32>
    %eq3A_796 = arith.constant 27 : i32
    %eq3A_797 = vector.broadcast %eq3A_796 : i32 to vector<1024x32xi32>
    %eq3A_798 = arith.cmpi eq, %select_n3A, %eq3A_797 : vector<1024x32xi32>
    %slice3A_799 = vector.extract_strided_slice %scan3A_28#3 {offsets = [0, 27], sizes = [1024, 1], strides = [1, 1]} : vector<1024x32xi32> to vector<1024x1xi32>
    %jit3A_800 = arith.constant 0 : i32
    %broadcast_in_dim3A_801 = vector.shape_cast %slice3A_799 : vector<1024x1xi32> to vector<1024x1xi32>
    %broadcast_in_dim3A_802 = vector.broadcast %broadcast_in_dim3A_801 : vector<1024x1xi32> to vector<1024x32xi32>
    %broadcast_in_dim3A_803 = vector.broadcast %jit3A_800 : i32 to vector<1024x32xi32>
    %select_n3A_804 = arith.select %eq3A_798, %broadcast_in_dim3A_802, %broadcast_in_dim3A_803 : vector<1024x32xi1>, vector<1024x32xi32>
    %add3A_805 = arith.addi %add3A_785, %select_n3A_804 : vector<1024x32xi32>
    %eq3A_806 = arith.constant 27 : i32
    %eq3A_807 = vector.broadcast %eq3A_806 : i32 to vector<1024x32xi32>
    %eq3A_808 = arith.cmpi eq, %select_n3A_252, %eq3A_807 : vector<1024x32xi32>
    %slice3A_809 = vector.extract_strided_slice %scan3A_28#5 {offsets = [0, 27], sizes = [1024, 1], strides = [1, 1]} : vector<1024x32xi32> to vector<1024x1xi32>
    %jit3A_810 = arith.constant 0 : i32
    %broadcast_in_dim3A_811 = vector.shape_cast %slice3A_809 : vector<1024x1xi32> to vector<1024x1xi32>
    %broadcast_in_dim3A_812 = vector.broadcast %broadcast_in_dim3A_811 : vector<1024x1xi32> to vector<1024x32xi32>
    %broadcast_in_dim3A_813 = vector.broadcast %jit3A_810 : i32 to vector<1024x32xi32>
    %select_n3A_814 = arith.select %eq3A_808, %broadcast_in_dim3A_812, %broadcast_in_dim3A_813 : vector<1024x32xi1>, vector<1024x32xi32>
    %add3A_815 = arith.addi %add3A_795, %select_n3A_814 : vector<1024x32xi32>
    %eq3A_816 = arith.constant 28 : i32
    %eq3A_817 = vector.broadcast %eq3A_816 : i32 to vector<1024x32xi32>
    %eq3A_818 = arith.cmpi eq, %select_n3A, %eq3A_817 : vector<1024x32xi32>
    %slice3A_819 = vector.extract_strided_slice %scan3A_28#3 {offsets = [0, 28], sizes = [1024, 1], strides = [1, 1]} : vector<1024x32xi32> to vector<1024x1xi32>
    %jit3A_820 = arith.constant 0 : i32
    %broadcast_in_dim3A_821 = vector.shape_cast %slice3A_819 : vector<1024x1xi32> to vector<1024x1xi32>
    %broadcast_in_dim3A_822 = vector.broadcast %broadcast_in_dim3A_821 : vector<1024x1xi32> to vector<1024x32xi32>
    %broadcast_in_dim3A_823 = vector.broadcast %jit3A_820 : i32 to vector<1024x32xi32>
    %select_n3A_824 = arith.select %eq3A_818, %broadcast_in_dim3A_822, %broadcast_in_dim3A_823 : vector<1024x32xi1>, vector<1024x32xi32>
    %add3A_825 = arith.addi %add3A_805, %select_n3A_824 : vector<1024x32xi32>
    %eq3A_826 = arith.constant 28 : i32
    %eq3A_827 = vector.broadcast %eq3A_826 : i32 to vector<1024x32xi32>
    %eq3A_828 = arith.cmpi eq, %select_n3A_252, %eq3A_827 : vector<1024x32xi32>
    %slice3A_829 = vector.extract_strided_slice %scan3A_28#5 {offsets = [0, 28], sizes = [1024, 1], strides = [1, 1]} : vector<1024x32xi32> to vector<1024x1xi32>
    %jit3A_830 = arith.constant 0 : i32
    %broadcast_in_dim3A_831 = vector.shape_cast %slice3A_829 : vector<1024x1xi32> to vector<1024x1xi32>
    %broadcast_in_dim3A_832 = vector.broadcast %broadcast_in_dim3A_831 : vector<1024x1xi32> to vector<1024x32xi32>
    %broadcast_in_dim3A_833 = vector.broadcast %jit3A_830 : i32 to vector<1024x32xi32>
    %select_n3A_834 = arith.select %eq3A_828, %broadcast_in_dim3A_832, %broadcast_in_dim3A_833 : vector<1024x32xi1>, vector<1024x32xi32>
    %add3A_835 = arith.addi %add3A_815, %select_n3A_834 : vector<1024x32xi32>
    %eq3A_836 = arith.constant 29 : i32
    %eq3A_837 = vector.broadcast %eq3A_836 : i32 to vector<1024x32xi32>
    %eq3A_838 = arith.cmpi eq, %select_n3A, %eq3A_837 : vector<1024x32xi32>
    %slice3A_839 = vector.extract_strided_slice %scan3A_28#3 {offsets = [0, 29], sizes = [1024, 1], strides = [1, 1]} : vector<1024x32xi32> to vector<1024x1xi32>
    %jit3A_840 = arith.constant 0 : i32
    %broadcast_in_dim3A_841 = vector.shape_cast %slice3A_839 : vector<1024x1xi32> to vector<1024x1xi32>
    %broadcast_in_dim3A_842 = vector.broadcast %broadcast_in_dim3A_841 : vector<1024x1xi32> to vector<1024x32xi32>
    %broadcast_in_dim3A_843 = vector.broadcast %jit3A_840 : i32 to vector<1024x32xi32>
    %select_n3A_844 = arith.select %eq3A_838, %broadcast_in_dim3A_842, %broadcast_in_dim3A_843 : vector<1024x32xi1>, vector<1024x32xi32>
    %add3A_845 = arith.addi %add3A_825, %select_n3A_844 : vector<1024x32xi32>
    %eq3A_846 = arith.constant 29 : i32
    %eq3A_847 = vector.broadcast %eq3A_846 : i32 to vector<1024x32xi32>
    %eq3A_848 = arith.cmpi eq, %select_n3A_252, %eq3A_847 : vector<1024x32xi32>
    %slice3A_849 = vector.extract_strided_slice %scan3A_28#5 {offsets = [0, 29], sizes = [1024, 1], strides = [1, 1]} : vector<1024x32xi32> to vector<1024x1xi32>
    %jit3A_850 = arith.constant 0 : i32
    %broadcast_in_dim3A_851 = vector.shape_cast %slice3A_849 : vector<1024x1xi32> to vector<1024x1xi32>
    %broadcast_in_dim3A_852 = vector.broadcast %broadcast_in_dim3A_851 : vector<1024x1xi32> to vector<1024x32xi32>
    %broadcast_in_dim3A_853 = vector.broadcast %jit3A_850 : i32 to vector<1024x32xi32>
    %select_n3A_854 = arith.select %eq3A_848, %broadcast_in_dim3A_852, %broadcast_in_dim3A_853 : vector<1024x32xi1>, vector<1024x32xi32>
    %add3A_855 = arith.addi %add3A_835, %select_n3A_854 : vector<1024x32xi32>
    %eq3A_856 = arith.constant 30 : i32
    %eq3A_857 = vector.broadcast %eq3A_856 : i32 to vector<1024x32xi32>
    %eq3A_858 = arith.cmpi eq, %select_n3A, %eq3A_857 : vector<1024x32xi32>
    %slice3A_859 = vector.extract_strided_slice %scan3A_28#3 {offsets = [0, 30], sizes = [1024, 1], strides = [1, 1]} : vector<1024x32xi32> to vector<1024x1xi32>
    %jit3A_860 = arith.constant 0 : i32
    %broadcast_in_dim3A_861 = vector.shape_cast %slice3A_859 : vector<1024x1xi32> to vector<1024x1xi32>
    %broadcast_in_dim3A_862 = vector.broadcast %broadcast_in_dim3A_861 : vector<1024x1xi32> to vector<1024x32xi32>
    %broadcast_in_dim3A_863 = vector.broadcast %jit3A_860 : i32 to vector<1024x32xi32>
    %select_n3A_864 = arith.select %eq3A_858, %broadcast_in_dim3A_862, %broadcast_in_dim3A_863 : vector<1024x32xi1>, vector<1024x32xi32>
    %add3A_865 = arith.addi %add3A_845, %select_n3A_864 : vector<1024x32xi32>
    %eq3A_866 = arith.constant 30 : i32
    %eq3A_867 = vector.broadcast %eq3A_866 : i32 to vector<1024x32xi32>
    %eq3A_868 = arith.cmpi eq, %select_n3A_252, %eq3A_867 : vector<1024x32xi32>
    %slice3A_869 = vector.extract_strided_slice %scan3A_28#5 {offsets = [0, 30], sizes = [1024, 1], strides = [1, 1]} : vector<1024x32xi32> to vector<1024x1xi32>
    %jit3A_870 = arith.constant 0 : i32
    %broadcast_in_dim3A_871 = vector.shape_cast %slice3A_869 : vector<1024x1xi32> to vector<1024x1xi32>
    %broadcast_in_dim3A_872 = vector.broadcast %broadcast_in_dim3A_871 : vector<1024x1xi32> to vector<1024x32xi32>
    %broadcast_in_dim3A_873 = vector.broadcast %jit3A_870 : i32 to vector<1024x32xi32>
    %select_n3A_874 = arith.select %eq3A_868, %broadcast_in_dim3A_872, %broadcast_in_dim3A_873 : vector<1024x32xi1>, vector<1024x32xi32>
    %add3A_875 = arith.addi %add3A_855, %select_n3A_874 : vector<1024x32xi32>
    %eq3A_876 = arith.constant 31 : i32
    %eq3A_877 = vector.broadcast %eq3A_876 : i32 to vector<1024x32xi32>
    %eq3A_878 = arith.cmpi eq, %select_n3A, %eq3A_877 : vector<1024x32xi32>
    %slice3A_879 = vector.extract_strided_slice %scan3A_28#3 {offsets = [0, 31], sizes = [1024, 1], strides = [1, 1]} : vector<1024x32xi32> to vector<1024x1xi32>
    %jit3A_880 = arith.constant 0 : i32
    %broadcast_in_dim3A_881 = vector.shape_cast %slice3A_879 : vector<1024x1xi32> to vector<1024x1xi32>
    %broadcast_in_dim3A_882 = vector.broadcast %broadcast_in_dim3A_881 : vector<1024x1xi32> to vector<1024x32xi32>
    %broadcast_in_dim3A_883 = vector.broadcast %jit3A_880 : i32 to vector<1024x32xi32>
    %select_n3A_884 = arith.select %eq3A_878, %broadcast_in_dim3A_882, %broadcast_in_dim3A_883 : vector<1024x32xi1>, vector<1024x32xi32>
    %add3A_885 = arith.addi %add3A_865, %select_n3A_884 : vector<1024x32xi32>
    %eq3A_886 = arith.constant 31 : i32
    %eq3A_887 = vector.broadcast %eq3A_886 : i32 to vector<1024x32xi32>
    %eq3A_888 = arith.cmpi eq, %select_n3A_252, %eq3A_887 : vector<1024x32xi32>
    %slice3A_889 = vector.extract_strided_slice %scan3A_28#5 {offsets = [0, 31], sizes = [1024, 1], strides = [1, 1]} : vector<1024x32xi32> to vector<1024x1xi32>
    %jit3A_890 = arith.constant 0 : i32
    %broadcast_in_dim3A_891 = vector.shape_cast %slice3A_889 : vector<1024x1xi32> to vector<1024x1xi32>
    %broadcast_in_dim3A_892 = vector.broadcast %broadcast_in_dim3A_891 : vector<1024x1xi32> to vector<1024x32xi32>
    %broadcast_in_dim3A_893 = vector.broadcast %jit3A_890 : i32 to vector<1024x32xi32>
    %select_n3A_894 = arith.select %eq3A_888, %broadcast_in_dim3A_892, %broadcast_in_dim3A_893 : vector<1024x32xi1>, vector<1024x32xi32>
    %add3A_895 = arith.addi %add3A_875, %select_n3A_894 : vector<1024x32xi32>
    %mul3A_896 = arith.constant 1024 : i32
    %mul3A_897 = vector.broadcast %mul3A_896 : i32 to vector<1024x32xi32>
    %mul3A_898 = arith.muli %add3A_885, %mul3A_897 : vector<1024x32xi32>
    %add3A_899 = arith.addi %mul3A_898, %add3A_895 : vector<1024x32xi32>
    %slice3A_900 = vector.extract_strided_slice %scan3A_107#1 {offsets = [0, 0], sizes = [1024, 1], strides = [1, 1]} : vector<1024x32xf32> to vector<1024x1xf32>
    %sub3A_901 = vector.broadcast %slice3A_900 : vector<1024x1xf32> to vector<1024x32xf32>
    %sub3A_902 = arith.subf %scan3A_107#1, %sub3A_901 : vector<1024x32xf32>
    %exp3A = math.exp %sub3A_902 : vector<1024x32xf32>
    %reduce_sum3A = arith.constant dense<0.000000e+00> : vector<1024xf32>
    %reduce_sum3A_903 = vector.multi_reduction <add>, %exp3A, %reduce_sum3A [1] : vector<1024x32xf32> to vector<1024xf32>
    %broadcast_in_dim3A_904 = vector.shape_cast %reduce_sum3A_903 : vector<1024xf32> to vector<1024x1xf32>
    %div3A = vector.broadcast %broadcast_in_dim3A_904 : vector<1024x1xf32> to vector<1024x32xf32>
    %div3A_905 = arith.divf %exp3A, %div3A : vector<1024x32xf32>
    %get3A_906 = arith.constant 0 : index
    %get3A_907 = arith.constant 0 : index
    %get3A_908 = memref.load %arg6[%get3A_906, %get3A_907] : memref<1x1xf32, #tpu.memory_space<smem>>
    %mul3A_909 = vector.broadcast %get3A_908 : f32 to vector<1024x32xf32>
    %mul3A_910 = arith.mulf %div3A_905, %mul3A_909 : vector<1024x32xf32>
    %swap3A = arith.constant 0 : index
    %swap3A_911 = arith.constant 0 : index
    %swap3A_912 = vector.load %arg7[%swap3A, %swap3A_911] : memref<1024x32xi32, #tpu.memory_space<vmem>>, vector<1024x32xi32>
    tpu.vector_store %arg7[%swap3A, %swap3A_911], %add3A_899 {strides = array<i32>} : memref<1024x32xi32, #tpu.memory_space<vmem>>, vector<1024x32xi32>,
    %swap3A_913 = arith.constant 0 : index
    %swap3A_914 = arith.constant 0 : index
    %swap3A_915 = vector.load %arg8[%swap3A_913, %swap3A_914] : memref<1024x32xf32, #tpu.memory_space<vmem>>, vector<1024x32xf32>
    tpu.vector_store %arg8[%swap3A_913, %swap3A_914], %scan3A_107#1 {strides = array<i32>} : memref<1024x32xf32, #tpu.memory_space<vmem>>, vector<1024x32xf32>,
    %swap3A_916 = arith.constant 0 : index
    %swap3A_917 = arith.constant 0 : index
    %swap3A_918 = vector.load %arg9[%swap3A_916, %swap3A_917] : memref<1024x32xf32, #tpu.memory_space<vmem>>, vector<1024x32xf32>
    tpu.vector_store %arg9[%swap3A_916, %swap3A_917], %mul3A_910 {strides = array<i32>} : memref<1024x32xf32, #tpu.memory_space<vmem>>, vector<1024x32xf32>,
    return
  }
  func.func @transform_0(%arg0: i32) -> (i32, i32) {
    %c0_i32 = arith.constant 0 : i32
    %c0_i32_0 = arith.constant 0 : i32
    return %arg0, %c0_i32 : i32, i32
  }
  func.func @transform_1(%arg0: i32) -> (i32, i32) {
    %c0_i32 = arith.constant 0 : i32
    %c0_i32_0 = arith.constant 0 : i32
    %c0_i32_1 = arith.constant 0 : i32
    return %c0_i32, %c0_i32_0 : i32, i32
  }
  func.func @transform_2(%arg0: i32) -> (i32, i32) {
    %c0_i32 = arith.constant 0 : i32
    %c0_i32_0 = arith.constant 0 : i32
    %c0_i32_1 = arith.constant 0 : i32
    return %c0_i32, %c0_i32_0 : i32, i32
  }
  func.func @transform_3(%arg0: i32) -> (i32, i32) {
    %c0_i32 = arith.constant 0 : i32
    %c0_i32_0 = arith.constant 0 : i32
    %c0_i32_1 = arith.constant 0 : i32
    return %c0_i32, %c0_i32_0 : i32, i32
  }
  func.func @transform_4(%arg0: i32) -> (i32, i32) {
    %c0_i32 = arith.constant 0 : i32
    %c0_i32_0 = arith.constant 0 : i32
    %c0_i32_1 = arith.constant 0 : i32
    return %c0_i32, %c0_i32_0 : i32, i32
  }
  func.func @transform_5(%arg0: i32) -> (i32, i32) {
    %c0_i32 = arith.constant 0 : i32
    %c0_i32_0 = arith.constant 0 : i32
    %c0_i32_1 = arith.constant 0 : i32
    return %c0_i32, %c0_i32_0 : i32, i32
  }
  func.func @transform_6(%arg0: i32) -> (i32, i32) {
    %c0_i32 = arith.constant 0 : i32
    %c0_i32_0 = arith.constant 0 : i32
    return %arg0, %c0_i32 : i32, i32
  }
  func.func @transform_7(%arg0: i32) -> (i32, i32) {
    %c0_i32 = arith.constant 0 : i32
    %c0_i32_0 = arith.constant 0 : i32
    return %arg0, %c0_i32 : i32, i32
  }
  func.func @transform_8(%arg0: i32) -> (i32, i32) {
    %c0_i32 = arith.constant 0 : i32
    %c0_i32_0 = arith.constant 0 : i32
    return %arg0, %c0_i32 : i32, i32
  }
}

</mosaic_0001>

<sc_bundles>
// kernel: kernel.4.cloned.1.call-start
scs
__scs_entry_jumppad:
0x0: {  	(pc) =	sbr.rel $0x88, $3  }
0x1: {  	(tag) =	ssettag $0x0;
	lr =	simm.s32 $0x1  }
0x2: {  	[smem:$0x3F9A] =	sst lr;
	_ =	strace $0xD0000000  }
0x3: {  	_ = 	snop  }
0x4: {  	_ = 	snop  }
0x5: {  	_ = 	snop  }
0x6: {  	_ = 	snop  }
0x7: {  	_ = 	snop  }
__scs_overlays_trampoline_lowered:
0x8: {  	[smem:$0x3FA9] =	sst s0  }
0x9: {  	[smem:$0x3FAA] =	sst s1  }
0xa: {  	[smem:$0x3FAB] =	sst s2  }
0xb: {  	[smem:$0x3FAC] =	sst s3  }
0xc: {  	[smem:$0x3FAD] =	sst s4  }
0xd: {  	[smem:$0x3FAE] =	sst s5  }
0xe: {  	[smem:$0x3FAF] =	sst s6  }
0xf: {  	[smem:$0x3FB0] =	sst s7  }
0x10: {  	[smem:$0x3FB1] =	sst s8  }
0x11: {  	[smem:$0x3FB2] =	sst s9;
	s0 =	simm.s32 @!p0 $0x0  }
0x12: {  	s1 =	sld [smem:$0x3F98];
	s0 =	simm.s32 @p0 $0x1  }
0x13: {  	[smem:$0x3FB3] =	sst s0;
	s0 =	simm.s32 @!p1 $0x0  }
0x14: {  	s2 =	sld [smem:$0x3F97];
	s0 =	simm.s32 @p1 $0x1  }
0x15: {  	[smem:$0x3FB4] =	sst s0;
	s0 =	simm.s32 @!p2 $0x0  }
0x16: {  	s3 =	sld [smem:$0x3FDB];
	s0 =	simm.s32 @p2 $0x1  }
0x17: {  	s4 =	simm.s32 $0x1BF5;
	[smem:$0x3FB6] =	sst s0  }
0x18: {  	s0 =	sld [smem:$0x3F99];
	_ =	swait.ge [sflag:s4], $0x0  }
0x19: {  	s7 =	sld [smem:$0x3F9A]  }
0x1a: {  	s8 =	sadd.s32 $0xFFFFE003, lr  }
0x1b: {  	s9 =	sadd.s32 $0xFFFFFEF7, lr;
	s5 =	simm.s32 $0xFFFFFFFF;
	p2 =	slt.u32 s8, $0xFFFFF086  }
0x1c: {  	p1 =	slt.u32 s9, $0xF7A;
	s5 =	simm.s32 @!p2 $0x0  }
0x1d: {  	s5 =	simm.s32 @p1 $0x1;
	p0 =	seq.s32 s7, s2  }
0x1e: {  	s7 =	smul.u32 @!p0 $0xF7A, s2;
	p2 =	seq.s32 @!p0 s5, $0x0  }
0x1f: {  	s9 =	smul.u32 $0xF7A, s1;
	s8 =	simm.s32 @!p0 $0x1BF5;
	p2 =	por !p2, p0  }
0x20: {  	[sflag:s8] =	ssyncset.s32 @!p0 $0xFFFFF086;
	s6 =	sadd.s32 @!p0 s3, s7;
	s7 =	simm.s32 @!p0 $0x108  }
0x21: {  	s3 =	sadd.s32 s3, s9;
	s6 =	sadd.s32 @!p0 $0x88, s6;
	s7 =	simm.s32 @p2 $0x1082  }
0x22: {  	[simem:s7], [sflag:s8] =	dma.local @!p0 [hbm:s6], $0xF7A  }
0x23: {  	s9 =	sor.u32 $0xD0000000, s2;
	s6 =	simm.s32 $0x108;
	_ =	swait.ge @!p0 [sflag:s8], $0x0  }
0x24: {  	s3 =	sadd.s32 $0x88, s3;
	s6 =	simm.s32 @!p1 $0x1082;
	[sflag:s4] =	ssyncset.s32 $0xFFFFF086  }
0x25: {  	[simem:s6], [sflag:s4] =	dma.local [hbm:s3], $0xF7A  }
0x26: {  	[smem:$0x3F9A] =	sst s1;
	(tag) =	ssettag s2;
	_ =	strace s9  }
0x27: {  	s1 =	sld [smem:$0x3FAA]  }
0x28: {  	s2 =	sld [smem:$0x3FAB]  }
0x29: {  	s4 =	sld [smem:$0x3FAD]  }
0x2a: {  	p0 =	seq.s32 s5, $0x0;
	s5 =	sld [smem:$0x3FAE]  }
0x2b: {  	s6 =	sld [smem:$0x3FAF]  }
0x2c: {  	s7 =	sld [smem:$0x3FB0]  }
0x2d: {  	s3 =	simm.s32 $0x108;
	s8 =	sld [smem:$0x3FB1]  }
0x2e: {  	s3 =	simm.s32 @!p0 $0x1082;
	s9 =	sld [smem:$0x3FB2]  }
0x2f: {  	lr =	sadd.s32 s0, s3;
	s0 =	sld [smem:$0x3FA9]  }
0x30: {  	s3 =	sld [smem:$0x3FAC]  }
0x31: {  	[smem:$0x3FB5] =	sst s10  }
0x32: {  	s10 =	sld [smem:$0x3FB3];
	_ =	sdelay $0x3  }
0x33: {  	p0 =	seq.s32 s10, $0x1;
	s10 =	sld [smem:$0x3FB5];
	_ =	sdelay $0x3  }
0x34: {  	[smem:$0x3FB5] =	sst s10  }
0x35: {  	s10 =	sld [smem:$0x3FB4];
	_ =	sdelay $0x3  }
0x36: {  	p1 =	seq.s32 s10, $0x1;
	s10 =	sld [smem:$0x3FB5];
	_ =	sdelay $0x3  }
0x37: {  	[smem:$0x3FB5] =	sst s10  }
0x38: {  	s10 =	sld [smem:$0x3FB6]  }
0x39: {  	_ = 	snop;
	(pc) =	sbr.ind lr, $3  }
0x3a: {  	_ = 	snop  }
0x3b: {  	_ = 	snop  }
0x3c: {  	p2 =	seq.s32 s10, $0x1;
	s10 =	sld [smem:$0x3FB5]  }
0x3d: {  	_ =	shalt  }
0x3e: {  	_ =	shalt  }
0x3f: {  	_ =	shalt  }
0x40: {  	_ =	shalt  }
0x41: {  	_ =	shalt  }
0x42: {  	_ =	shalt  }
0x43: {  	_ =	shalt  }
0x44: {  	_ =	shalt  }
0x45: {  	_ =	shalt  }
0x46: {  	_ =	shalt  }
0x47: {  	_ =	shalt  }
0x48: {  	_ =	shalt  }
0x49: {  	_ =	shalt  }
0x4a: {  	_ =	shalt  }
0x4b: {  	_ =	shalt  }
0x4c: {  	_ =	shalt  }
0x4d: {  	_ =	shalt  }
0x4e: {  	_ =	shalt  }
0x4f: {  	_ =	shalt  }
0x50: {  	_ =	shalt  }
0x51: {  	_ =	shalt  }
0x52: {  	_ =	shalt  }
0x53: {  	_ =	shalt  }
0x54: {  	_ =	shalt  }
0x55: {  	_ =	shalt  }
0x56: {  	_ =	shalt  }
0x57: {  	_ =	shalt  }
0x58: {  	_ =	shalt  }
0x59: {  	_ =	shalt  }
0x5a: {  	_ =	shalt  }
0x5b: {  	_ =	shalt  }
0x5c: {  	_ =	shalt  }
0x5d: {  	_ =	shalt  }
0x5e: {  	_ =	shalt  }
0x5f: {  	_ =	shalt  }
0x60: {  	_ =	shalt  }
0x61: {  	_ =	shalt  }
0x62: {  	_ =	shalt  }
0x63: {  	_ =	shalt  }
0x64: {  	_ =	shalt  }
0x65: {  	_ =	shalt  }
0x66: {  	_ =	shalt  }
0x67: {  	_ =	shalt  }
0x68: {  	_ =	shalt  }
0x69: {  	_ =	shalt  }
0x6a: {  	_ =	shalt  }
0x6b: {  	_ =	shalt  }
0x6c: {  	_ =	shalt  }
0x6d: {  	_ =	shalt  }
0x6e: {  	_ =	shalt  }
0x6f: {  	_ =	shalt  }
0x70: {  	_ =	shalt  }
0x71: {  	_ =	shalt  }
0x72: {  	_ =	shalt  }
0x73: {  	_ =	shalt  }
0x74: {  	_ =	shalt  }
0x75: {  	_ =	shalt  }
0x76: {  	_ =	shalt  }
0x77: {  	_ =	shalt  }
0x78: {  	_ =	shalt  }
0x79: {  	_ =	shalt  }
0x7a: {  	_ =	shalt  }
0x7b: {  	_ =	shalt  }
0x7c: {  	_ =	shalt  }
0x7d: {  	_ =	shalt  }
0x7e: {  	_ =	shalt  }
0x7f: {  	_ =	shalt  }
0x80: {  	_ =	shalt  }
0x81: {  	_ =	shalt  }
0x82: {  	_ =	shalt  }
0x83: {  	_ =	shalt  }
0x84: {  	_ =	shalt  }
0x85: {  	_ =	shalt  }
0x86: {  	_ =	shalt  }
0x87: {  	_ =	shalt  }
.Lfunc_end0:
.L_simem_size_0:
called_computation_lowered:
.L_overlay_start_0:
0x88: {  	s2 =	sld [smem:$0x3FD9]  }
0x89: {  	s3 =	sld [smem:$0x3FFE];
	_ =	sdelay $0x1  }
0x8a: {  	s1 =	srdreg.scid  }
0x8b: {  	s0 =	sand.u32 $0x1, s1  }
0x8c: {  	s14 =	sshll.u32 s0, $0xA;
	s2 =	sadd.s32 s3, s2  }
0x8d: {  	s2 =	sadd.s32 s2, s14  }
0x8e: {  	[smem:$0x3FC1] =	sst s2  }
0x8f: {  	_ = 	snop  }
0x90: {  	s2 =	sld [smem:$0x3FD0];
	_ =	sdelay $0x2  }
0x91: {  	s15 =	simm.s32 $0xA;
	s4 =	simm.s32 $0x10  }
0x92: {  	[smem:s4], [sflag:s15] =	dma.local [hbm:s2], $0x1  }
0x93: {  	_ =	swait.eq [sflag:s15], $0x1  }
0x94: {  	[sflag:s15] =	ssyncset.done $0x0  }
0x95: {  	[sflag:s15] =	ssyncadd.s32 $0xFFFFFFFF  }
0x96: {  	s16 =	sld [smem:$0x10];
	(tm) =	ssettm $0x1  }
0x97: {  	s17 =	sld [smem:$0x3FFB];
	_ =	sdelay $0x3  }
0x98: {  	_ =	strace s17  }
0x99: {  	s3 =	sld [smem:$0x3FFC];
	_ =	sdelay $0x3  }
0x9a: {  	_ =	strace s3  }
0x9b: {  	s3 =	sld [smem:$0x3FFD];
	_ =	sdelay $0x3  }
0x9c: {  	_ =	strace s3  }
0x9d: {  	_ =	strace $0x8FFFFFFF  }
0x9e: {  	s18 =	sld [smem:$0x3FDB];
	_ =	sdelay $0x1  }
0x9f: {  	s19 =	simm.s32 $_scs_section_size  }
0xa0: {  	s5 =	simm.s32 $_size__tile_overlayer_lowered;
	s6 =	simm.s32 $_tile_overlayer_lowered  }
0xa1: {  	s22 =	simm.s32 $0x1BFF;
	s21 =	sshll.u32 s6, $0x1;
	s3 =	sadd.s32 s19, s18  }
0xa2: {  	s7 =	simm.s32 $0x0;
	s20 =	sshll.u32 s5, $0x1;
	s5 =	sadd.s32 s21, s3  }
0xa3: {  	[timem:s7], [sflag:s22] =	dma.local [hbm:s5], s20  }
0xa4: {  	_ =	swait.ge [sflag:s22], s20  }
0xa5: {  	s4 =	ssub.s32 $0x0, s20;
	[sflag:s22] =	ssyncset.done $0x0  }
0xa6: {  	[sflag:s22] =	ssyncadd.s32 s4;
	_ =	sdelay $0x1  }
0xa7: {  	s23 =	simm.s32 $0x1B8B  }
0xa8: {  	_ =	swait.ge [sflag:s23], $0x1  }
0xa9: {  	[sflag:s23] =	ssyncset.done $0x0  }
0xaa: {  	s25 =	simm.s32 $0x1B8E;
	s24 =	sld [smem:$0x3FFE];
	[sflag:s23] =	ssyncadd.s32 $0xFFFFFFFF  }
0xab: {  	s26 =	simm.s32 $execute0_lowered;
	[smem:$0x3FD2] =	sst s25  }
0xac: {  	s5 =	sshll.u32 s26, $0x1;
	_ =	strace $0x80000046;
	[dreg:$0x1] =	wrdreg $0xFFFFFFFF  }
0xad: {  	s28 =	simm.s32 $_size_execute0_lowered;
	s3 =	sadd.s32 s3, s5;
	[dreg:$0x0] =	wrdreg $0x0  }
0xae: {  	s5 =	sshll.u32 s28, $0x1;
	[dreg:$0x2] =	wrdreg s3  }
0xaf: {  	[dreg:$0x3] =	wrdreg s5  }
0xb0: {  	[dreg:$0x4] =	wrdreg $0xC0  }
0xb1: {  	_ =	task [dreg:s7], $0x5FFFF  }
0xb2: {  	[dreg:$0x1] =	wrdreg $0xFFFFFFFF  }
0xb3: {  	[dreg:$0x0] =	wrdreg $0x60  }
0xb4: {  	[dreg:$0x2] =	wrdreg s24  }
0xb5: {  	[dreg:$0x3] =	wrdreg s16  }
0xb6: {  	[dreg:$0x4] =	wrdreg $0x9  }
0xb7: {  	_ =	task.clear_ibuf [dreg:s7], $0x5FFFF;
	_ =	strace $0x90000046  }
0xb8: {  	s29 =	simm.s32 $0x9;
	_ =	strace $0x80000048  }
0xb9: {  	_ =	swait.ge [sflag:s29], $0x1  }
0xba: {  	[sflag:s29] =	ssyncadd.s32 $0xFFFFFFFF  }
0xbb: {  	_ =	strace $0x90000048  }
0xbc: {  	_ =	sfence  }
0xbd: {  	s30 =	sld [smem:$0x0];
	_ =	sdelay $0x2  }
0xbe: {  	s31 =	sshll.u32 s1, $0xD;
	s1 =	sshrl.u32 s1, $0x2  }
0xbf: {  	s3 =	sand.u32 $0x4000, s31;
	s1 =	sadd.s32 s1, s30  }
0xc0: {  	s0 =	sor.u32 s3, s0;
	s1 =	sshll.u32 s1, $0x11  }
0xc1: {  	s0 =	sor.u32 s1, s0  }
0xc2: {  	s0 =	sadd.s32 $0x8F2B, s0  }
0xc3: {  	[sflag:s0] =	ssyncadd.remote.s32 $0x1  }
0xc4: {  	_ =	sfence.sel $0xFFFF  }
0xc5: {  	[dreg:$0x0] =	wrdreg $0xFFFFFFFF;
	(pc) =	sbr.abs _section_cstart, $3  }
0xc6: {  	[dreg:$0x1] =	wrdreg $0xFFFFFFFF  }
0xc7: {  	_ =	task.clear_ibuf [dreg:s7], $0x2FFFF;
	_ =	strace $0x9FFFFFFF  }
0xc8: {  	(tm) =	ssettm $0x7FFFFFFF  }
0xc9: {  	_ =	shalt  }
tec
execute0_lowered:
.L_overlay_start_1:
0x0: {  	(tag) =	ssettag $0x1  }
0x1: {  	s7 =	rddreg [dreg:$0x0]  }
0x2: {  	s8 =	rddreg [dreg:$0x1]  }
0x3: {  	s0 =	rddreg [dreg:$0x2];
	s2 =	simm.s32 $0x0  }
0x4: {  	s3 =	srdreg.scid;
	s1 =	stileid.u32;
	s12 =	simm.s32 $0x100  }
0x5: {  	s13 =	simm.s32 $0x2100;
	s14 =	simm.s32 $0x4100;
	s15 =	simm.s32 $0x1  }
0x6: {  	s16 =	simm.s32 $0x5100;
	s17 =	simm.s32 $0x0;
	s22 =	simm.s32 $0x0  }
0x7: {  	[smem:$0x7FF] =	sst s2;
	s5 =	sand.u32 $0x1, s3;
	s3 =	sadd.s32 $0x1001800, s7  }
0x8: {  	s9 =	sshll.u32 s1, $0x1;
	s4 =	sadd.s32 $0x21800, s7;
	_ =	strace $0x80000047  }
0x9: {  	s6 =	ssub.s32 $0x2, s5;
	s9 =	sor.u32 s5, s9;
	s5 =	sadd.s32 $0x225800, s7  }
0xa: {  	s7 =	sadd.s32 $0x21810, s7;
	s10 =	sshrl.u32 s6, $0x1;
	s11 =	sshll.u32 s9, $0xA  }
0xb: {  	s10 =	ssub.s32 s6, s10;
	s6 =	sshll.u32 s9, $0xC;
	s8 =	sadd.s32 s8, s11  }
0xc: {  	s11 =	simm.s32 $0x80;
	s9 =	smax.u32 s10, $0x1;
	s10 =	simm.s32 $0x2  }
.LBB2_1:
0xd: {  	s18 =	simm.s32 $0x0  }
.LBB2_2:
0xe: {  	s19 =	sshll.u32 s18, $0x8  }
0xf: {  	s19 =	sadd.s32 s6, s19  }
0x10: {  	s20 =	sshrl.u32 s19, $0x3  }
0x11: {  	s21 =	sadd.s32 s4, s20  }
0x12: {  	[tilespmem:s22], [sflag:$0x2] =	stream.linear.gather [hbm4b:s21+s22], $0x80, $0x38;
	[tilespmem:$0x5300] =	vst v63  }
0x13: {  	_ =	swait.ge [sflag:s10], $0x80  }
0x14: {  	[sflag:s10] =	ssyncset.done $0x0  }
0x15: {  	[sflag:s10] =	ssyncadd.s32 $0xFFFFFF80  }
0x16: {  	[tilespmem:s12], [sflag:$0x1] =	stream.indirect.gather [hbm4b:s3+s11], $0x40, s22, s11, $0xb8;
	[tilespmem:$0x5300] =	vst v63  }
0x17: {  	s20 =	sadd.s32 s20, s7  }
0x18: {  	[tilespmem:s11], [sflag:$0x2] =	stream.linear.gather [hbm4b:s20+s22], $0x80, $0x38;
	[tilespmem:$0x5300] =	vst v63  }
0x19: {  	_ =	swait.ge [sflag:s10], $0x80  }
0x1a: {  	[sflag:s10] =	ssyncset.done $0x0  }
0x1b: {  	s19 =	sshll.u32 s19, $0x1;
	[sflag:s10] =	ssyncadd.s32 $0xFFFFFF80  }
0x1c: {  	[tilespmem:s13], [sflag:$0x1] =	stream.indirect.gather [hbm4b:s3+s11], $0x40, s11, s11, $0xb8;
	[tilespmem:$0x5300] =	vst v63  }
0x1d: {  	s19 =	sadd.s32 s5, s19  }
0x1e: {  	[tilespmem:s14], [sflag:$0x2] =	stream.linear.gather [hbm4b:s19+s22], $0x1000, $0x38;
	[tilespmem:$0x5300] =	vst v63  }
0x1f: {  	_ =	swait.ge [sflag:s10], $0x1000  }
0x20: {  	[sflag:s10] =	ssyncset.done $0x0  }
0x21: {  	[sflag:s10] =	ssyncadd.s32 $0xFFFFF000  }
0x22: {  	_ =	swait.ge [sflag:s15], $0x2000  }
0x23: {  	[sflag:s15] =	ssyncset.done $0x0  }
0x24: {  	[sflag:s15] =	ssyncadd.s32 $0xFFFFE000  }
0x25: {  	_ =	swait.ge [sflag:s15], $0x2000  }
0x26: {  	[sflag:s15] =	ssyncset.done $0x0  }
0x27: {  	s30 =	simm.s32 $0x120;
	[sflag:s15] =	ssyncadd.s32 $0xFFFFE000  }
0x28: {  	s31 =	simm.s32 $0x0;
	v1 =	vld [tilespmem:s30+$0x10]  }
0x29: {  	v2 =	vld [tilespmem:s31+$0x4100]  }
0x2a: {  	v3 =	vld [tilespmem:s30+$0xFFFFFFE0]  }
0x2b: {  	v7 =	vld [tilespmem:s30+$0xFFFFFFF0]  }
0x2c: {  	v0 =	vimm.f32 $0.0e+00;
	v6 =	vld [tilespmem:s30+$0x0]  }
0x2d: {  	v8 =	vimm.f32 $0.0e+00;
	v4 =	vimm.f32 $0.0e+00;
	v5 =	vimm.f32 $0.0e+00;
	s20 =	simm.s32 $0x160;
	s19 =	simm.s32 $0x40  }
.LBB2_3:
0x2e: {  	s21 =	sshra.s32 s19, $0x2;
	p0 =	sne.s32 s19, $0x7C0;
	s19 =	sadd.s32 $0x40, s19;
	v9 =	vmul.f32 v1, v2;
	v1 =	vld [tilespmem:s20+$0x10];
	v10 =	vmov v2  }
.Ltmp0:
0x2f: {  	v2 =	vld [tilespmem:s21+$0x4100];
	v11 =	vmul.f32 v3, v10;
	(pc) =	sbr.rel @p0 .LBB2_3-.Ltmp0, $4  }
0x30: {  	v3 =	vld [tilespmem:s20+$0xFFFFFFE0];
	v12 =	vmul.f32 v7, v10;
	v0 =	vadd.f32 v9, v0  }
0x31: {  	v7 =	vld [tilespmem:s20+$0xFFFFFFF0];
	v8 =	vadd.f32 v11, v8;
	v9 =	vmul.f32 v6, v10  }
0x32: {  	v6 =	vld [tilespmem:s20+$0x0];
	v4 =	vadd.f32 v12, v4  }
0x33: {  	s20 =	sadd.s32 $0x40, s20;
	v5 =	vadd.f32 v9, v5  }
0x34: {  	v1 =	vmul.f32 v1, v2  }
0x35: {  	v3 =	vmul.f32 v3, v2  }
0x36: {  	v7 =	vmul.f32 v7, v2;
	v0 =	vadd.f32 v1, v0  }
0x37: {  	v3 =	vadd.f32 v3, v8;
	v6 =	vmul.f32 v6, v2  }
0x38: {  	v2 =	vadd.f32 v7, v4;
	[tilespmem:$0x5130] =	vst v0  }
0x39: {  	v4 =	vadd.f32 v6, v5;
	[tilespmem:$0x5100] =	vst v3  }
0x3a: {  	[tilespmem:$0x5110] =	vst v2  }
0x3b: {  	s20 =	simm.s32 $0x930;
	[tilespmem:$0x5120] =	vst v4  }
0x3c: {  	s19 =	simm.s32 $0x0;
	v1 =	vld [tilespmem:s20+$0x0]  }
0x3d: {  	v2 =	vld [tilespmem:s19+$0x4300]  }
0x3e: {  	v3 =	vld [tilespmem:s20+$0xFFFFFFD0]  }
0x3f: {  	v7 =	vld [tilespmem:s20+$0xFFFFFFE0]  }
0x40: {  	v8 =	vimm.f32 $0.0e+00;
	v6 =	vld [tilespmem:s20+$0xFFFFFFF0]  }
0x41: {  	v0 =	vimm.f32 $0.0e+00;
	v5 =	vimm.f32 $0.0e+00;
	v4 =	vimm.f32 $0.0e+00;
	s19 =	simm.s32 $0x40;
	s20 =	simm.s32 $0x970  }
.LBB2_5:
0x42: {  	s21 =	sshra.s32 s19, $0x2;
	p0 =	sne.s32 s19, $0x7C0;
	s19 =	sadd.s32 $0x40, s19;
	v9 =	vmul.f32 v1, v2;
	v1 =	vld [tilespmem:s20+$0x0];
	v10 =	vmov v2  }
.Ltmp1:
0x43: {  	v2 =	vld [tilespmem:s21+$0x4300];
	v11 =	vmul.f32 v3, v10;
	(pc) =	sbr.rel @p0 .LBB2_5-.Ltmp1, $4  }
0x44: {  	v3 =	vld [tilespmem:s20+$0xFFFFFFD0];
	v12 =	vmul.f32 v7, v10;
	v0 =	vadd.f32 v9, v0  }
0x45: {  	v7 =	vld [tilespmem:s20+$0xFFFFFFE0];
	v8 =	vadd.f32 v11, v8;
	v9 =	vmul.f32 v6, v10  }
0x46: {  	v6 =	vld [tilespmem:s20+$0xFFFFFFF0];
	v4 =	vadd.f32 v12, v4  }
0x47: {  	s20 =	sadd.s32 $0x40, s20;
	v5 =	vadd.f32 v9, v5  }
0x48: {  	v1 =	vmul.f32 v1, v2  }
0x49: {  	v3 =	vmul.f32 v3, v2  }
0x4a: {  	v7 =	vmul.f32 v7, v2;
	v0 =	vadd.f32 v1, v0  }
0x4b: {  	v3 =	vadd.f32 v3, v8;
	v6 =	vmul.f32 v6, v2  }
0x4c: {  	v2 =	vadd.f32 v7, v4;
	[tilespmem:$0x5170] =	vst v0  }
0x4d: {  	v4 =	vadd.f32 v6, v5;
	[tilespmem:$0x5140] =	vst v3  }
0x4e: {  	[tilespmem:$0x5150] =	vst v2  }
0x4f: {  	s20 =	simm.s32 $0x1130;
	[tilespmem:$0x5160] =	vst v4  }
0x50: {  	s19 =	simm.s32 $0x0;
	v1 =	vld [tilespmem:s20+$0x0]  }
0x51: {  	v2 =	vld [tilespmem:s19+$0x4500]  }
0x52: {  	v3 =	vld [tilespmem:s20+$0xFFFFFFD0]  }
0x53: {  	v7 =	vld [tilespmem:s20+$0xFFFFFFE0]  }
0x54: {  	v8 =	vimm.f32 $0.0e+00;
	v6 =	vld [tilespmem:s20+$0xFFFFFFF0]  }
0x55: {  	v0 =	vimm.f32 $0.0e+00;
	v5 =	vimm.f32 $0.0e+00;
	v4 =	vimm.f32 $0.0e+00;
	s19 =	simm.s32 $0x40;
	s20 =	simm.s32 $0x1170  }
.LBB2_7:
0x56: {  	s21 =	sshra.s32 s19, $0x2;
	p0 =	sne.s32 s19, $0x7C0;
	s19 =	sadd.s32 $0x40, s19;
	v9 =	vmul.f32 v1, v2;
	v1 =	vld [tilespmem:s20+$0x0];
	v10 =	vmov v2  }
.Ltmp2:
0x57: {  	v2 =	vld [tilespmem:s21+$0x4500];
	v11 =	vmul.f32 v3, v10;
	(pc) =	sbr.rel @p0 .LBB2_7-.Ltmp2, $4  }
0x58: {  	v3 =	vld [tilespmem:s20+$0xFFFFFFD0];
	v12 =	vmul.f32 v7, v10;
	v0 =	vadd.f32 v9, v0  }
0x59: {  	v7 =	vld [tilespmem:s20+$0xFFFFFFE0];
	v8 =	vadd.f32 v11, v8;
	v9 =	vmul.f32 v6, v10  }
0x5a: {  	v6 =	vld [tilespmem:s20+$0xFFFFFFF0];
	v4 =	vadd.f32 v12, v4  }
0x5b: {  	s20 =	sadd.s32 $0x40, s20;
	v5 =	vadd.f32 v9, v5  }
0x5c: {  	v1 =	vmul.f32 v1, v2  }
0x5d: {  	v3 =	vmul.f32 v3, v2  }
0x5e: {  	v7 =	vmul.f32 v7, v2;
	v0 =	vadd.f32 v1, v0  }
0x5f: {  	v3 =	vadd.f32 v3, v8;
	v6 =	vmul.f32 v6, v2  }
0x60: {  	v2 =	vadd.f32 v7, v4;
	[tilespmem:$0x51B0] =	vst v0  }
0x61: {  	v4 =	vadd.f32 v6, v5;
	[tilespmem:$0x5180] =	vst v3  }
0x62: {  	[tilespmem:$0x5190] =	vst v2  }
0x63: {  	s20 =	simm.s32 $0x1930;
	[tilespmem:$0x51A0] =	vst v4  }
0x64: {  	s19 =	simm.s32 $0x0;
	v1 =	vld [tilespmem:s20+$0x0]  }
0x65: {  	v2 =	vld [tilespmem:s19+$0x4700]  }
0x66: {  	v3 =	vld [tilespmem:s20+$0xFFFFFFD0]  }
0x67: {  	v7 =	vld [tilespmem:s20+$0xFFFFFFE0]  }
0x68: {  	v8 =	vimm.f32 $0.0e+00;
	v6 =	vld [tilespmem:s20+$0xFFFFFFF0]  }
0x69: {  	v0 =	vimm.f32 $0.0e+00;
	v5 =	vimm.f32 $0.0e+00;
	v4 =	vimm.f32 $0.0e+00;
	s19 =	simm.s32 $0x40;
	s20 =	simm.s32 $0x1970  }
.LBB2_9:
0x6a: {  	s21 =	sshra.s32 s19, $0x2;
	p0 =	sne.s32 s19, $0x7C0;
	s19 =	sadd.s32 $0x40, s19;
	v9 =	vmul.f32 v1, v2;
	v1 =	vld [tilespmem:s20+$0x0];
	v10 =	vmov v2  }
.Ltmp3:
0x6b: {  	v2 =	vld [tilespmem:s21+$0x4700];
	v11 =	vmul.f32 v3, v10;
	(pc) =	sbr.rel @p0 .LBB2_9-.Ltmp3, $4  }
0x6c: {  	v3 =	vld [tilespmem:s20+$0xFFFFFFD0];
	v12 =	vmul.f32 v7, v10;
	v0 =	vadd.f32 v9, v0  }
0x6d: {  	v7 =	vld [tilespmem:s20+$0xFFFFFFE0];
	v8 =	vadd.f32 v11, v8;
	v9 =	vmul.f32 v6, v10  }
0x6e: {  	v6 =	vld [tilespmem:s20+$0xFFFFFFF0];
	v4 =	vadd.f32 v12, v4  }
0x6f: {  	s20 =	sadd.s32 $0x40, s20;
	v5 =	vadd.f32 v9, v5  }
0x70: {  	v1 =	vmul.f32 v1, v2  }
0x71: {  	v3 =	vmul.f32 v3, v2  }
0x72: {  	v7 =	vmul.f32 v7, v2;
	v0 =	vadd.f32 v1, v0  }
0x73: {  	v3 =	vadd.f32 v3, v8;
	v6 =	vmul.f32 v6, v2  }
0x74: {  	v2 =	vadd.f32 v7, v4;
	[tilespmem:$0x51F0] =	vst v0  }
0x75: {  	v4 =	vadd.f32 v6, v5;
	[tilespmem:$0x51C0] =	vst v3  }
0x76: {  	[tilespmem:$0x51D0] =	vst v2  }
0x77: {  	s20 =	simm.s32 $0x2120;
	[tilespmem:$0x51E0] =	vst v4  }
0x78: {  	s19 =	simm.s32 $0x0;
	v1 =	vld [tilespmem:s20+$0x10]  }
0x79: {  	v2 =	vld [tilespmem:s19+$0x4900]  }
0x7a: {  	v3 =	vld [tilespmem:s20+$0xFFFFFFE0]  }
0x7b: {  	v7 =	vld [tilespmem:s20+$0xFFFFFFF0]  }
0x7c: {  	v8 =	vimm.f32 $0.0e+00;
	v6 =	vld [tilespmem:s20+$0x0]  }
0x7d: {  	v0 =	vimm.f32 $0.0e+00;
	v5 =	vimm.f32 $0.0e+00;
	v4 =	vimm.f32 $0.0e+00;
	s19 =	simm.s32 $0x40;
	s20 =	simm.s32 $0x2160  }
.LBB2_11:
0x7e: {  	s21 =	sshra.s32 s19, $0x2;
	p0 =	sne.s32 s19, $0x7C0;
	s19 =	sadd.s32 $0x40, s19;
	v9 =	vmul.f32 v1, v2;
	v1 =	vld [tilespmem:s20+$0x10];
	v10 =	vmov v2  }
.Ltmp4:
0x7f: {  	v2 =	vld [tilespmem:s21+$0x4900];
	v11 =	vmul.f32 v3, v10;
	(pc) =	sbr.rel @p0 .LBB2_11-.Ltmp4, $4  }
0x80: {  	v3 =	vld [tilespmem:s20+$0xFFFFFFE0];
	v12 =	vmul.f32 v7, v10;
	v0 =	vadd.f32 v9, v0  }
0x81: {  	v7 =	vld [tilespmem:s20+$0xFFFFFFF0];
	v8 =	vadd.f32 v11, v8;
	v9 =	vmul.f32 v6, v10  }
0x82: {  	v6 =	vld [tilespmem:s20+$0x0];
	v4 =	vadd.f32 v12, v4  }
0x83: {  	s20 =	sadd.s32 $0x40, s20;
	v5 =	vadd.f32 v9, v5  }
0x84: {  	v1 =	vmul.f32 v1, v2  }
0x85: {  	v3 =	vmul.f32 v3, v2  }
0x86: {  	v7 =	vmul.f32 v7, v2;
	v0 =	vadd.f32 v1, v0  }
0x87: {  	v3 =	vadd.f32 v3, v8;
	v6 =	vmul.f32 v6, v2  }
0x88: {  	v2 =	vadd.f32 v7, v4;
	[tilespmem:$0x5230] =	vst v0  }
0x89: {  	v4 =	vadd.f32 v6, v5;
	[tilespmem:$0x5200] =	vst v3  }
0x8a: {  	[tilespmem:$0x5210] =	vst v2  }
0x8b: {  	s20 =	simm.s32 $0x2930;
	[tilespmem:$0x5220] =	vst v4  }
0x8c: {  	s19 =	simm.s32 $0x0;
	v1 =	vld [tilespmem:s20+$0x0]  }
0x8d: {  	v2 =	vld [tilespmem:s19+$0x4B00]  }
0x8e: {  	v3 =	vld [tilespmem:s20+$0xFFFFFFD0]  }
0x8f: {  	v7 =	vld [tilespmem:s20+$0xFFFFFFE0]  }
0x90: {  	v8 =	vimm.f32 $0.0e+00;
	v6 =	vld [tilespmem:s20+$0xFFFFFFF0]  }
0x91: {  	v0 =	vimm.f32 $0.0e+00;
	v5 =	vimm.f32 $0.0e+00;
	v4 =	vimm.f32 $0.0e+00;
	s19 =	simm.s32 $0x40;
	s20 =	simm.s32 $0x2970  }
.LBB2_13:
0x92: {  	s21 =	sshra.s32 s19, $0x2;
	p0 =	sne.s32 s19, $0x7C0;
	s19 =	sadd.s32 $0x40, s19;
	v9 =	vmul.f32 v1, v2;
	v1 =	vld [tilespmem:s20+$0x0];
	v10 =	vmov v2  }
.Ltmp5:
0x93: {  	v2 =	vld [tilespmem:s21+$0x4B00];
	v11 =	vmul.f32 v3, v10;
	(pc) =	sbr.rel @p0 .LBB2_13-.Ltmp5, $4  }
0x94: {  	v3 =	vld [tilespmem:s20+$0xFFFFFFD0];
	v12 =	vmul.f32 v7, v10;
	v0 =	vadd.f32 v9, v0  }
0x95: {  	v7 =	vld [tilespmem:s20+$0xFFFFFFE0];
	v8 =	vadd.f32 v11, v8;
	v9 =	vmul.f32 v6, v10  }
0x96: {  	v6 =	vld [tilespmem:s20+$0xFFFFFFF0];
	v4 =	vadd.f32 v12, v4  }
0x97: {  	s20 =	sadd.s32 $0x40, s20;
	v5 =	vadd.f32 v9, v5  }
0x98: {  	v1 =	vmul.f32 v1, v2  }
0x99: {  	v3 =	vmul.f32 v3, v2  }
0x9a: {  	v7 =	vmul.f32 v7, v2;
	v0 =	vadd.f32 v1, v0  }
0x9b: {  	v3 =	vadd.f32 v3, v8;
	v6 =	vmul.f32 v6, v2  }
0x9c: {  	v2 =	vadd.f32 v7, v4;
	[tilespmem:$0x5270] =	vst v0  }
0x9d: {  	v4 =	vadd.f32 v6, v5;
	[tilespmem:$0x5240] =	vst v3  }
0x9e: {  	[tilespmem:$0x5250] =	vst v2  }
0x9f: {  	s20 =	simm.s32 $0x3130;
	[tilespmem:$0x5260] =	vst v4  }
0xa0: {  	s19 =	simm.s32 $0x0;
	v1 =	vld [tilespmem:s20+$0x0]  }
0xa1: {  	v2 =	vld [tilespmem:s19+$0x4D00]  }
0xa2: {  	v3 =	vld [tilespmem:s20+$0xFFFFFFD0]  }
0xa3: {  	v7 =	vld [tilespmem:s20+$0xFFFFFFE0]  }
0xa4: {  	v8 =	vimm.f32 $0.0e+00;
	v6 =	vld [tilespmem:s20+$0xFFFFFFF0]  }
0xa5: {  	v0 =	vimm.f32 $0.0e+00;
	v5 =	vimm.f32 $0.0e+00;
	v4 =	vimm.f32 $0.0e+00;
	s19 =	simm.s32 $0x40;
	s20 =	simm.s32 $0x3170  }
.LBB2_15:
0xa6: {  	s21 =	sshra.s32 s19, $0x2;
	p0 =	sne.s32 s19, $0x7C0;
	s19 =	sadd.s32 $0x40, s19;
	v9 =	vmul.f32 v1, v2;
	v1 =	vld [tilespmem:s20+$0x0];
	v10 =	vmov v2  }
.Ltmp6:
0xa7: {  	v2 =	vld [tilespmem:s21+$0x4D00];
	v11 =	vmul.f32 v3, v10;
	(pc) =	sbr.rel @p0 .LBB2_15-.Ltmp6, $4  }
0xa8: {  	v3 =	vld [tilespmem:s20+$0xFFFFFFD0];
	v12 =	vmul.f32 v7, v10;
	v0 =	vadd.f32 v9, v0  }
0xa9: {  	v7 =	vld [tilespmem:s20+$0xFFFFFFE0];
	v8 =	vadd.f32 v11, v8;
	v9 =	vmul.f32 v6, v10  }
0xaa: {  	v6 =	vld [tilespmem:s20+$0xFFFFFFF0];
	v4 =	vadd.f32 v12, v4  }
0xab: {  	s20 =	sadd.s32 $0x40, s20;
	v5 =	vadd.f32 v9, v5  }
0xac: {  	v1 =	vmul.f32 v1, v2  }
0xad: {  	v3 =	vmul.f32 v3, v2  }
0xae: {  	v7 =	vmul.f32 v7, v2;
	v0 =	vadd.f32 v1, v0  }
0xaf: {  	v3 =	vadd.f32 v3, v8;
	v6 =	vmul.f32 v6, v2  }
0xb0: {  	v2 =	vadd.f32 v7, v4;
	[tilespmem:$0x52B0] =	vst v0  }
0xb1: {  	v4 =	vadd.f32 v6, v5;
	[tilespmem:$0x5280] =	vst v3  }
0xb2: {  	[tilespmem:$0x5290] =	vst v2  }
0xb3: {  	s20 =	simm.s32 $0x3930;
	[tilespmem:$0x52A0] =	vst v4  }
0xb4: {  	s19 =	simm.s32 $0x0;
	v1 =	vld [tilespmem:s20+$0x0]  }
0xb5: {  	v2 =	vld [tilespmem:s19+$0x4F00]  }
0xb6: {  	v3 =	vld [tilespmem:s20+$0xFFFFFFD0]  }
0xb7: {  	v7 =	vld [tilespmem:s20+$0xFFFFFFE0]  }
0xb8: {  	v8 =	vimm.f32 $0.0e+00;
	v6 =	vld [tilespmem:s20+$0xFFFFFFF0]  }
0xb9: {  	v0 =	vimm.f32 $0.0e+00;
	v5 =	vimm.f32 $0.0e+00;
	v4 =	vimm.f32 $0.0e+00;
	s19 =	simm.s32 $0x40;
	s20 =	simm.s32 $0x3970  }
.LBB2_17:
0xba: {  	s21 =	sshra.s32 s19, $0x2;
	p0 =	sne.s32 s19, $0x7C0;
	s19 =	sadd.s32 $0x40, s19;
	v9 =	vmul.f32 v1, v2;
	v1 =	vld [tilespmem:s20+$0x0];
	v10 =	vmov v2  }
.Ltmp7:
0xbb: {  	v2 =	vld [tilespmem:s21+$0x4F00];
	v11 =	vmul.f32 v3, v10;
	(pc) =	sbr.rel @p0 .LBB2_17-.Ltmp7, $4  }
0xbc: {  	v3 =	vld [tilespmem:s20+$0xFFFFFFD0];
	v12 =	vmul.f32 v7, v10;
	v0 =	vadd.f32 v9, v0  }
0xbd: {  	v7 =	vld [tilespmem:s20+$0xFFFFFFE0];
	v8 =	vadd.f32 v11, v8;
	v9 =	vmul.f32 v6, v10  }
0xbe: {  	v6 =	vld [tilespmem:s20+$0xFFFFFFF0];
	v4 =	vadd.f32 v12, v4  }
0xbf: {  	s20 =	sadd.s32 $0x40, s20;
	v5 =	vadd.f32 v9, v5  }
0xc0: {  	v1 =	vmul.f32 v1, v2  }
0xc1: {  	v3 =	vmul.f32 v3, v2  }
0xc2: {  	v7 =	vmul.f32 v7, v2;
	v0 =	vadd.f32 v1, v0  }
0xc3: {  	v3 =	vadd.f32 v3, v8;
	v6 =	vmul.f32 v6, v2  }
0xc4: {  	v62 =	vadd.f32 v7, v4;
	[tilespmem:$0x52F0] =	vst v0  }
0xc5: {  	s19 =	sshll.u32 s18, $0x6;
	s18 =	sadd.s32 $0x1, s18;
	v63 =	vadd.f32 v6, v5;
	[tilespmem:$0x52C0] =	vst v3  }
0xc6: {  	p0 =	sne.s32 s18, $0x10;
	[tilespmem:$0x52D0] =	vst v62  }
.Ltmp8:
0xc7: {  	s19 =	sadd.s32 s19, s8;
	[tilespmem:$0x52E0] =	vst v63;
	(pc) =	sbr.rel @p0 .LBB2_2-.Ltmp8, $4  }
0xc8: {  	[hbm4b:s19+s2] =	stream.linear.scatter [tilespmem:s16], [sflag:$0x2], $0x200, $0x38;
	[tilespmem:$0x5300] =	vst v63  }
0xc9: {  	_ =	swait.ge [sflag:s10], $0x200  }
0xca: {  	[sflag:s10] =	ssyncset.done $0x0  }
0xcb: {  	[sflag:s10] =	ssyncadd.s32 $0xFFFFFE00  }
0xcc: {  	s17 =	sadd.s32 $0x1, s17  }
0xcd: {  	p0 =	sne.s32 s17, s9  }
.Ltmp9:
0xce: {  	_ = 	snop;
	(pc) =	sbr.rel @p0 .LBB2_1-.Ltmp9, $1  }
0xcf: {  	_ =	sdelay $0x3  }
0xd0: {  	_ =	sfence.sel $0x180000  }
0xd1: {  	[bflag:$0x0] =	sbarrier.arrive $0xFFFF  }
0xd2: {  	p0 =	sne.s32 s1, $0x0;
	_ =	strace $0x90000047  }
0xd3: {  	s0 =	sadd.s32 @!p0 $0x100000, s0;
	[bflag:$0x2] =	sbarrier.arrive $0xFFFF  }
0xd4: {  	[sflag:s0] =	ssyncadd.tile.s32 @!p0 $0x1;
	_ =	shalt  }
.Lfunc_end2:
_tile_overlayer_lowered:
.L_overlay_start_2:
0xd5: {  	(tag) =	ssettag $0x2  }
0xd6: {  	s0 =	rddreg [dreg:$0x0];
	s2 =	stileid.u32  }
0xd7: {  	s1 =	rddreg [dreg:$0x1];
	p0 =	sne.s32 s2, $0x0  }
0xd8: {  	s3 =	rddreg [dreg:$0x2];
	[bflag:$0x3] =	sbarrier.arrive $0xFFFF;
	s2 =	simm.s32 @!p0 $0x1C02  }
0xd9: {  	[timem:s3], [sflag:s2] =	dma.local @!p0 [hbm:s0], s1  }
0xda: {  	s0 =	simm.s32 @!p0 $0x2  }
0xdb: {  	_ =	swait.ge @!p0 [sflag:s0], s1  }
0xdc: {  	s1 =	ssub.s32 @!p0 $0x0, s1;
	[sflag:s0] =	ssyncset.done @!p0 $0x0  }
0xdd: {  	[sflag:s0] =	ssyncadd.s32 @!p0 s1  }
0xde: {  	[bflag:$0x3] =	sbarrier.arrive $0xFFFF  }
0xdf: {  	_ =	shalt  }

</sc_bundles>
